<compile_context>
chip_gen: v7x
topology: tpu7x:2x2x1
jax: 0.10.2.dev20260603
libtpu: 0.0.44.dev20260713+nightly
codegen_flags: <defaults>
</compile_context>

<pallas_src>
import functools

import jax
import jax.numpy as jnp
from jax import lax
from jax.experimental import pallas as pl
from jax.experimental.pallas import tpu as pltpu
from jax.experimental.pallas import tpu_sc as plsc

VOCAB = 1000000
EMB = 64
B = 16384
CTX = 20

NC, NS = 2, 16
NW = NC * NS
EPW = B // NW
CB = 32
NCHUNK = EPW // CB
ROWS = CB * CTX
IDXW = 128
IDXROWS = ROWS // IDXW
NV = EMB // 16


def _log_sigmoid(x):
    e = jnp.exp(-jnp.abs(x))
    z = e / (e + 2.0)
    z2 = z * z
    p = 1.0 + z2 * ((1.0 / 3.0) + z2 * ((1.0 / 5.0) + z2 * ((1.0 / 7.0) + z2 * (1.0 / 9.0))))
    return jnp.minimum(x, 0.0) - 2.0 * z * p


def _cbow_body(pos_ctx, pos_vr, neg_ctx, neg_vr, u_emb, out,
               idx0_v, idx1_v, rows0_v, rows1_v, vr0_v, vr1_v,
               usum_v, dots_v, out_v, sem0, sem1):
    wid = lax.axis_index("s") * NC + lax.axis_index("c")
    idxb = (idx0_v, idx1_v)
    rowsb = (rows0_v, rows1_v)
    vrb = (vr0_v, vr1_v)
    sems = (sem0, sem1)

    def fire(ctx_hbm, vr_hbm, c, slot):
        base = wid * EPW + c * CB
        pltpu.sync_copy(ctx_hbm.at[pl.ds(base * CTX, ROWS)], idxb[slot])
        for j in range(IDXROWS):
            pltpu.async_copy(u_emb.at[idxb[slot].at[pl.ds(j * IDXW, IDXW)]],
                             rowsb[slot].at[pl.ds(j * IDXW, IDXW)], sems[slot])
        pltpu.async_copy(vr_hbm.at[pl.ds(base, CB), :], vrb[slot], sems[slot])

    def drain(slot):
        for j in range(IDXROWS):
            pltpu.make_async_copy(
                u_emb.at[idxb[slot].at[pl.ds(0, IDXW)]],
                rowsb[slot].at[pl.ds(0, IDXW)], sems[slot]).wait()
        pltpu.make_async_copy(
            pos_vr.at[pl.ds(0, CB), :], vrb[slot], sems[slot]).wait()

    def compute_side(slot, side):
        rows_v = rowsb[slot]
        vrows_v = vrb[slot]

        def elem_body(i, _):
            rbase = i * CTX
            for d in range(NV):
                acc = rows_v[rbase, pl.ds(d * 16, 16)]
                for j in range(1, CTX):
                    acc = acc + rows_v[rbase + j, pl.ds(d * 16, 16)]
                usum_v[i, pl.ds(d * 16, 16)] = acc
            return 0

        lax.fori_loop(0, CB, elem_body, 0)

        lanes = lax.iota(jnp.int32, 16)
        for g in range(CB // 16):
            idx_i = lanes + g * 16

            def dot_body(d, acc):
                dcol = jnp.full((16,), d, jnp.int32)
                u_d = plsc.load_gather(usum_v, [idx_i, dcol])
                v_d = plsc.load_gather(vrows_v, [idx_i, dcol])
                return acc + u_d * v_d

            dv = lax.fori_loop(0, EMB, dot_body, jnp.zeros((16,), jnp.float32))
            dots_v[side, pl.ds(g * 16, 16)] = dv

    fire(pos_ctx, pos_vr, 0, 0)

    def chunk_body(c, _):
        base = wid * EPW + c * CB
        fire(neg_ctx, neg_vr, c, 1)
        drain(0)
        compute_side(0, 0)

        @pl.when(c + 1 < NCHUNK)
        def _():
            fire(pos_ctx, pos_vr, c + 1, 0)

        drain(1)
        compute_side(1, 1)

        for g in range(CB // 16):
            dp = dots_v[0, pl.ds(g * 16, 16)]
            dn = dots_v[1, pl.ds(g * 16, 16)]
            out_v[pl.ds(g * 16, 16)] = -(_log_sigmoid(dp) + _log_sigmoid(-dn))
        pltpu.sync_copy(out_v, out.at[pl.ds(base, CB)])
        return 0

    lax.fori_loop(0, NCHUNK, chunk_body, 0)


def kernel(pos_context_word_ids, pos_target_word_id,
           neg_context_word_ids, neg_target_word_id, u_emb, v_emb):
    pos_ctx = pos_context_word_ids.reshape(B * CTX)
    neg_ctx = neg_context_word_ids.reshape(B * CTX)
    pos_vr = jnp.take(v_emb, pos_target_word_id.reshape(B), axis=0)
    neg_vr = jnp.take(v_emb, neg_target_word_id.reshape(B), axis=0)

    mesh = plsc.VectorSubcoreMesh(core_axis_name="c", subcore_axis_name="s")
    run = functools.partial(
        pl.kernel,
        mesh=mesh,
        compiler_params=pltpu.CompilerParams(
            needs_layout_passes=False, use_tc_tiling_on_sc=False),
        out_type=jax.ShapeDtypeStruct((B,), jnp.float32),
        scratch_types=[
            pltpu.VMEM((ROWS,), jnp.int32),
            pltpu.VMEM((ROWS,), jnp.int32),
            pltpu.VMEM((ROWS, EMB), jnp.float32),
            pltpu.VMEM((ROWS, EMB), jnp.float32),
            pltpu.VMEM((CB, EMB), jnp.float32),
            pltpu.VMEM((CB, EMB), jnp.float32),
            pltpu.VMEM((CB, EMB), jnp.float32),
            pltpu.VMEM((2, CB), jnp.float32),
            pltpu.VMEM((CB,), jnp.float32),
            pltpu.SemaphoreType.DMA,
            pltpu.SemaphoreType.DMA,
        ],
    )(_cbow_body)
    return run(pos_ctx, pos_vr, neg_ctx, neg_vr, u_emb)

# --- scband reference (transcript-rebuilt; emitter-appended) ---
"""Pipeline reference for scband-cbow-23029614641832 (READ-ONLY COPY).

The authoritative reference and input builder live on the scoring server;
editing this copy changes nothing except your own understanding.
"""

import jax, jax.numpy as jnp
import numpy as np

VOCAB = 1000000
EMB = 64
B = 16384
CTX = 20

def setup_inputs(seed: int = 0) -> dict:
    key = jax.random.key(seed)
    k1, k2, k3, k4, k5 = jax.random.split(key, 5)
    pos_context_word_ids = jax.random.randint(k1, (B, CTX), 0, VOCAB)
    pos_target_word_id = jax.random.randint(k2, (B, 1), 0, VOCAB)
    neg_context_word_ids = jax.random.randint(k3, (B, CTX), 0, VOCAB)
    neg_target_word_id = jax.random.randint(k4, (B, 1), 0, VOCAB)
    init_range = 0.5 / EMB
    u_emb = jax.random.uniform(k5, (VOCAB, EMB), dtype=jnp.float32, minval=-init_range, maxval=init_range)
    v_emb = jnp.zeros((VOCAB, EMB), dtype=jnp.float32)
    return {
        'pos_context_word_ids': pos_context_word_ids,
        'pos_target_word_id': pos_target_word_id,
        'neg_context_word_ids': neg_context_word_ids,
        'neg_target_word_id': neg_target_word_id,
        'u_emb': u_emb,
        'v_emb': v_emb,
    }

def reference(pos_context_word_ids, pos_target_word_id, neg_context_word_ids, neg_target_word_id, u_emb, v_emb):
    # positive pair
    pos_u_embed = jnp.sum(jnp.take(u_emb, pos_context_word_ids, axis=0), axis=1)  # [B, EMB]
    pos_v_embed = jnp.sum(jnp.take(v_emb, pos_target_word_id, axis=0), axis=1)    # [B, EMB]
    pos_score = jax.nn.log_sigmoid(jnp.sum(pos_u_embed * pos_v_embed, axis=1))    # [B]
    # negative pair
    neg_u_embed = jnp.sum(jnp.take(u_emb, neg_context_word_ids, axis=0), axis=1)
    neg_v_embed = jnp.sum(jnp.take(v_emb, neg_target_word_id, axis=0), axis=1)
    neg_score = jax.nn.log_sigmoid(-1.0 * jnp.sum(neg_u_embed * neg_v_embed, axis=1))
    return -1.0 * (pos_score + neg_score)

if __name__ == "__main__":
    import jax
    _d = setup_inputs()
    print(jax.jit(kernel)(*tuple(_d.values())))

</pallas_src>

<mosaic_0001>
#map = affine_map<(d0, d1) -> (0)>
#map1 = affine_map<(d0, d1) -> (0, 0)>
module attributes {stable_mosaic.version = 14 : i64} {
  func.func @_cbow_body(%arg0: i32, %arg1: i32, %arg2: memref<327680xi32, #tpu.memory_space<hbm>>, %arg3: memref<16384x64xf32, #tpu.memory_space<hbm>>, %arg4: memref<327680xi32, #tpu.memory_space<hbm>>, %arg5: memref<16384x64xf32, #tpu.memory_space<hbm>>, %arg6: memref<1000000x64xf32, #tpu.memory_space<hbm>>, %arg7: memref<16384xf32, #tpu.memory_space<hbm>>, %arg8: memref<640xi32, #tpu.memory_space<vmem>>, %arg9: memref<640xi32, #tpu.memory_space<vmem>>, %arg10: memref<640x64xf32, #tpu.memory_space<vmem>>, %arg11: memref<640x64xf32, #tpu.memory_space<vmem>>, %arg12: memref<32x64xf32, #tpu.memory_space<vmem>>, %arg13: memref<32x64xf32, #tpu.memory_space<vmem>>, %arg14: memref<32x64xf32, #tpu.memory_space<vmem>>, %arg15: memref<2x32xf32, #tpu.memory_space<vmem>>, %arg16: memref<32xf32, #tpu.memory_space<vmem>>, %arg17: memref<!tpu.dma_semaphore, #tpu.memory_space<semaphore_mem>>, %arg18: memref<!tpu.dma_semaphore, #tpu.memory_space<semaphore_mem>>) attributes {dimension_semantics = [#tpu.dimension_semantics<core_parallel>, #tpu.dimension_semantics<subcore_parallel>], iteration_bounds = array<i64: 2, 16>, scalar_prefetch = 0 : i64, scratch_operands = 11 : i64, tpu.core_type = #tpu.core_type<sc_vector_subcore>, window_params = [{transform_indices = #map}, {transform_indices = #map1}, {transform_indices = #map}, {transform_indices = #map1}, {transform_indices = #map1}, {transform_indices = #map}]} {
    %mul3A = arith.constant 2 : i32
    %mul3A_0 = arith.muli %arg1, %mul3A : i32
    %add3A = arith.addi %mul3A_0, %arg0 : i32
    %mul3A_1 = arith.constant 512 : i32
    %mul3A_2 = arith.muli %add3A, %mul3A_1 : i32
    %add3A_3 = arith.constant 0 : i32
    %add3A_4 = arith.addi %mul3A_2, %add3A_3 : i32
    %mul3A_5 = arith.constant 20 : i32
    %mul3A_6 = arith.muli %add3A_4, %mul3A_5 : i32
    "tpu.region"() ({
      %run_scoped3A = tpu.sem_alloc : memref<!tpu.dma_semaphore, #tpu.memory_space<semaphore_mem>>
      %dma_start3A_56 = tpu.memref_slice %arg2[%mul3A_6] : memref<327680xi32, #tpu.memory_space<hbm>> -> memref<640xi32, #tpu.memory_space<hbm>>
      %dma_start3A_57 = tpu.memref_slice %arg2[%mul3A_6] : memref<327680xi32, #tpu.memory_space<hbm>> -> memref<640xi32, #tpu.memory_space<hbm>>
      tpu.enqueue_dma source(%dma_start3A_57 : memref<640xi32, #tpu.memory_space<hbm>>) target(%arg8 : memref<640xi32, #tpu.memory_space<vmem>>) target_semaphore(%run_scoped3A : memref<!tpu.dma_semaphore, #tpu.memory_space<semaphore_mem>>)
      %dma_wait3A = tpu.memref_slice %arg2[%mul3A_6] : memref<327680xi32, #tpu.memory_space<hbm>> -> memref<640xi32, #tpu.memory_space<hbm>>
      %dma_wait3A_58 = tpu.memref_slice %arg2[%mul3A_6] : memref<327680xi32, #tpu.memory_space<hbm>> -> memref<640xi32, #tpu.memory_space<hbm>>
      tpu.wait_dma2 semaphore(%run_scoped3A : memref<!tpu.dma_semaphore, #tpu.memory_space<semaphore_mem>>) src(%dma_wait3A_58 : memref<640xi32, #tpu.memory_space<hbm>>) dst(%arg8 : memref<640xi32, #tpu.memory_space<vmem>>)
      tpu.yield
    }) : () -> ()
    %dma_start3A = arith.constant 0 : i32
    %dma_start3A_7 = arith.constant 0 : i32
    %dma_start3A_8 = tpu.memref_slice %arg10[%dma_start3A, %dma_start3A_7] : memref<640x64xf32, #tpu.memory_space<vmem>> -> memref<128x64xf32, #tpu.memory_space<vmem>>
    %dma_start3A_9 = arith.constant 0 : i32
    %dma_start3A_10 = tpu.memref_slice %arg8[%dma_start3A_9] : memref<640xi32, #tpu.memory_space<vmem>> -> memref<128xi32, #tpu.memory_space<vmem>>
    %dma_start3A_11 = arith.constant 0 : i32
    %dma_start3A_12 = arith.constant 0 : i32
    %dma_start3A_13 = tpu.memref_slice %arg6[%dma_start3A_11, %dma_start3A_12] : memref<1000000x64xf32, #tpu.memory_space<hbm>> -> memref<1000000x64xf32, #tpu.memory_space<hbm>>
    tpu.enqueue_indirect_dma source(%dma_start3A_13 : memref<1000000x64xf32, #tpu.memory_space<hbm>>) target(%dma_start3A_8 : memref<128x64xf32, #tpu.memory_space<vmem>>) offsets(%dma_start3A_10 : memref<128xi32, #tpu.memory_space<vmem>>) semaphore(%arg17 : memref<!tpu.dma_semaphore, #tpu.memory_space<semaphore_mem>>)
    %dma_start3A_14 = arith.constant 128 : i32
    %dma_start3A_15 = arith.constant 0 : i32
    %dma_start3A_16 = tpu.memref_slice %arg10[%dma_start3A_14, %dma_start3A_15] : memref<640x64xf32, #tpu.memory_space<vmem>> -> memref<128x64xf32, #tpu.memory_space<vmem>>
    %dma_start3A_17 = arith.constant 128 : i32
    %dma_start3A_18 = tpu.memref_slice %arg8[%dma_start3A_17] : memref<640xi32, #tpu.memory_space<vmem>> -> memref<128xi32, #tpu.memory_space<vmem>>
    %dma_start3A_19 = arith.constant 0 : i32
    %dma_start3A_20 = arith.constant 0 : i32
    %dma_start3A_21 = tpu.memref_slice %arg6[%dma_start3A_19, %dma_start3A_20] : memref<1000000x64xf32, #tpu.memory_space<hbm>> -> memref<1000000x64xf32, #tpu.memory_space<hbm>>
    tpu.enqueue_indirect_dma source(%dma_start3A_21 : memref<1000000x64xf32, #tpu.memory_space<hbm>>) target(%dma_start3A_16 : memref<128x64xf32, #tpu.memory_space<vmem>>) offsets(%dma_start3A_18 : memref<128xi32, #tpu.memory_space<vmem>>) semaphore(%arg17 : memref<!tpu.dma_semaphore, #tpu.memory_space<semaphore_mem>>)
    %dma_start3A_22 = arith.constant 256 : i32
    %dma_start3A_23 = arith.constant 0 : i32
    %dma_start3A_24 = tpu.memref_slice %arg10[%dma_start3A_22, %dma_start3A_23] : memref<640x64xf32, #tpu.memory_space<vmem>> -> memref<128x64xf32, #tpu.memory_space<vmem>>
    %dma_start3A_25 = arith.constant 256 : i32
    %dma_start3A_26 = tpu.memref_slice %arg8[%dma_start3A_25] : memref<640xi32, #tpu.memory_space<vmem>> -> memref<128xi32, #tpu.memory_space<vmem>>
    %dma_start3A_27 = arith.constant 0 : i32
    %dma_start3A_28 = arith.constant 0 : i32
    %dma_start3A_29 = tpu.memref_slice %arg6[%dma_start3A_27, %dma_start3A_28] : memref<1000000x64xf32, #tpu.memory_space<hbm>> -> memref<1000000x64xf32, #tpu.memory_space<hbm>>
    tpu.enqueue_indirect_dma source(%dma_start3A_29 : memref<1000000x64xf32, #tpu.memory_space<hbm>>) target(%dma_start3A_24 : memref<128x64xf32, #tpu.memory_space<vmem>>) offsets(%dma_start3A_26 : memref<128xi32, #tpu.memory_space<vmem>>) semaphore(%arg17 : memref<!tpu.dma_semaphore, #tpu.memory_space<semaphore_mem>>)
    %dma_start3A_30 = arith.constant 384 : i32
    %dma_start3A_31 = arith.constant 0 : i32
    %dma_start3A_32 = tpu.memref_slice %arg10[%dma_start3A_30, %dma_start3A_31] : memref<640x64xf32, #tpu.memory_space<vmem>> -> memref<128x64xf32, #tpu.memory_space<vmem>>
    %dma_start3A_33 = arith.constant 384 : i32
    %dma_start3A_34 = tpu.memref_slice %arg8[%dma_start3A_33] : memref<640xi32, #tpu.memory_space<vmem>> -> memref<128xi32, #tpu.memory_space<vmem>>
    %dma_start3A_35 = arith.constant 0 : i32
    %dma_start3A_36 = arith.constant 0 : i32
    %dma_start3A_37 = tpu.memref_slice %arg6[%dma_start3A_35, %dma_start3A_36] : memref<1000000x64xf32, #tpu.memory_space<hbm>> -> memref<1000000x64xf32, #tpu.memory_space<hbm>>
    tpu.enqueue_indirect_dma source(%dma_start3A_37 : memref<1000000x64xf32, #tpu.memory_space<hbm>>) target(%dma_start3A_32 : memref<128x64xf32, #tpu.memory_space<vmem>>) offsets(%dma_start3A_34 : memref<128xi32, #tpu.memory_space<vmem>>) semaphore(%arg17 : memref<!tpu.dma_semaphore, #tpu.memory_space<semaphore_mem>>)
    %dma_start3A_38 = arith.constant 512 : i32
    %dma_start3A_39 = arith.constant 0 : i32
    %dma_start3A_40 = tpu.memref_slice %arg10[%dma_start3A_38, %dma_start3A_39] : memref<640x64xf32, #tpu.memory_space<vmem>> -> memref<128x64xf32, #tpu.memory_space<vmem>>
    %dma_start3A_41 = arith.constant 512 : i32
    %dma_start3A_42 = tpu.memref_slice %arg8[%dma_start3A_41] : memref<640xi32, #tpu.memory_space<vmem>> -> memref<128xi32, #tpu.memory_space<vmem>>
    %dma_start3A_43 = arith.constant 0 : i32
    %dma_start3A_44 = arith.constant 0 : i32
    %dma_start3A_45 = tpu.memref_slice %arg6[%dma_start3A_43, %dma_start3A_44] : memref<1000000x64xf32, #tpu.memory_space<hbm>> -> memref<1000000x64xf32, #tpu.memory_space<hbm>>
    tpu.enqueue_indirect_dma source(%dma_start3A_45 : memref<1000000x64xf32, #tpu.memory_space<hbm>>) target(%dma_start3A_40 : memref<128x64xf32, #tpu.memory_space<vmem>>) offsets(%dma_start3A_42 : memref<128xi32, #tpu.memory_space<vmem>>) semaphore(%arg17 : memref<!tpu.dma_semaphore, #tpu.memory_space<semaphore_mem>>)
    %dma_start3A_46 = arith.constant 0 : i32
    %dma_start3A_47 = tpu.memref_slice %arg3[%add3A_4, %dma_start3A_46] : memref<16384x64xf32, #tpu.memory_space<hbm>> -> memref<32x64xf32, #tpu.memory_space<hbm>>
    %dma_start3A_48 = arith.constant 0 : i32
    %dma_start3A_49 = tpu.memref_slice %arg3[%add3A_4, %dma_start3A_48] : memref<16384x64xf32, #tpu.memory_space<hbm>> -> memref<32x64xf32, #tpu.memory_space<hbm>>
    tpu.enqueue_dma source(%dma_start3A_49 : memref<32x64xf32, #tpu.memory_space<hbm>>) target(%arg12 : memref<32x64xf32, #tpu.memory_space<vmem>>) target_semaphore(%arg17 : memref<!tpu.dma_semaphore, #tpu.memory_space<semaphore_mem>>)
    %scan3A = arith.constant 0 : i32
    %scan3A_50 = arith.constant 0 : i32
    %scan3A_51 = arith.constant 16 : i32
    %scan3A_52 = arith.addi %scan3A_50, %scan3A_51 : i32
    %scan3A_53 = arith.constant 1 : i32
    %scan3A_54 = scf.for %scan3A_56 = %scan3A_50 to %scan3A_52 step %scan3A_53 iter_args(%scan3A_57 = %scan3A) -> (i32)  : i32 {
      %mul3A_58 = arith.constant 512 : i32
      %mul3A_59 = arith.muli %add3A, %mul3A_58 : i32
      %mul3A_60 = arith.constant 32 : i32
      %mul3A_61 = arith.muli %scan3A_56, %mul3A_60 : i32
      %add3A_62 = arith.addi %mul3A_59, %mul3A_61 : i32
      %mul3A_63 = arith.constant 512 : i32
      %mul3A_64 = arith.muli %add3A, %mul3A_63 : i32
      %mul3A_65 = arith.constant 32 : i32
      %mul3A_66 = arith.muli %scan3A_56, %mul3A_65 : i32
      %add3A_67 = arith.addi %mul3A_64, %mul3A_66 : i32
      %mul3A_68 = arith.constant 20 : i32
      %mul3A_69 = arith.muli %add3A_67, %mul3A_68 : i32
      "tpu.region"() ({
        %run_scoped3A = tpu.sem_alloc : memref<!tpu.dma_semaphore, #tpu.memory_space<semaphore_mem>>
        %dma_start3A_454 = tpu.memref_slice %arg4[%mul3A_69] : memref<327680xi32, #tpu.memory_space<hbm>> -> memref<640xi32, #tpu.memory_space<hbm>>
        %dma_start3A_455 = tpu.memref_slice %arg4[%mul3A_69] : memref<327680xi32, #tpu.memory_space<hbm>> -> memref<640xi32, #tpu.memory_space<hbm>>
        tpu.enqueue_dma source(%dma_start3A_455 : memref<640xi32, #tpu.memory_space<hbm>>) target(%arg9 : memref<640xi32, #tpu.memory_space<vmem>>) target_semaphore(%run_scoped3A : memref<!tpu.dma_semaphore, #tpu.memory_space<semaphore_mem>>)
        %dma_wait3A_456 = tpu.memref_slice %arg4[%mul3A_69] : memref<327680xi32, #tpu.memory_space<hbm>> -> memref<640xi32, #tpu.memory_space<hbm>>
        %dma_wait3A_457 = tpu.memref_slice %arg4[%mul3A_69] : memref<327680xi32, #tpu.memory_space<hbm>> -> memref<640xi32, #tpu.memory_space<hbm>>
        tpu.wait_dma2 semaphore(%run_scoped3A : memref<!tpu.dma_semaphore, #tpu.memory_space<semaphore_mem>>) src(%dma_wait3A_457 : memref<640xi32, #tpu.memory_space<hbm>>) dst(%arg9 : memref<640xi32, #tpu.memory_space<vmem>>)
        tpu.yield
      }) : () -> ()
      %dma_start3A_70 = arith.constant 0 : i32
      %dma_start3A_71 = arith.constant 0 : i32
      %dma_start3A_72 = tpu.memref_slice %arg11[%dma_start3A_70, %dma_start3A_71] : memref<640x64xf32, #tpu.memory_space<vmem>> -> memref<128x64xf32, #tpu.memory_space<vmem>>
      %dma_start3A_73 = arith.constant 0 : i32
      %dma_start3A_74 = tpu.memref_slice %arg9[%dma_start3A_73] : memref<640xi32, #tpu.memory_space<vmem>> -> memref<128xi32, #tpu.memory_space<vmem>>
      %dma_start3A_75 = arith.constant 0 : i32
      %dma_start3A_76 = arith.constant 0 : i32
      %dma_start3A_77 = tpu.memref_slice %arg6[%dma_start3A_75, %dma_start3A_76] : memref<1000000x64xf32, #tpu.memory_space<hbm>> -> memref<1000000x64xf32, #tpu.memory_space<hbm>>
      tpu.enqueue_indirect_dma source(%dma_start3A_77 : memref<1000000x64xf32, #tpu.memory_space<hbm>>) target(%dma_start3A_72 : memref<128x64xf32, #tpu.memory_space<vmem>>) offsets(%dma_start3A_74 : memref<128xi32, #tpu.memory_space<vmem>>) semaphore(%arg18 : memref<!tpu.dma_semaphore, #tpu.memory_space<semaphore_mem>>)
      %dma_start3A_78 = arith.constant 128 : i32
      %dma_start3A_79 = arith.constant 0 : i32
      %dma_start3A_80 = tpu.memref_slice %arg11[%dma_start3A_78, %dma_start3A_79] : memref<640x64xf32, #tpu.memory_space<vmem>> -> memref<128x64xf32, #tpu.memory_space<vmem>>
      %dma_start3A_81 = arith.constant 128 : i32
      %dma_start3A_82 = tpu.memref_slice %arg9[%dma_start3A_81] : memref<640xi32, #tpu.memory_space<vmem>> -> memref<128xi32, #tpu.memory_space<vmem>>
      %dma_start3A_83 = arith.constant 0 : i32
      %dma_start3A_84 = arith.constant 0 : i32
      %dma_start3A_85 = tpu.memref_slice %arg6[%dma_start3A_83, %dma_start3A_84] : memref<1000000x64xf32, #tpu.memory_space<hbm>> -> memref<1000000x64xf32, #tpu.memory_space<hbm>>
      tpu.enqueue_indirect_dma source(%dma_start3A_85 : memref<1000000x64xf32, #tpu.memory_space<hbm>>) target(%dma_start3A_80 : memref<128x64xf32, #tpu.memory_space<vmem>>) offsets(%dma_start3A_82 : memref<128xi32, #tpu.memory_space<vmem>>) semaphore(%arg18 : memref<!tpu.dma_semaphore, #tpu.memory_space<semaphore_mem>>)
      %dma_start3A_86 = arith.constant 256 : i32
      %dma_start3A_87 = arith.constant 0 : i32
      %dma_start3A_88 = tpu.memref_slice %arg11[%dma_start3A_86, %dma_start3A_87] : memref<640x64xf32, #tpu.memory_space<vmem>> -> memref<128x64xf32, #tpu.memory_space<vmem>>
      %dma_start3A_89 = arith.constant 256 : i32
      %dma_start3A_90 = tpu.memref_slice %arg9[%dma_start3A_89] : memref<640xi32, #tpu.memory_space<vmem>> -> memref<128xi32, #tpu.memory_space<vmem>>
      %dma_start3A_91 = arith.constant 0 : i32
      %dma_start3A_92 = arith.constant 0 : i32
      %dma_start3A_93 = tpu.memref_slice %arg6[%dma_start3A_91, %dma_start3A_92] : memref<1000000x64xf32, #tpu.memory_space<hbm>> -> memref<1000000x64xf32, #tpu.memory_space<hbm>>
      tpu.enqueue_indirect_dma source(%dma_start3A_93 : memref<1000000x64xf32, #tpu.memory_space<hbm>>) target(%dma_start3A_88 : memref<128x64xf32, #tpu.memory_space<vmem>>) offsets(%dma_start3A_90 : memref<128xi32, #tpu.memory_space<vmem>>) semaphore(%arg18 : memref<!tpu.dma_semaphore, #tpu.memory_space<semaphore_mem>>)
      %dma_start3A_94 = arith.constant 384 : i32
      %dma_start3A_95 = arith.constant 0 : i32
      %dma_start3A_96 = tpu.memref_slice %arg11[%dma_start3A_94, %dma_start3A_95] : memref<640x64xf32, #tpu.memory_space<vmem>> -> memref<128x64xf32, #tpu.memory_space<vmem>>
      %dma_start3A_97 = arith.constant 384 : i32
      %dma_start3A_98 = tpu.memref_slice %arg9[%dma_start3A_97] : memref<640xi32, #tpu.memory_space<vmem>> -> memref<128xi32, #tpu.memory_space<vmem>>
      %dma_start3A_99 = arith.constant 0 : i32
      %dma_start3A_100 = arith.constant 0 : i32
      %dma_start3A_101 = tpu.memref_slice %arg6[%dma_start3A_99, %dma_start3A_100] : memref<1000000x64xf32, #tpu.memory_space<hbm>> -> memref<1000000x64xf32, #tpu.memory_space<hbm>>
      tpu.enqueue_indirect_dma source(%dma_start3A_101 : memref<1000000x64xf32, #tpu.memory_space<hbm>>) target(%dma_start3A_96 : memref<128x64xf32, #tpu.memory_space<vmem>>) offsets(%dma_start3A_98 : memref<128xi32, #tpu.memory_space<vmem>>) semaphore(%arg18 : memref<!tpu.dma_semaphore, #tpu.memory_space<semaphore_mem>>)
      %dma_start3A_102 = arith.constant 512 : i32
      %dma_start3A_103 = arith.constant 0 : i32
      %dma_start3A_104 = tpu.memref_slice %arg11[%dma_start3A_102, %dma_start3A_103] : memref<640x64xf32, #tpu.memory_space<vmem>> -> memref<128x64xf32, #tpu.memory_space<vmem>>
      %dma_start3A_105 = arith.constant 512 : i32
      %dma_start3A_106 = tpu.memref_slice %arg9[%dma_start3A_105] : memref<640xi32, #tpu.memory_space<vmem>> -> memref<128xi32, #tpu.memory_space<vmem>>
      %dma_start3A_107 = arith.constant 0 : i32
      %dma_start3A_108 = arith.constant 0 : i32
      %dma_start3A_109 = tpu.memref_slice %arg6[%dma_start3A_107, %dma_start3A_108] : memref<1000000x64xf32, #tpu.memory_space<hbm>> -> memref<1000000x64xf32, #tpu.memory_space<hbm>>
      tpu.enqueue_indirect_dma source(%dma_start3A_109 : memref<1000000x64xf32, #tpu.memory_space<hbm>>) target(%dma_start3A_104 : memref<128x64xf32, #tpu.memory_space<vmem>>) offsets(%dma_start3A_106 : memref<128xi32, #tpu.memory_space<vmem>>) semaphore(%arg18 : memref<!tpu.dma_semaphore, #tpu.memory_space<semaphore_mem>>)
      %dma_start3A_110 = arith.constant 0 : i32
      %dma_start3A_111 = tpu.memref_slice %arg5[%add3A_67, %dma_start3A_110] : memref<16384x64xf32, #tpu.memory_space<hbm>> -> memref<32x64xf32, #tpu.memory_space<hbm>>
      %dma_start3A_112 = arith.constant 0 : i32
      %dma_start3A_113 = tpu.memref_slice %arg5[%add3A_67, %dma_start3A_112] : memref<16384x64xf32, #tpu.memory_space<hbm>> -> memref<32x64xf32, #tpu.memory_space<hbm>>
      tpu.enqueue_dma source(%dma_start3A_113 : memref<32x64xf32, #tpu.memory_space<hbm>>) target(%arg13 : memref<32x64xf32, #tpu.memory_space<vmem>>) target_semaphore(%arg18 : memref<!tpu.dma_semaphore, #tpu.memory_space<semaphore_mem>>)
      %dma_wait3A = arith.constant 0 : i32
      %dma_wait3A_114 = arith.constant 0 : i32
      %dma_wait3A_115 = tpu.memref_slice %arg10[%dma_wait3A, %dma_wait3A_114] : memref<640x64xf32, #tpu.memory_space<vmem>> -> memref<128x64xf32, #tpu.memory_space<vmem>>
      %dma_wait3A_116 = arith.constant 0 : i32
      %dma_wait3A_117 = tpu.memref_slice %arg8[%dma_wait3A_116] : memref<640xi32, #tpu.memory_space<vmem>> -> memref<128xi32, #tpu.memory_space<vmem>>
      %dma_wait3A_118 = arith.constant 0 : i32
      %dma_wait3A_119 = arith.constant 0 : i32
      %dma_wait3A_120 = tpu.memref_slice %arg6[%dma_wait3A_118, %dma_wait3A_119] : memref<1000000x64xf32, #tpu.memory_space<hbm>> -> memref<1000000x64xf32, #tpu.memory_space<hbm>>
      tpu.wait_indirect_dma semaphore(%arg17 : memref<!tpu.dma_semaphore, #tpu.memory_space<semaphore_mem>>) src(%dma_wait3A_120 : memref<1000000x64xf32, #tpu.memory_space<hbm>>) dst(%dma_wait3A_115 : memref<128x64xf32, #tpu.memory_space<vmem>>)
      %dma_wait3A_121 = arith.constant 0 : i32
      %dma_wait3A_122 = arith.constant 0 : i32
      %dma_wait3A_123 = tpu.memref_slice %arg10[%dma_wait3A_121, %dma_wait3A_122] : memref<640x64xf32, #tpu.memory_space<vmem>> -> memref<128x64xf32, #tpu.memory_space<vmem>>
      %dma_wait3A_124 = arith.constant 0 : i32
      %dma_wait3A_125 = tpu.memref_slice %arg8[%dma_wait3A_124] : memref<640xi32, #tpu.memory_space<vmem>> -> memref<128xi32, #tpu.memory_space<vmem>>
      %dma_wait3A_126 = arith.constant 0 : i32
      %dma_wait3A_127 = arith.constant 0 : i32
      %dma_wait3A_128 = tpu.memref_slice %arg6[%dma_wait3A_126, %dma_wait3A_127] : memref<1000000x64xf32, #tpu.memory_space<hbm>> -> memref<1000000x64xf32, #tpu.memory_space<hbm>>
      tpu.wait_indirect_dma semaphore(%arg17 : memref<!tpu.dma_semaphore, #tpu.memory_space<semaphore_mem>>) src(%dma_wait3A_128 : memref<1000000x64xf32, #tpu.memory_space<hbm>>) dst(%dma_wait3A_123 : memref<128x64xf32, #tpu.memory_space<vmem>>)
      %dma_wait3A_129 = arith.constant 0 : i32
      %dma_wait3A_130 = arith.constant 0 : i32
      %dma_wait3A_131 = tpu.memref_slice %arg10[%dma_wait3A_129, %dma_wait3A_130] : memref<640x64xf32, #tpu.memory_space<vmem>> -> memref<128x64xf32, #tpu.memory_space<vmem>>
      %dma_wait3A_132 = arith.constant 0 : i32
      %dma_wait3A_133 = tpu.memref_slice %arg8[%dma_wait3A_132] : memref<640xi32, #tpu.memory_space<vmem>> -> memref<128xi32, #tpu.memory_space<vmem>>
      %dma_wait3A_134 = arith.constant 0 : i32
      %dma_wait3A_135 = arith.constant 0 : i32
      %dma_wait3A_136 = tpu.memref_slice %arg6[%dma_wait3A_134, %dma_wait3A_135] : memref<1000000x64xf32, #tpu.memory_space<hbm>> -> memref<1000000x64xf32, #tpu.memory_space<hbm>>
      tpu.wait_indirect_dma semaphore(%arg17 : memref<!tpu.dma_semaphore, #tpu.memory_space<semaphore_mem>>) src(%dma_wait3A_136 : memref<1000000x64xf32, #tpu.memory_space<hbm>>) dst(%dma_wait3A_131 : memref<128x64xf32, #tpu.memory_space<vmem>>)
      %dma_wait3A_137 = arith.constant 0 : i32
      %dma_wait3A_138 = arith.constant 0 : i32
      %dma_wait3A_139 = tpu.memref_slice %arg10[%dma_wait3A_137, %dma_wait3A_138] : memref<640x64xf32, #tpu.memory_space<vmem>> -> memref<128x64xf32, #tpu.memory_space<vmem>>
      %dma_wait3A_140 = arith.constant 0 : i32
      %dma_wait3A_141 = tpu.memref_slice %arg8[%dma_wait3A_140] : memref<640xi32, #tpu.memory_space<vmem>> -> memref<128xi32, #tpu.memory_space<vmem>>
      %dma_wait3A_142 = arith.constant 0 : i32
      %dma_wait3A_143 = arith.constant 0 : i32
      %dma_wait3A_144 = tpu.memref_slice %arg6[%dma_wait3A_142, %dma_wait3A_143] : memref<1000000x64xf32, #tpu.memory_space<hbm>> -> memref<1000000x64xf32, #tpu.memory_space<hbm>>
      tpu.wait_indirect_dma semaphore(%arg17 : memref<!tpu.dma_semaphore, #tpu.memory_space<semaphore_mem>>) src(%dma_wait3A_144 : memref<1000000x64xf32, #tpu.memory_space<hbm>>) dst(%dma_wait3A_139 : memref<128x64xf32, #tpu.memory_space<vmem>>)
      %dma_wait3A_145 = arith.constant 0 : i32
      %dma_wait3A_146 = arith.constant 0 : i32
      %dma_wait3A_147 = tpu.memref_slice %arg10[%dma_wait3A_145, %dma_wait3A_146] : memref<640x64xf32, #tpu.memory_space<vmem>> -> memref<128x64xf32, #tpu.memory_space<vmem>>
      %dma_wait3A_148 = arith.constant 0 : i32
      %dma_wait3A_149 = tpu.memref_slice %arg8[%dma_wait3A_148] : memref<640xi32, #tpu.memory_space<vmem>> -> memref<128xi32, #tpu.memory_space<vmem>>
      %dma_wait3A_150 = arith.constant 0 : i32
      %dma_wait3A_151 = arith.constant 0 : i32
      %dma_wait3A_152 = tpu.memref_slice %arg6[%dma_wait3A_150, %dma_wait3A_151] : memref<1000000x64xf32, #tpu.memory_space<hbm>> -> memref<1000000x64xf32, #tpu.memory_space<hbm>>
      tpu.wait_indirect_dma semaphore(%arg17 : memref<!tpu.dma_semaphore, #tpu.memory_space<semaphore_mem>>) src(%dma_wait3A_152 : memref<1000000x64xf32, #tpu.memory_space<hbm>>) dst(%dma_wait3A_147 : memref<128x64xf32, #tpu.memory_space<vmem>>)
      %dma_wait3A_153 = arith.constant 0 : i32
      %dma_wait3A_154 = arith.constant 0 : i32
      %dma_wait3A_155 = tpu.memref_slice %arg3[%dma_wait3A_153, %dma_wait3A_154] : memref<16384x64xf32, #tpu.memory_space<hbm>> -> memref<32x64xf32, #tpu.memory_space<hbm>>
      %dma_wait3A_156 = arith.constant 0 : i32
      %dma_wait3A_157 = arith.constant 0 : i32
      %dma_wait3A_158 = tpu.memref_slice %arg3[%dma_wait3A_156, %dma_wait3A_157] : memref<16384x64xf32, #tpu.memory_space<hbm>> -> memref<32x64xf32, #tpu.memory_space<hbm>>
      tpu.wait_dma2 semaphore(%arg17 : memref<!tpu.dma_semaphore, #tpu.memory_space<semaphore_mem>>) src(%dma_wait3A_158 : memref<32x64xf32, #tpu.memory_space<hbm>>) dst(%arg12 : memref<32x64xf32, #tpu.memory_space<vmem>>)
      %scan3A_159 = arith.constant 0 : i32
      %scan3A_160 = arith.constant 0 : i32
      %scan3A_161 = arith.constant 32 : i32
      %scan3A_162 = arith.addi %scan3A_160, %scan3A_161 : i32
      %scan3A_163 = arith.constant 1 : i32
      %scan3A_164 = scf.for %scan3A_454 = %scan3A_160 to %scan3A_162 step %scan3A_163 iter_args(%scan3A_455 = %scan3A_159) -> (i32)  : i32 {
        %mul3A_456 = arith.constant 20 : i32
        %mul3A_457 = arith.muli %scan3A_454, %mul3A_456 : i32
        %get3A_458 = arith.index_cast %mul3A_457 : i32 to index
        %get3A_459 = arith.constant 0 : index
        %get3A_460 = tpu.vector_load %arg10[%get3A_458, %get3A_459] {strides = array<i32>} : memref<640x64xf32, #tpu.memory_space<vmem>>, vector<16xf32>,
        %add3A_461 = arith.constant 1 : i32
        %add3A_462 = arith.addi %mul3A_457, %add3A_461 : i32
        %get3A_463 = arith.index_cast %add3A_462 : i32 to index
        %get3A_464 = arith.constant 0 : index
        %get3A_465 = tpu.vector_load %arg10[%get3A_463, %get3A_464] {strides = array<i32>} : memref<640x64xf32, #tpu.memory_space<vmem>>, vector<16xf32>,
        %add3A_466 = arith.addf %get3A_460, %get3A_465 : vector<16xf32>
        %add3A_467 = arith.constant 2 : i32
        %add3A_468 = arith.addi %mul3A_457, %add3A_467 : i32
        %get3A_469 = arith.index_cast %add3A_468 : i32 to index
        %get3A_470 = arith.constant 0 : index
        %get3A_471 = tpu.vector_load %arg10[%get3A_469, %get3A_470] {strides = array<i32>} : memref<640x64xf32, #tpu.memory_space<vmem>>, vector<16xf32>,
        %add3A_472 = arith.addf %add3A_466, %get3A_471 : vector<16xf32>
        %add3A_473 = arith.constant 3 : i32
        %add3A_474 = arith.addi %mul3A_457, %add3A_473 : i32
        %get3A_475 = arith.index_cast %add3A_474 : i32 to index
        %get3A_476 = arith.constant 0 : index
        %get3A_477 = tpu.vector_load %arg10[%get3A_475, %get3A_476] {strides = array<i32>} : memref<640x64xf32, #tpu.memory_space<vmem>>, vector<16xf32>,
        %add3A_478 = arith.addf %add3A_472, %get3A_477 : vector<16xf32>
        %add3A_479 = arith.constant 4 : i32
        %add3A_480 = arith.addi %mul3A_457, %add3A_479 : i32
        %get3A_481 = arith.index_cast %add3A_480 : i32 to index
        %get3A_482 = arith.constant 0 : index
        %get3A_483 = tpu.vector_load %arg10[%get3A_481, %get3A_482] {strides = array<i32>} : memref<640x64xf32, #tpu.memory_space<vmem>>, vector<16xf32>,
        %add3A_484 = arith.addf %add3A_478, %get3A_483 : vector<16xf32>
        %add3A_485 = arith.constant 5 : i32
        %add3A_486 = arith.addi %mul3A_457, %add3A_485 : i32
        %get3A_487 = arith.index_cast %add3A_486 : i32 to index
        %get3A_488 = arith.constant 0 : index
        %get3A_489 = tpu.vector_load %arg10[%get3A_487, %get3A_488] {strides = array<i32>} : memref<640x64xf32, #tpu.memory_space<vmem>>, vector<16xf32>,
        %add3A_490 = arith.addf %add3A_484, %get3A_489 : vector<16xf32>
        %add3A_491 = arith.constant 6 : i32
        %add3A_492 = arith.addi %mul3A_457, %add3A_491 : i32
        %get3A_493 = arith.index_cast %add3A_492 : i32 to index
        %get3A_494 = arith.constant 0 : index
        %get3A_495 = tpu.vector_load %arg10[%get3A_493, %get3A_494] {strides = array<i32>} : memref<640x64xf32, #tpu.memory_space<vmem>>, vector<16xf32>,
        %add3A_496 = arith.addf %add3A_490, %get3A_495 : vector<16xf32>
        %add3A_497 = arith.constant 7 : i32
        %add3A_498 = arith.addi %mul3A_457, %add3A_497 : i32
        %get3A_499 = arith.index_cast %add3A_498 : i32 to index
        %get3A_500 = arith.constant 0 : index
        %get3A_501 = tpu.vector_load %arg10[%get3A_499, %get3A_500] {strides = array<i32>} : memref<640x64xf32, #tpu.memory_space<vmem>>, vector<16xf32>,
        %add3A_502 = arith.addf %add3A_496, %get3A_501 : vector<16xf32>
        %add3A_503 = arith.constant 8 : i32
        %add3A_504 = arith.addi %mul3A_457, %add3A_503 : i32
        %get3A_505 = arith.index_cast %add3A_504 : i32 to index
        %get3A_506 = arith.constant 0 : index
        %get3A_507 = tpu.vector_load %arg10[%get3A_505, %get3A_506] {strides = array<i32>} : memref<640x64xf32, #tpu.memory_space<vmem>>, vector<16xf32>,
        %add3A_508 = arith.addf %add3A_502, %get3A_507 : vector<16xf32>
        %add3A_509 = arith.constant 9 : i32
        %add3A_510 = arith.addi %mul3A_457, %add3A_509 : i32
        %get3A_511 = arith.index_cast %add3A_510 : i32 to index
        %get3A_512 = arith.constant 0 : index
        %get3A_513 = tpu.vector_load %arg10[%get3A_511, %get3A_512] {strides = array<i32>} : memref<640x64xf32, #tpu.memory_space<vmem>>, vector<16xf32>,
        %add3A_514 = arith.addf %add3A_508, %get3A_513 : vector<16xf32>
        %add3A_515 = arith.constant 10 : i32
        %add3A_516 = arith.addi %mul3A_457, %add3A_515 : i32
        %get3A_517 = arith.index_cast %add3A_516 : i32 to index
        %get3A_518 = arith.constant 0 : index
        %get3A_519 = tpu.vector_load %arg10[%get3A_517, %get3A_518] {strides = array<i32>} : memref<640x64xf32, #tpu.memory_space<vmem>>, vector<16xf32>,
        %add3A_520 = arith.addf %add3A_514, %get3A_519 : vector<16xf32>
        %add3A_521 = arith.constant 11 : i32
        %add3A_522 = arith.addi %mul3A_457, %add3A_521 : i32
        %get3A_523 = arith.index_cast %add3A_522 : i32 to index
        %get3A_524 = arith.constant 0 : index
        %get3A_525 = tpu.vector_load %arg10[%get3A_523, %get3A_524] {strides = array<i32>} : memref<640x64xf32, #tpu.memory_space<vmem>>, vector<16xf32>,
        %add3A_526 = arith.addf %add3A_520, %get3A_525 : vector<16xf32>
        %add3A_527 = arith.constant 12 : i32
        %add3A_528 = arith.addi %mul3A_457, %add3A_527 : i32
        %get3A_529 = arith.index_cast %add3A_528 : i32 to index
        %get3A_530 = arith.constant 0 : index
        %get3A_531 = tpu.vector_load %arg10[%get3A_529, %get3A_530] {strides = array<i32>} : memref<640x64xf32, #tpu.memory_space<vmem>>, vector<16xf32>,
        %add3A_532 = arith.addf %add3A_526, %get3A_531 : vector<16xf32>
        %add3A_533 = arith.constant 13 : i32
        %add3A_534 = arith.addi %mul3A_457, %add3A_533 : i32
        %get3A_535 = arith.index_cast %add3A_534 : i32 to index
        %get3A_536 = arith.constant 0 : index
        %get3A_537 = tpu.vector_load %arg10[%get3A_535, %get3A_536] {strides = array<i32>} : memref<640x64xf32, #tpu.memory_space<vmem>>, vector<16xf32>,
        %add3A_538 = arith.addf %add3A_532, %get3A_537 : vector<16xf32>
        %add3A_539 = arith.constant 14 : i32
        %add3A_540 = arith.addi %mul3A_457, %add3A_539 : i32
        %get3A_541 = arith.index_cast %add3A_540 : i32 to index
        %get3A_542 = arith.constant 0 : index
        %get3A_543 = tpu.vector_load %arg10[%get3A_541, %get3A_542] {strides = array<i32>} : memref<640x64xf32, #tpu.memory_space<vmem>>, vector<16xf32>,
        %add3A_544 = arith.addf %add3A_538, %get3A_543 : vector<16xf32>
        %add3A_545 = arith.constant 15 : i32
        %add3A_546 = arith.addi %mul3A_457, %add3A_545 : i32
        %get3A_547 = arith.index_cast %add3A_546 : i32 to index
        %get3A_548 = arith.constant 0 : index
        %get3A_549 = tpu.vector_load %arg10[%get3A_547, %get3A_548] {strides = array<i32>} : memref<640x64xf32, #tpu.memory_space<vmem>>, vector<16xf32>,
        %add3A_550 = arith.addf %add3A_544, %get3A_549 : vector<16xf32>
        %add3A_551 = arith.constant 16 : i32
        %add3A_552 = arith.addi %mul3A_457, %add3A_551 : i32
        %get3A_553 = arith.index_cast %add3A_552 : i32 to index
        %get3A_554 = arith.constant 0 : index
        %get3A_555 = tpu.vector_load %arg10[%get3A_553, %get3A_554] {strides = array<i32>} : memref<640x64xf32, #tpu.memory_space<vmem>>, vector<16xf32>,
        %add3A_556 = arith.addf %add3A_550, %get3A_555 : vector<16xf32>
        %add3A_557 = arith.constant 17 : i32
        %add3A_558 = arith.addi %mul3A_457, %add3A_557 : i32
        %get3A_559 = arith.index_cast %add3A_558 : i32 to index
        %get3A_560 = arith.constant 0 : index
        %get3A_561 = tpu.vector_load %arg10[%get3A_559, %get3A_560] {strides = array<i32>} : memref<640x64xf32, #tpu.memory_space<vmem>>, vector<16xf32>,
        %add3A_562 = arith.addf %add3A_556, %get3A_561 : vector<16xf32>
        %add3A_563 = arith.constant 18 : i32
        %add3A_564 = arith.addi %mul3A_457, %add3A_563 : i32
        %get3A_565 = arith.index_cast %add3A_564 : i32 to index
        %get3A_566 = arith.constant 0 : index
        %get3A_567 = tpu.vector_load %arg10[%get3A_565, %get3A_566] {strides = array<i32>} : memref<640x64xf32, #tpu.memory_space<vmem>>, vector<16xf32>,
        %add3A_568 = arith.addf %add3A_562, %get3A_567 : vector<16xf32>
        %add3A_569 = arith.constant 19 : i32
        %add3A_570 = arith.addi %mul3A_457, %add3A_569 : i32
        %get3A_571 = arith.index_cast %add3A_570 : i32 to index
        %get3A_572 = arith.constant 0 : index
        %get3A_573 = tpu.vector_load %arg10[%get3A_571, %get3A_572] {strides = array<i32>} : memref<640x64xf32, #tpu.memory_space<vmem>>, vector<16xf32>,
        %add3A_574 = arith.addf %add3A_568, %get3A_573 : vector<16xf32>
        %swap3A_575 = arith.index_cast %scan3A_454 : i32 to index
        %swap3A_576 = arith.constant 0 : index
        %swap3A_577 = tpu.vector_load %arg14[%swap3A_575, %swap3A_576] {strides = array<i32>} : memref<32x64xf32, #tpu.memory_space<vmem>>, vector<16xf32>,
        tpu.vector_store %arg14[%swap3A_575, %swap3A_576], %add3A_574 {strides = array<i32>} : memref<32x64xf32, #tpu.memory_space<vmem>>, vector<16xf32>,
        %get3A_578 = arith.index_cast %mul3A_457 : i32 to index
        %get3A_579 = arith.constant 16 : index
        %get3A_580 = tpu.vector_load %arg10[%get3A_578, %get3A_579] {strides = array<i32>} : memref<640x64xf32, #tpu.memory_space<vmem>>, vector<16xf32>,
        %add3A_581 = arith.constant 1 : i32
        %add3A_582 = arith.addi %mul3A_457, %add3A_581 : i32
        %get3A_583 = arith.index_cast %add3A_582 : i32 to index
        %get3A_584 = arith.constant 16 : index
        %get3A_585 = tpu.vector_load %arg10[%get3A_583, %get3A_584] {strides = array<i32>} : memref<640x64xf32, #tpu.memory_space<vmem>>, vector<16xf32>,
        %add3A_586 = arith.addf %get3A_580, %get3A_585 : vector<16xf32>
        %add3A_587 = arith.constant 2 : i32
        %add3A_588 = arith.addi %mul3A_457, %add3A_587 : i32
        %get3A_589 = arith.index_cast %add3A_588 : i32 to index
        %get3A_590 = arith.constant 16 : index
        %get3A_591 = tpu.vector_load %arg10[%get3A_589, %get3A_590] {strides = array<i32>} : memref<640x64xf32, #tpu.memory_space<vmem>>, vector<16xf32>,
        %add3A_592 = arith.addf %add3A_586, %get3A_591 : vector<16xf32>
        %add3A_593 = arith.constant 3 : i32
        %add3A_594 = arith.addi %mul3A_457, %add3A_593 : i32
        %get3A_595 = arith.index_cast %add3A_594 : i32 to index
        %get3A_596 = arith.constant 16 : index
        %get3A_597 = tpu.vector_load %arg10[%get3A_595, %get3A_596] {strides = array<i32>} : memref<640x64xf32, #tpu.memory_space<vmem>>, vector<16xf32>,
        %add3A_598 = arith.addf %add3A_592, %get3A_597 : vector<16xf32>
        %add3A_599 = arith.constant 4 : i32
        %add3A_600 = arith.addi %mul3A_457, %add3A_599 : i32
        %get3A_601 = arith.index_cast %add3A_600 : i32 to index
        %get3A_602 = arith.constant 16 : index
        %get3A_603 = tpu.vector_load %arg10[%get3A_601, %get3A_602] {strides = array<i32>} : memref<640x64xf32, #tpu.memory_space<vmem>>, vector<16xf32>,
        %add3A_604 = arith.addf %add3A_598, %get3A_603 : vector<16xf32>
        %add3A_605 = arith.constant 5 : i32
        %add3A_606 = arith.addi %mul3A_457, %add3A_605 : i32
        %get3A_607 = arith.index_cast %add3A_606 : i32 to index
        %get3A_608 = arith.constant 16 : index
        %get3A_609 = tpu.vector_load %arg10[%get3A_607, %get3A_608] {strides = array<i32>} : memref<640x64xf32, #tpu.memory_space<vmem>>, vector<16xf32>,
        %add3A_610 = arith.addf %add3A_604, %get3A_609 : vector<16xf32>
        %add3A_611 = arith.constant 6 : i32
        %add3A_612 = arith.addi %mul3A_457, %add3A_611 : i32
        %get3A_613 = arith.index_cast %add3A_612 : i32 to index
        %get3A_614 = arith.constant 16 : index
        %get3A_615 = tpu.vector_load %arg10[%get3A_613, %get3A_614] {strides = array<i32>} : memref<640x64xf32, #tpu.memory_space<vmem>>, vector<16xf32>,
        %add3A_616 = arith.addf %add3A_610, %get3A_615 : vector<16xf32>
        %add3A_617 = arith.constant 7 : i32
        %add3A_618 = arith.addi %mul3A_457, %add3A_617 : i32
        %get3A_619 = arith.index_cast %add3A_618 : i32 to index
        %get3A_620 = arith.constant 16 : index
        %get3A_621 = tpu.vector_load %arg10[%get3A_619, %get3A_620] {strides = array<i32>} : memref<640x64xf32, #tpu.memory_space<vmem>>, vector<16xf32>,
        %add3A_622 = arith.addf %add3A_616, %get3A_621 : vector<16xf32>
        %add3A_623 = arith.constant 8 : i32
        %add3A_624 = arith.addi %mul3A_457, %add3A_623 : i32
        %get3A_625 = arith.index_cast %add3A_624 : i32 to index
        %get3A_626 = arith.constant 16 : index
        %get3A_627 = tpu.vector_load %arg10[%get3A_625, %get3A_626] {strides = array<i32>} : memref<640x64xf32, #tpu.memory_space<vmem>>, vector<16xf32>,
        %add3A_628 = arith.addf %add3A_622, %get3A_627 : vector<16xf32>
        %add3A_629 = arith.constant 9 : i32
        %add3A_630 = arith.addi %mul3A_457, %add3A_629 : i32
        %get3A_631 = arith.index_cast %add3A_630 : i32 to index
        %get3A_632 = arith.constant 16 : index
        %get3A_633 = tpu.vector_load %arg10[%get3A_631, %get3A_632] {strides = array<i32>} : memref<640x64xf32, #tpu.memory_space<vmem>>, vector<16xf32>,
        %add3A_634 = arith.addf %add3A_628, %get3A_633 : vector<16xf32>
        %add3A_635 = arith.constant 10 : i32
        %add3A_636 = arith.addi %mul3A_457, %add3A_635 : i32
        %get3A_637 = arith.index_cast %add3A_636 : i32 to index
        %get3A_638 = arith.constant 16 : index
        %get3A_639 = tpu.vector_load %arg10[%get3A_637, %get3A_638] {strides = array<i32>} : memref<640x64xf32, #tpu.memory_space<vmem>>, vector<16xf32>,
        %add3A_640 = arith.addf %add3A_634, %get3A_639 : vector<16xf32>
        %add3A_641 = arith.constant 11 : i32
        %add3A_642 = arith.addi %mul3A_457, %add3A_641 : i32
        %get3A_643 = arith.index_cast %add3A_642 : i32 to index
        %get3A_644 = arith.constant 16 : index
        %get3A_645 = tpu.vector_load %arg10[%get3A_643, %get3A_644] {strides = array<i32>} : memref<640x64xf32, #tpu.memory_space<vmem>>, vector<16xf32>,
        %add3A_646 = arith.addf %add3A_640, %get3A_645 : vector<16xf32>
        %add3A_647 = arith.constant 12 : i32
        %add3A_648 = arith.addi %mul3A_457, %add3A_647 : i32
        %get3A_649 = arith.index_cast %add3A_648 : i32 to index
        %get3A_650 = arith.constant 16 : index
        %get3A_651 = tpu.vector_load %arg10[%get3A_649, %get3A_650] {strides = array<i32>} : memref<640x64xf32, #tpu.memory_space<vmem>>, vector<16xf32>,
        %add3A_652 = arith.addf %add3A_646, %get3A_651 : vector<16xf32>
        %add3A_653 = arith.constant 13 : i32
        %add3A_654 = arith.addi %mul3A_457, %add3A_653 : i32
        %get3A_655 = arith.index_cast %add3A_654 : i32 to index
        %get3A_656 = arith.constant 16 : index
        %get3A_657 = tpu.vector_load %arg10[%get3A_655, %get3A_656] {strides = array<i32>} : memref<640x64xf32, #tpu.memory_space<vmem>>, vector<16xf32>,
        %add3A_658 = arith.addf %add3A_652, %get3A_657 : vector<16xf32>
        %add3A_659 = arith.constant 14 : i32
        %add3A_660 = arith.addi %mul3A_457, %add3A_659 : i32
        %get3A_661 = arith.index_cast %add3A_660 : i32 to index
        %get3A_662 = arith.constant 16 : index
        %get3A_663 = tpu.vector_load %arg10[%get3A_661, %get3A_662] {strides = array<i32>} : memref<640x64xf32, #tpu.memory_space<vmem>>, vector<16xf32>,
        %add3A_664 = arith.addf %add3A_658, %get3A_663 : vector<16xf32>
        %add3A_665 = arith.constant 15 : i32
        %add3A_666 = arith.addi %mul3A_457, %add3A_665 : i32
        %get3A_667 = arith.index_cast %add3A_666 : i32 to index
        %get3A_668 = arith.constant 16 : index
        %get3A_669 = tpu.vector_load %arg10[%get3A_667, %get3A_668] {strides = array<i32>} : memref<640x64xf32, #tpu.memory_space<vmem>>, vector<16xf32>,
        %add3A_670 = arith.addf %add3A_664, %get3A_669 : vector<16xf32>
        %add3A_671 = arith.constant 16 : i32
        %add3A_672 = arith.addi %mul3A_457, %add3A_671 : i32
        %get3A_673 = arith.index_cast %add3A_672 : i32 to index
        %get3A_674 = arith.constant 16 : index
        %get3A_675 = tpu.vector_load %arg10[%get3A_673, %get3A_674] {strides = array<i32>} : memref<640x64xf32, #tpu.memory_space<vmem>>, vector<16xf32>,
        %add3A_676 = arith.addf %add3A_670, %get3A_675 : vector<16xf32>
        %add3A_677 = arith.constant 17 : i32
        %add3A_678 = arith.addi %mul3A_457, %add3A_677 : i32
        %get3A_679 = arith.index_cast %add3A_678 : i32 to index
        %get3A_680 = arith.constant 16 : index
        %get3A_681 = tpu.vector_load %arg10[%get3A_679, %get3A_680] {strides = array<i32>} : memref<640x64xf32, #tpu.memory_space<vmem>>, vector<16xf32>,
        %add3A_682 = arith.addf %add3A_676, %get3A_681 : vector<16xf32>
        %add3A_683 = arith.constant 18 : i32
        %add3A_684 = arith.addi %mul3A_457, %add3A_683 : i32
        %get3A_685 = arith.index_cast %add3A_684 : i32 to index
        %get3A_686 = arith.constant 16 : index
        %get3A_687 = tpu.vector_load %arg10[%get3A_685, %get3A_686] {strides = array<i32>} : memref<640x64xf32, #tpu.memory_space<vmem>>, vector<16xf32>,
        %add3A_688 = arith.addf %add3A_682, %get3A_687 : vector<16xf32>
        %add3A_689 = arith.constant 19 : i32
        %add3A_690 = arith.addi %mul3A_457, %add3A_689 : i32
        %get3A_691 = arith.index_cast %add3A_690 : i32 to index
        %get3A_692 = arith.constant 16 : index
        %get3A_693 = tpu.vector_load %arg10[%get3A_691, %get3A_692] {strides = array<i32>} : memref<640x64xf32, #tpu.memory_space<vmem>>, vector<16xf32>,
        %add3A_694 = arith.addf %add3A_688, %get3A_693 : vector<16xf32>
        %swap3A_695 = arith.index_cast %scan3A_454 : i32 to index
        %swap3A_696 = arith.constant 16 : index
        %swap3A_697 = tpu.vector_load %arg14[%swap3A_695, %swap3A_696] {strides = array<i32>} : memref<32x64xf32, #tpu.memory_space<vmem>>, vector<16xf32>,
        tpu.vector_store %arg14[%swap3A_695, %swap3A_696], %add3A_694 {strides = array<i32>} : memref<32x64xf32, #tpu.memory_space<vmem>>, vector<16xf32>,
        %get3A_698 = arith.index_cast %mul3A_457 : i32 to index
        %get3A_699 = arith.constant 32 : index
        %get3A_700 = tpu.vector_load %arg10[%get3A_698, %get3A_699] {strides = array<i32>} : memref<640x64xf32, #tpu.memory_space<vmem>>, vector<16xf32>,
        %add3A_701 = arith.constant 1 : i32
        %add3A_702 = arith.addi %mul3A_457, %add3A_701 : i32
        %get3A_703 = arith.index_cast %add3A_702 : i32 to index
        %get3A_704 = arith.constant 32 : index
        %get3A_705 = tpu.vector_load %arg10[%get3A_703, %get3A_704] {strides = array<i32>} : memref<640x64xf32, #tpu.memory_space<vmem>>, vector<16xf32>,
        %add3A_706 = arith.addf %get3A_700, %get3A_705 : vector<16xf32>
        %add3A_707 = arith.constant 2 : i32
        %add3A_708 = arith.addi %mul3A_457, %add3A_707 : i32
        %get3A_709 = arith.index_cast %add3A_708 : i32 to index
        %get3A_710 = arith.constant 32 : index
        %get3A_711 = tpu.vector_load %arg10[%get3A_709, %get3A_710] {strides = array<i32>} : memref<640x64xf32, #tpu.memory_space<vmem>>, vector<16xf32>,
        %add3A_712 = arith.addf %add3A_706, %get3A_711 : vector<16xf32>
        %add3A_713 = arith.constant 3 : i32
        %add3A_714 = arith.addi %mul3A_457, %add3A_713 : i32
        %get3A_715 = arith.index_cast %add3A_714 : i32 to index
        %get3A_716 = arith.constant 32 : index
        %get3A_717 = tpu.vector_load %arg10[%get3A_715, %get3A_716] {strides = array<i32>} : memref<640x64xf32, #tpu.memory_space<vmem>>, vector<16xf32>,
        %add3A_718 = arith.addf %add3A_712, %get3A_717 : vector<16xf32>
        %add3A_719 = arith.constant 4 : i32
        %add3A_720 = arith.addi %mul3A_457, %add3A_719 : i32
        %get3A_721 = arith.index_cast %add3A_720 : i32 to index
        %get3A_722 = arith.constant 32 : index
        %get3A_723 = tpu.vector_load %arg10[%get3A_721, %get3A_722] {strides = array<i32>} : memref<640x64xf32, #tpu.memory_space<vmem>>, vector<16xf32>,
        %add3A_724 = arith.addf %add3A_718, %get3A_723 : vector<16xf32>
        %add3A_725 = arith.constant 5 : i32
        %add3A_726 = arith.addi %mul3A_457, %add3A_725 : i32
        %get3A_727 = arith.index_cast %add3A_726 : i32 to index
        %get3A_728 = arith.constant 32 : index
        %get3A_729 = tpu.vector_load %arg10[%get3A_727, %get3A_728] {strides = array<i32>} : memref<640x64xf32, #tpu.memory_space<vmem>>, vector<16xf32>,
        %add3A_730 = arith.addf %add3A_724, %get3A_729 : vector<16xf32>
        %add3A_731 = arith.constant 6 : i32
        %add3A_732 = arith.addi %mul3A_457, %add3A_731 : i32
        %get3A_733 = arith.index_cast %add3A_732 : i32 to index
        %get3A_734 = arith.constant 32 : index
        %get3A_735 = tpu.vector_load %arg10[%get3A_733, %get3A_734] {strides = array<i32>} : memref<640x64xf32, #tpu.memory_space<vmem>>, vector<16xf32>,
        %add3A_736 = arith.addf %add3A_730, %get3A_735 : vector<16xf32>
        %add3A_737 = arith.constant 7 : i32
        %add3A_738 = arith.addi %mul3A_457, %add3A_737 : i32
        %get3A_739 = arith.index_cast %add3A_738 : i32 to index
        %get3A_740 = arith.constant 32 : index
        %get3A_741 = tpu.vector_load %arg10[%get3A_739, %get3A_740] {strides = array<i32>} : memref<640x64xf32, #tpu.memory_space<vmem>>, vector<16xf32>,
        %add3A_742 = arith.addf %add3A_736, %get3A_741 : vector<16xf32>
        %add3A_743 = arith.constant 8 : i32
        %add3A_744 = arith.addi %mul3A_457, %add3A_743 : i32
        %get3A_745 = arith.index_cast %add3A_744 : i32 to index
        %get3A_746 = arith.constant 32 : index
        %get3A_747 = tpu.vector_load %arg10[%get3A_745, %get3A_746] {strides = array<i32>} : memref<640x64xf32, #tpu.memory_space<vmem>>, vector<16xf32>,
        %add3A_748 = arith.addf %add3A_742, %get3A_747 : vector<16xf32>
        %add3A_749 = arith.constant 9 : i32
        %add3A_750 = arith.addi %mul3A_457, %add3A_749 : i32
        %get3A_751 = arith.index_cast %add3A_750 : i32 to index
        %get3A_752 = arith.constant 32 : index
        %get3A_753 = tpu.vector_load %arg10[%get3A_751, %get3A_752] {strides = array<i32>} : memref<640x64xf32, #tpu.memory_space<vmem>>, vector<16xf32>,
        %add3A_754 = arith.addf %add3A_748, %get3A_753 : vector<16xf32>
        %add3A_755 = arith.constant 10 : i32
        %add3A_756 = arith.addi %mul3A_457, %add3A_755 : i32
        %get3A_757 = arith.index_cast %add3A_756 : i32 to index
        %get3A_758 = arith.constant 32 : index
        %get3A_759 = tpu.vector_load %arg10[%get3A_757, %get3A_758] {strides = array<i32>} : memref<640x64xf32, #tpu.memory_space<vmem>>, vector<16xf32>,
        %add3A_760 = arith.addf %add3A_754, %get3A_759 : vector<16xf32>
        %add3A_761 = arith.constant 11 : i32
        %add3A_762 = arith.addi %mul3A_457, %add3A_761 : i32
        %get3A_763 = arith.index_cast %add3A_762 : i32 to index
        %get3A_764 = arith.constant 32 : index
        %get3A_765 = tpu.vector_load %arg10[%get3A_763, %get3A_764] {strides = array<i32>} : memref<640x64xf32, #tpu.memory_space<vmem>>, vector<16xf32>,
        %add3A_766 = arith.addf %add3A_760, %get3A_765 : vector<16xf32>
        %add3A_767 = arith.constant 12 : i32
        %add3A_768 = arith.addi %mul3A_457, %add3A_767 : i32
        %get3A_769 = arith.index_cast %add3A_768 : i32 to index
        %get3A_770 = arith.constant 32 : index
        %get3A_771 = tpu.vector_load %arg10[%get3A_769, %get3A_770] {strides = array<i32>} : memref<640x64xf32, #tpu.memory_space<vmem>>, vector<16xf32>,
        %add3A_772 = arith.addf %add3A_766, %get3A_771 : vector<16xf32>
        %add3A_773 = arith.constant 13 : i32
        %add3A_774 = arith.addi %mul3A_457, %add3A_773 : i32
        %get3A_775 = arith.index_cast %add3A_774 : i32 to index
        %get3A_776 = arith.constant 32 : index
        %get3A_777 = tpu.vector_load %arg10[%get3A_775, %get3A_776] {strides = array<i32>} : memref<640x64xf32, #tpu.memory_space<vmem>>, vector<16xf32>,
        %add3A_778 = arith.addf %add3A_772, %get3A_777 : vector<16xf32>
        %add3A_779 = arith.constant 14 : i32
        %add3A_780 = arith.addi %mul3A_457, %add3A_779 : i32
        %get3A_781 = arith.index_cast %add3A_780 : i32 to index
        %get3A_782 = arith.constant 32 : index
        %get3A_783 = tpu.vector_load %arg10[%get3A_781, %get3A_782] {strides = array<i32>} : memref<640x64xf32, #tpu.memory_space<vmem>>, vector<16xf32>,
        %add3A_784 = arith.addf %add3A_778, %get3A_783 : vector<16xf32>
        %add3A_785 = arith.constant 15 : i32
        %add3A_786 = arith.addi %mul3A_457, %add3A_785 : i32
        %get3A_787 = arith.index_cast %add3A_786 : i32 to index
        %get3A_788 = arith.constant 32 : index
        %get3A_789 = tpu.vector_load %arg10[%get3A_787, %get3A_788] {strides = array<i32>} : memref<640x64xf32, #tpu.memory_space<vmem>>, vector<16xf32>,
        %add3A_790 = arith.addf %add3A_784, %get3A_789 : vector<16xf32>
        %add3A_791 = arith.constant 16 : i32
        %add3A_792 = arith.addi %mul3A_457, %add3A_791 : i32
        %get3A_793 = arith.index_cast %add3A_792 : i32 to index
        %get3A_794 = arith.constant 32 : index
        %get3A_795 = tpu.vector_load %arg10[%get3A_793, %get3A_794] {strides = array<i32>} : memref<640x64xf32, #tpu.memory_space<vmem>>, vector<16xf32>,
        %add3A_796 = arith.addf %add3A_790, %get3A_795 : vector<16xf32>
        %add3A_797 = arith.constant 17 : i32
        %add3A_798 = arith.addi %mul3A_457, %add3A_797 : i32
        %get3A_799 = arith.index_cast %add3A_798 : i32 to index
        %get3A_800 = arith.constant 32 : index
        %get3A_801 = tpu.vector_load %arg10[%get3A_799, %get3A_800] {strides = array<i32>} : memref<640x64xf32, #tpu.memory_space<vmem>>, vector<16xf32>,
        %add3A_802 = arith.addf %add3A_796, %get3A_801 : vector<16xf32>
        %add3A_803 = arith.constant 18 : i32
        %add3A_804 = arith.addi %mul3A_457, %add3A_803 : i32
        %get3A_805 = arith.index_cast %add3A_804 : i32 to index
        %get3A_806 = arith.constant 32 : index
        %get3A_807 = tpu.vector_load %arg10[%get3A_805, %get3A_806] {strides = array<i32>} : memref<640x64xf32, #tpu.memory_space<vmem>>, vector<16xf32>,
        %add3A_808 = arith.addf %add3A_802, %get3A_807 : vector<16xf32>
        %add3A_809 = arith.constant 19 : i32
        %add3A_810 = arith.addi %mul3A_457, %add3A_809 : i32
        %get3A_811 = arith.index_cast %add3A_810 : i32 to index
        %get3A_812 = arith.constant 32 : index
        %get3A_813 = tpu.vector_load %arg10[%get3A_811, %get3A_812] {strides = array<i32>} : memref<640x64xf32, #tpu.memory_space<vmem>>, vector<16xf32>,
        %add3A_814 = arith.addf %add3A_808, %get3A_813 : vector<16xf32>
        %swap3A_815 = arith.index_cast %scan3A_454 : i32 to index
        %swap3A_816 = arith.constant 32 : index
        %swap3A_817 = tpu.vector_load %arg14[%swap3A_815, %swap3A_816] {strides = array<i32>} : memref<32x64xf32, #tpu.memory_space<vmem>>, vector<16xf32>,
        tpu.vector_store %arg14[%swap3A_815, %swap3A_816], %add3A_814 {strides = array<i32>} : memref<32x64xf32, #tpu.memory_space<vmem>>, vector<16xf32>,
        %get3A_818 = arith.index_cast %mul3A_457 : i32 to index
        %get3A_819 = arith.constant 48 : index
        %get3A_820 = tpu.vector_load %arg10[%get3A_818, %get3A_819] {strides = array<i32>} : memref<640x64xf32, #tpu.memory_space<vmem>>, vector<16xf32>,
        %add3A_821 = arith.constant 1 : i32
        %add3A_822 = arith.addi %mul3A_457, %add3A_821 : i32
        %get3A_823 = arith.index_cast %add3A_822 : i32 to index
        %get3A_824 = arith.constant 48 : index
        %get3A_825 = tpu.vector_load %arg10[%get3A_823, %get3A_824] {strides = array<i32>} : memref<640x64xf32, #tpu.memory_space<vmem>>, vector<16xf32>,
        %add3A_826 = arith.addf %get3A_820, %get3A_825 : vector<16xf32>
        %add3A_827 = arith.constant 2 : i32
        %add3A_828 = arith.addi %mul3A_457, %add3A_827 : i32
        %get3A_829 = arith.index_cast %add3A_828 : i32 to index
        %get3A_830 = arith.constant 48 : index
        %get3A_831 = tpu.vector_load %arg10[%get3A_829, %get3A_830] {strides = array<i32>} : memref<640x64xf32, #tpu.memory_space<vmem>>, vector<16xf32>,
        %add3A_832 = arith.addf %add3A_826, %get3A_831 : vector<16xf32>
        %add3A_833 = arith.constant 3 : i32
        %add3A_834 = arith.addi %mul3A_457, %add3A_833 : i32
        %get3A_835 = arith.index_cast %add3A_834 : i32 to index
        %get3A_836 = arith.constant 48 : index
        %get3A_837 = tpu.vector_load %arg10[%get3A_835, %get3A_836] {strides = array<i32>} : memref<640x64xf32, #tpu.memory_space<vmem>>, vector<16xf32>,
        %add3A_838 = arith.addf %add3A_832, %get3A_837 : vector<16xf32>
        %add3A_839 = arith.constant 4 : i32
        %add3A_840 = arith.addi %mul3A_457, %add3A_839 : i32
        %get3A_841 = arith.index_cast %add3A_840 : i32 to index
        %get3A_842 = arith.constant 48 : index
        %get3A_843 = tpu.vector_load %arg10[%get3A_841, %get3A_842] {strides = array<i32>} : memref<640x64xf32, #tpu.memory_space<vmem>>, vector<16xf32>,
        %add3A_844 = arith.addf %add3A_838, %get3A_843 : vector<16xf32>
        %add3A_845 = arith.constant 5 : i32
        %add3A_846 = arith.addi %mul3A_457, %add3A_845 : i32
        %get3A_847 = arith.index_cast %add3A_846 : i32 to index
        %get3A_848 = arith.constant 48 : index
        %get3A_849 = tpu.vector_load %arg10[%get3A_847, %get3A_848] {strides = array<i32>} : memref<640x64xf32, #tpu.memory_space<vmem>>, vector<16xf32>,
        %add3A_850 = arith.addf %add3A_844, %get3A_849 : vector<16xf32>
        %add3A_851 = arith.constant 6 : i32
        %add3A_852 = arith.addi %mul3A_457, %add3A_851 : i32
        %get3A_853 = arith.index_cast %add3A_852 : i32 to index
        %get3A_854 = arith.constant 48 : index
        %get3A_855 = tpu.vector_load %arg10[%get3A_853, %get3A_854] {strides = array<i32>} : memref<640x64xf32, #tpu.memory_space<vmem>>, vector<16xf32>,
        %add3A_856 = arith.addf %add3A_850, %get3A_855 : vector<16xf32>
        %add3A_857 = arith.constant 7 : i32
        %add3A_858 = arith.addi %mul3A_457, %add3A_857 : i32
        %get3A_859 = arith.index_cast %add3A_858 : i32 to index
        %get3A_860 = arith.constant 48 : index
        %get3A_861 = tpu.vector_load %arg10[%get3A_859, %get3A_860] {strides = array<i32>} : memref<640x64xf32, #tpu.memory_space<vmem>>, vector<16xf32>,
        %add3A_862 = arith.addf %add3A_856, %get3A_861 : vector<16xf32>
        %add3A_863 = arith.constant 8 : i32
        %add3A_864 = arith.addi %mul3A_457, %add3A_863 : i32
        %get3A_865 = arith.index_cast %add3A_864 : i32 to index
        %get3A_866 = arith.constant 48 : index
        %get3A_867 = tpu.vector_load %arg10[%get3A_865, %get3A_866] {strides = array<i32>} : memref<640x64xf32, #tpu.memory_space<vmem>>, vector<16xf32>,
        %add3A_868 = arith.addf %add3A_862, %get3A_867 : vector<16xf32>
        %add3A_869 = arith.constant 9 : i32
        %add3A_870 = arith.addi %mul3A_457, %add3A_869 : i32
        %get3A_871 = arith.index_cast %add3A_870 : i32 to index
        %get3A_872 = arith.constant 48 : index
        %get3A_873 = tpu.vector_load %arg10[%get3A_871, %get3A_872] {strides = array<i32>} : memref<640x64xf32, #tpu.memory_space<vmem>>, vector<16xf32>,
        %add3A_874 = arith.addf %add3A_868, %get3A_873 : vector<16xf32>
        %add3A_875 = arith.constant 10 : i32
        %add3A_876 = arith.addi %mul3A_457, %add3A_875 : i32
        %get3A_877 = arith.index_cast %add3A_876 : i32 to index
        %get3A_878 = arith.constant 48 : index
        %get3A_879 = tpu.vector_load %arg10[%get3A_877, %get3A_878] {strides = array<i32>} : memref<640x64xf32, #tpu.memory_space<vmem>>, vector<16xf32>,
        %add3A_880 = arith.addf %add3A_874, %get3A_879 : vector<16xf32>
        %add3A_881 = arith.constant 11 : i32
        %add3A_882 = arith.addi %mul3A_457, %add3A_881 : i32
        %get3A_883 = arith.index_cast %add3A_882 : i32 to index
        %get3A_884 = arith.constant 48 : index
        %get3A_885 = tpu.vector_load %arg10[%get3A_883, %get3A_884] {strides = array<i32>} : memref<640x64xf32, #tpu.memory_space<vmem>>, vector<16xf32>,
        %add3A_886 = arith.addf %add3A_880, %get3A_885 : vector<16xf32>
        %add3A_887 = arith.constant 12 : i32
        %add3A_888 = arith.addi %mul3A_457, %add3A_887 : i32
        %get3A_889 = arith.index_cast %add3A_888 : i32 to index
        %get3A_890 = arith.constant 48 : index
        %get3A_891 = tpu.vector_load %arg10[%get3A_889, %get3A_890] {strides = array<i32>} : memref<640x64xf32, #tpu.memory_space<vmem>>, vector<16xf32>,
        %add3A_892 = arith.addf %add3A_886, %get3A_891 : vector<16xf32>
        %add3A_893 = arith.constant 13 : i32
        %add3A_894 = arith.addi %mul3A_457, %add3A_893 : i32
        %get3A_895 = arith.index_cast %add3A_894 : i32 to index
        %get3A_896 = arith.constant 48 : index
        %get3A_897 = tpu.vector_load %arg10[%get3A_895, %get3A_896] {strides = array<i32>} : memref<640x64xf32, #tpu.memory_space<vmem>>, vector<16xf32>,
        %add3A_898 = arith.addf %add3A_892, %get3A_897 : vector<16xf32>
        %add3A_899 = arith.constant 14 : i32
        %add3A_900 = arith.addi %mul3A_457, %add3A_899 : i32
        %get3A_901 = arith.index_cast %add3A_900 : i32 to index
        %get3A_902 = arith.constant 48 : index
        %get3A_903 = tpu.vector_load %arg10[%get3A_901, %get3A_902] {strides = array<i32>} : memref<640x64xf32, #tpu.memory_space<vmem>>, vector<16xf32>,
        %add3A_904 = arith.addf %add3A_898, %get3A_903 : vector<16xf32>
        %add3A_905 = arith.constant 15 : i32
        %add3A_906 = arith.addi %mul3A_457, %add3A_905 : i32
        %get3A_907 = arith.index_cast %add3A_906 : i32 to index
        %get3A_908 = arith.constant 48 : index
        %get3A_909 = tpu.vector_load %arg10[%get3A_907, %get3A_908] {strides = array<i32>} : memref<640x64xf32, #tpu.memory_space<vmem>>, vector<16xf32>,
        %add3A_910 = arith.addf %add3A_904, %get3A_909 : vector<16xf32>
        %add3A_911 = arith.constant 16 : i32
        %add3A_912 = arith.addi %mul3A_457, %add3A_911 : i32
        %get3A_913 = arith.index_cast %add3A_912 : i32 to index
        %get3A_914 = arith.constant 48 : index
        %get3A_915 = tpu.vector_load %arg10[%get3A_913, %get3A_914] {strides = array<i32>} : memref<640x64xf32, #tpu.memory_space<vmem>>, vector<16xf32>,
        %add3A_916 = arith.addf %add3A_910, %get3A_915 : vector<16xf32>
        %add3A_917 = arith.constant 17 : i32
        %add3A_918 = arith.addi %mul3A_457, %add3A_917 : i32
        %get3A_919 = arith.index_cast %add3A_918 : i32 to index
        %get3A_920 = arith.constant 48 : index
        %get3A_921 = tpu.vector_load %arg10[%get3A_919, %get3A_920] {strides = array<i32>} : memref<640x64xf32, #tpu.memory_space<vmem>>, vector<16xf32>,
        %add3A_922 = arith.addf %add3A_916, %get3A_921 : vector<16xf32>
        %add3A_923 = arith.constant 18 : i32
        %add3A_924 = arith.addi %mul3A_457, %add3A_923 : i32
        %get3A_925 = arith.index_cast %add3A_924 : i32 to index
        %get3A_926 = arith.constant 48 : index
        %get3A_927 = tpu.vector_load %arg10[%get3A_925, %get3A_926] {strides = array<i32>} : memref<640x64xf32, #tpu.memory_space<vmem>>, vector<16xf32>,
        %add3A_928 = arith.addf %add3A_922, %get3A_927 : vector<16xf32>
        %add3A_929 = arith.constant 19 : i32
        %add3A_930 = arith.addi %mul3A_457, %add3A_929 : i32
        %get3A_931 = arith.index_cast %add3A_930 : i32 to index
        %get3A_932 = arith.constant 48 : index
        %get3A_933 = tpu.vector_load %arg10[%get3A_931, %get3A_932] {strides = array<i32>} : memref<640x64xf32, #tpu.memory_space<vmem>>, vector<16xf32>,
        %add3A_934 = arith.addf %add3A_928, %get3A_933 : vector<16xf32>
        %swap3A_935 = arith.index_cast %scan3A_454 : i32 to index
        %swap3A_936 = arith.constant 48 : index
        %swap3A_937 = tpu.vector_load %arg14[%swap3A_935, %swap3A_936] {strides = array<i32>} : memref<32x64xf32, #tpu.memory_space<vmem>>, vector<16xf32>,
        tpu.vector_store %arg14[%swap3A_935, %swap3A_936], %add3A_934 {strides = array<i32>} : memref<32x64xf32, #tpu.memory_space<vmem>>, vector<16xf32>,
        %scan3A_938 = arith.constant 0 : i32
        scf.yield %scan3A_938 : i32
      }
      %scan3A_165 = arith.constant 32 : i32
      %iota3A = tpu.iota {dimensions = array<i32: 0>} : vector<16xi32>
      %add3A_166 = arith.constant 0 : i32
      %add3A_167 = vector.broadcast %add3A_166 : i32 to vector<16xi32>
      %add3A_168 = arith.addi %iota3A, %add3A_167 : vector<16xi32>
      %broadcast_in_dim3A = arith.constant 0.000000e+00 : f32
      %broadcast_in_dim3A_169 = vector.broadcast %broadcast_in_dim3A : f32 to vector<16xf32>
      %scan3A_170 = arith.constant 0 : i32
      %scan3A_171 = arith.constant 64 : i32
      %scan3A_172 = arith.addi %scan3A_170, %scan3A_171 : i32
      %scan3A_173 = arith.constant 1 : i32
      %scan3A_174 = scf.for %scan3A_454 = %scan3A_170 to %scan3A_172 step %scan3A_173 iter_args(%scan3A_455 = %broadcast_in_dim3A_169) -> (vector<16xf32>)  : i32 {
        %broadcast_in_dim3A_456 = vector.broadcast %scan3A_454 : i32 to vector<16xi32>
        %gather3A = tpu.vector_load_idx %arg14[%add3A_168, %broadcast_in_dim3A_456] : memref<32x64xf32, #tpu.memory_space<vmem>>[vector<16xi32>, vector<16xi32>], vector<16xf32>,
        %gather3A_457 = tpu.vector_load_idx %arg12[%add3A_168, %broadcast_in_dim3A_456] : memref<32x64xf32, #tpu.memory_space<vmem>>[vector<16xi32>, vector<16xi32>], vector<16xf32>,
        %mul3A_458 = arith.mulf %gather3A, %gather3A_457 : vector<16xf32>
        %add3A_459 = arith.addf %scan3A_455, %mul3A_458 : vector<16xf32>
        scf.yield %add3A_459 : vector<16xf32>
      }
      %scan3A_175 = arith.constant 64 : i32
      %swap3A = arith.constant 0 : i32
      %swap3A_176 = arith.index_cast %swap3A : i32 to index
      %swap3A_177 = arith.constant 0 : index
      %swap3A_178 = tpu.vector_load %arg15[%swap3A_176, %swap3A_177] {strides = array<i32>} : memref<2x32xf32, #tpu.memory_space<vmem>>, vector<16xf32>,
      tpu.vector_store %arg15[%swap3A_176, %swap3A_177], %scan3A_174 {strides = array<i32>} : memref<2x32xf32, #tpu.memory_space<vmem>>, vector<16xf32>,
      %add3A_179 = arith.constant 16 : i32
      %add3A_180 = vector.broadcast %add3A_179 : i32 to vector<16xi32>
      %add3A_181 = arith.addi %iota3A, %add3A_180 : vector<16xi32>
      %broadcast_in_dim3A_182 = arith.constant 0.000000e+00 : f32
      %broadcast_in_dim3A_183 = vector.broadcast %broadcast_in_dim3A_182 : f32 to vector<16xf32>
      %scan3A_184 = arith.constant 0 : i32
      %scan3A_185 = arith.constant 64 : i32
      %scan3A_186 = arith.addi %scan3A_184, %scan3A_185 : i32
      %scan3A_187 = arith.constant 1 : i32
      %scan3A_188 = scf.for %scan3A_454 = %scan3A_184 to %scan3A_186 step %scan3A_187 iter_args(%scan3A_455 = %broadcast_in_dim3A_183) -> (vector<16xf32>)  : i32 {
        %broadcast_in_dim3A_456 = vector.broadcast %scan3A_454 : i32 to vector<16xi32>
        %gather3A = tpu.vector_load_idx %arg14[%add3A_181, %broadcast_in_dim3A_456] : memref<32x64xf32, #tpu.memory_space<vmem>>[vector<16xi32>, vector<16xi32>], vector<16xf32>,
        %gather3A_457 = tpu.vector_load_idx %arg12[%add3A_181, %broadcast_in_dim3A_456] : memref<32x64xf32, #tpu.memory_space<vmem>>[vector<16xi32>, vector<16xi32>], vector<16xf32>,
        %mul3A_458 = arith.mulf %gather3A, %gather3A_457 : vector<16xf32>
        %add3A_459 = arith.addf %scan3A_455, %mul3A_458 : vector<16xf32>
        scf.yield %add3A_459 : vector<16xf32>
      }
      %scan3A_189 = arith.constant 64 : i32
      %swap3A_190 = arith.constant 0 : i32
      %swap3A_191 = arith.index_cast %swap3A_190 : i32 to index
      %swap3A_192 = arith.constant 16 : index
      %swap3A_193 = tpu.vector_load %arg15[%swap3A_191, %swap3A_192] {strides = array<i32>} : memref<2x32xf32, #tpu.memory_space<vmem>>, vector<16xf32>,
      tpu.vector_store %arg15[%swap3A_191, %swap3A_192], %scan3A_188 {strides = array<i32>} : memref<2x32xf32, #tpu.memory_space<vmem>>, vector<16xf32>,
      %add3A_194 = arith.constant 1 : i32
      %add3A_195 = arith.addi %scan3A_56, %add3A_194 : i32
      %lt3A = arith.constant 16 : i32
      %lt3A_196 = arith.cmpi slt, %add3A_195, %lt3A : i32
      %convert_element_type3A = arith.extui %lt3A_196 : i1 to i32
      %cond3A = arith.constant 0 : i32
      %cond3A_197 = arith.cmpi ne, %convert_element_type3A, %cond3A : i32
      scf.if %cond3A_197 {
        %add3A_454 = arith.constant 1 : i32
        %add3A_455 = arith.addi %scan3A_56, %add3A_454 : i32
        %mul3A_456 = arith.constant 512 : i32
        %mul3A_457 = arith.muli %add3A, %mul3A_456 : i32
        %mul3A_458 = arith.constant 32 : i32
        %mul3A_459 = arith.muli %add3A_455, %mul3A_458 : i32
        %add3A_460 = arith.addi %mul3A_457, %mul3A_459 : i32
        %mul3A_461 = arith.constant 20 : i32
        %mul3A_462 = arith.muli %add3A_460, %mul3A_461 : i32
        "tpu.region"() ({
          %run_scoped3A = tpu.sem_alloc : memref<!tpu.dma_semaphore, #tpu.memory_space<semaphore_mem>>
          %dma_start3A_507 = tpu.memref_slice %arg2[%mul3A_462] : memref<327680xi32, #tpu.memory_space<hbm>> -> memref<640xi32, #tpu.memory_space<hbm>>
          %dma_start3A_508 = tpu.memref_slice %arg2[%mul3A_462] : memref<327680xi32, #tpu.memory_space<hbm>> -> memref<640xi32, #tpu.memory_space<hbm>>
          tpu.enqueue_dma source(%dma_start3A_508 : memref<640xi32, #tpu.memory_space<hbm>>) target(%arg8 : memref<640xi32, #tpu.memory_space<vmem>>) target_semaphore(%run_scoped3A : memref<!tpu.dma_semaphore, #tpu.memory_space<semaphore_mem>>)
          %dma_wait3A_509 = tpu.memref_slice %arg2[%mul3A_462] : memref<327680xi32, #tpu.memory_space<hbm>> -> memref<640xi32, #tpu.memory_space<hbm>>
          %dma_wait3A_510 = tpu.memref_slice %arg2[%mul3A_462] : memref<327680xi32, #tpu.memory_space<hbm>> -> memref<640xi32, #tpu.memory_space<hbm>>
          tpu.wait_dma2 semaphore(%run_scoped3A : memref<!tpu.dma_semaphore, #tpu.memory_space<semaphore_mem>>) src(%dma_wait3A_510 : memref<640xi32, #tpu.memory_space<hbm>>) dst(%arg8 : memref<640xi32, #tpu.memory_space<vmem>>)
          tpu.yield
        }) : () -> ()
        %dma_start3A_463 = arith.constant 0 : i32
        %dma_start3A_464 = arith.constant 0 : i32
        %dma_start3A_465 = tpu.memref_slice %arg10[%dma_start3A_463, %dma_start3A_464] : memref<640x64xf32, #tpu.memory_space<vmem>> -> memref<128x64xf32, #tpu.memory_space<vmem>>
        %dma_start3A_466 = arith.constant 0 : i32
        %dma_start3A_467 = tpu.memref_slice %arg8[%dma_start3A_466] : memref<640xi32, #tpu.memory_space<vmem>> -> memref<128xi32, #tpu.memory_space<vmem>>
        %dma_start3A_468 = arith.constant 0 : i32
        %dma_start3A_469 = arith.constant 0 : i32
        %dma_start3A_470 = tpu.memref_slice %arg6[%dma_start3A_468, %dma_start3A_469] : memref<1000000x64xf32, #tpu.memory_space<hbm>> -> memref<1000000x64xf32, #tpu.memory_space<hbm>>
        tpu.enqueue_indirect_dma source(%dma_start3A_470 : memref<1000000x64xf32, #tpu.memory_space<hbm>>) target(%dma_start3A_465 : memref<128x64xf32, #tpu.memory_space<vmem>>) offsets(%dma_start3A_467 : memref<128xi32, #tpu.memory_space<vmem>>) semaphore(%arg17 : memref<!tpu.dma_semaphore, #tpu.memory_space<semaphore_mem>>)
        %dma_start3A_471 = arith.constant 128 : i32
        %dma_start3A_472 = arith.constant 0 : i32
        %dma_start3A_473 = tpu.memref_slice %arg10[%dma_start3A_471, %dma_start3A_472] : memref<640x64xf32, #tpu.memory_space<vmem>> -> memref<128x64xf32, #tpu.memory_space<vmem>>
        %dma_start3A_474 = arith.constant 128 : i32
        %dma_start3A_475 = tpu.memref_slice %arg8[%dma_start3A_474] : memref<640xi32, #tpu.memory_space<vmem>> -> memref<128xi32, #tpu.memory_space<vmem>>
        %dma_start3A_476 = arith.constant 0 : i32
        %dma_start3A_477 = arith.constant 0 : i32
        %dma_start3A_478 = tpu.memref_slice %arg6[%dma_start3A_476, %dma_start3A_477] : memref<1000000x64xf32, #tpu.memory_space<hbm>> -> memref<1000000x64xf32, #tpu.memory_space<hbm>>
        tpu.enqueue_indirect_dma source(%dma_start3A_478 : memref<1000000x64xf32, #tpu.memory_space<hbm>>) target(%dma_start3A_473 : memref<128x64xf32, #tpu.memory_space<vmem>>) offsets(%dma_start3A_475 : memref<128xi32, #tpu.memory_space<vmem>>) semaphore(%arg17 : memref<!tpu.dma_semaphore, #tpu.memory_space<semaphore_mem>>)
        %dma_start3A_479 = arith.constant 256 : i32
        %dma_start3A_480 = arith.constant 0 : i32
        %dma_start3A_481 = tpu.memref_slice %arg10[%dma_start3A_479, %dma_start3A_480] : memref<640x64xf32, #tpu.memory_space<vmem>> -> memref<128x64xf32, #tpu.memory_space<vmem>>
        %dma_start3A_482 = arith.constant 256 : i32
        %dma_start3A_483 = tpu.memref_slice %arg8[%dma_start3A_482] : memref<640xi32, #tpu.memory_space<vmem>> -> memref<128xi32, #tpu.memory_space<vmem>>
        %dma_start3A_484 = arith.constant 0 : i32
        %dma_start3A_485 = arith.constant 0 : i32
        %dma_start3A_486 = tpu.memref_slice %arg6[%dma_start3A_484, %dma_start3A_485] : memref<1000000x64xf32, #tpu.memory_space<hbm>> -> memref<1000000x64xf32, #tpu.memory_space<hbm>>
        tpu.enqueue_indirect_dma source(%dma_start3A_486 : memref<1000000x64xf32, #tpu.memory_space<hbm>>) target(%dma_start3A_481 : memref<128x64xf32, #tpu.memory_space<vmem>>) offsets(%dma_start3A_483 : memref<128xi32, #tpu.memory_space<vmem>>) semaphore(%arg17 : memref<!tpu.dma_semaphore, #tpu.memory_space<semaphore_mem>>)
        %dma_start3A_487 = arith.constant 384 : i32
        %dma_start3A_488 = arith.constant 0 : i32
        %dma_start3A_489 = tpu.memref_slice %arg10[%dma_start3A_487, %dma_start3A_488] : memref<640x64xf32, #tpu.memory_space<vmem>> -> memref<128x64xf32, #tpu.memory_space<vmem>>
        %dma_start3A_490 = arith.constant 384 : i32
        %dma_start3A_491 = tpu.memref_slice %arg8[%dma_start3A_490] : memref<640xi32, #tpu.memory_space<vmem>> -> memref<128xi32, #tpu.memory_space<vmem>>
        %dma_start3A_492 = arith.constant 0 : i32
        %dma_start3A_493 = arith.constant 0 : i32
        %dma_start3A_494 = tpu.memref_slice %arg6[%dma_start3A_492, %dma_start3A_493] : memref<1000000x64xf32, #tpu.memory_space<hbm>> -> memref<1000000x64xf32, #tpu.memory_space<hbm>>
        tpu.enqueue_indirect_dma source(%dma_start3A_494 : memref<1000000x64xf32, #tpu.memory_space<hbm>>) target(%dma_start3A_489 : memref<128x64xf32, #tpu.memory_space<vmem>>) offsets(%dma_start3A_491 : memref<128xi32, #tpu.memory_space<vmem>>) semaphore(%arg17 : memref<!tpu.dma_semaphore, #tpu.memory_space<semaphore_mem>>)
        %dma_start3A_495 = arith.constant 512 : i32
        %dma_start3A_496 = arith.constant 0 : i32
        %dma_start3A_497 = tpu.memref_slice %arg10[%dma_start3A_495, %dma_start3A_496] : memref<640x64xf32, #tpu.memory_space<vmem>> -> memref<128x64xf32, #tpu.memory_space<vmem>>
        %dma_start3A_498 = arith.constant 512 : i32
        %dma_start3A_499 = tpu.memref_slice %arg8[%dma_start3A_498] : memref<640xi32, #tpu.memory_space<vmem>> -> memref<128xi32, #tpu.memory_space<vmem>>
        %dma_start3A_500 = arith.constant 0 : i32
        %dma_start3A_501 = arith.constant 0 : i32
        %dma_start3A_502 = tpu.memref_slice %arg6[%dma_start3A_500, %dma_start3A_501] : memref<1000000x64xf32, #tpu.memory_space<hbm>> -> memref<1000000x64xf32, #tpu.memory_space<hbm>>
        tpu.enqueue_indirect_dma source(%dma_start3A_502 : memref<1000000x64xf32, #tpu.memory_space<hbm>>) target(%dma_start3A_497 : memref<128x64xf32, #tpu.memory_space<vmem>>) offsets(%dma_start3A_499 : memref<128xi32, #tpu.memory_space<vmem>>) semaphore(%arg17 : memref<!tpu.dma_semaphore, #tpu.memory_space<semaphore_mem>>)
        %dma_start3A_503 = arith.constant 0 : i32
        %dma_start3A_504 = tpu.memref_slice %arg3[%add3A_460, %dma_start3A_503] : memref<16384x64xf32, #tpu.memory_space<hbm>> -> memref<32x64xf32, #tpu.memory_space<hbm>>
        %dma_start3A_505 = arith.constant 0 : i32
        %dma_start3A_506 = tpu.memref_slice %arg3[%add3A_460, %dma_start3A_505] : memref<16384x64xf32, #tpu.memory_space<hbm>> -> memref<32x64xf32, #tpu.memory_space<hbm>>
        tpu.enqueue_dma source(%dma_start3A_506 : memref<32x64xf32, #tpu.memory_space<hbm>>) target(%arg12 : memref<32x64xf32, #tpu.memory_space<vmem>>) target_semaphore(%arg17 : memref<!tpu.dma_semaphore, #tpu.memory_space<semaphore_mem>>)
      } else {
      }
      %dma_wait3A_198 = arith.constant 0 : i32
      %dma_wait3A_199 = arith.constant 0 : i32
      %dma_wait3A_200 = tpu.memref_slice %arg11[%dma_wait3A_198, %dma_wait3A_199] : memref<640x64xf32, #tpu.memory_space<vmem>> -> memref<128x64xf32, #tpu.memory_space<vmem>>
      %dma_wait3A_201 = arith.constant 0 : i32
      %dma_wait3A_202 = tpu.memref_slice %arg9[%dma_wait3A_201] : memref<640xi32, #tpu.memory_space<vmem>> -> memref<128xi32, #tpu.memory_space<vmem>>
      %dma_wait3A_203 = arith.constant 0 : i32
      %dma_wait3A_204 = arith.constant 0 : i32
      %dma_wait3A_205 = tpu.memref_slice %arg6[%dma_wait3A_203, %dma_wait3A_204] : memref<1000000x64xf32, #tpu.memory_space<hbm>> -> memref<1000000x64xf32, #tpu.memory_space<hbm>>
      tpu.wait_indirect_dma semaphore(%arg18 : memref<!tpu.dma_semaphore, #tpu.memory_space<semaphore_mem>>) src(%dma_wait3A_205 : memref<1000000x64xf32, #tpu.memory_space<hbm>>) dst(%dma_wait3A_200 : memref<128x64xf32, #tpu.memory_space<vmem>>)
      %dma_wait3A_206 = arith.constant 0 : i32
      %dma_wait3A_207 = arith.constant 0 : i32
      %dma_wait3A_208 = tpu.memref_slice %arg11[%dma_wait3A_206, %dma_wait3A_207] : memref<640x64xf32, #tpu.memory_space<vmem>> -> memref<128x64xf32, #tpu.memory_space<vmem>>
      %dma_wait3A_209 = arith.constant 0 : i32
      %dma_wait3A_210 = tpu.memref_slice %arg9[%dma_wait3A_209] : memref<640xi32, #tpu.memory_space<vmem>> -> memref<128xi32, #tpu.memory_space<vmem>>
      %dma_wait3A_211 = arith.constant 0 : i32
      %dma_wait3A_212 = arith.constant 0 : i32
      %dma_wait3A_213 = tpu.memref_slice %arg6[%dma_wait3A_211, %dma_wait3A_212] : memref<1000000x64xf32, #tpu.memory_space<hbm>> -> memref<1000000x64xf32, #tpu.memory_space<hbm>>
      tpu.wait_indirect_dma semaphore(%arg18 : memref<!tpu.dma_semaphore, #tpu.memory_space<semaphore_mem>>) src(%dma_wait3A_213 : memref<1000000x64xf32, #tpu.memory_space<hbm>>) dst(%dma_wait3A_208 : memref<128x64xf32, #tpu.memory_space<vmem>>)
      %dma_wait3A_214 = arith.constant 0 : i32
      %dma_wait3A_215 = arith.constant 0 : i32
      %dma_wait3A_216 = tpu.memref_slice %arg11[%dma_wait3A_214, %dma_wait3A_215] : memref<640x64xf32, #tpu.memory_space<vmem>> -> memref<128x64xf32, #tpu.memory_space<vmem>>
      %dma_wait3A_217 = arith.constant 0 : i32
      %dma_wait3A_218 = tpu.memref_slice %arg9[%dma_wait3A_217] : memref<640xi32, #tpu.memory_space<vmem>> -> memref<128xi32, #tpu.memory_space<vmem>>
      %dma_wait3A_219 = arith.constant 0 : i32
      %dma_wait3A_220 = arith.constant 0 : i32
      %dma_wait3A_221 = tpu.memref_slice %arg6[%dma_wait3A_219, %dma_wait3A_220] : memref<1000000x64xf32, #tpu.memory_space<hbm>> -> memref<1000000x64xf32, #tpu.memory_space<hbm>>
      tpu.wait_indirect_dma semaphore(%arg18 : memref<!tpu.dma_semaphore, #tpu.memory_space<semaphore_mem>>) src(%dma_wait3A_221 : memref<1000000x64xf32, #tpu.memory_space<hbm>>) dst(%dma_wait3A_216 : memref<128x64xf32, #tpu.memory_space<vmem>>)
      %dma_wait3A_222 = arith.constant 0 : i32
      %dma_wait3A_223 = arith.constant 0 : i32
      %dma_wait3A_224 = tpu.memref_slice %arg11[%dma_wait3A_222, %dma_wait3A_223] : memref<640x64xf32, #tpu.memory_space<vmem>> -> memref<128x64xf32, #tpu.memory_space<vmem>>
      %dma_wait3A_225 = arith.constant 0 : i32
      %dma_wait3A_226 = tpu.memref_slice %arg9[%dma_wait3A_225] : memref<640xi32, #tpu.memory_space<vmem>> -> memref<128xi32, #tpu.memory_space<vmem>>
      %dma_wait3A_227 = arith.constant 0 : i32
      %dma_wait3A_228 = arith.constant 0 : i32
      %dma_wait3A_229 = tpu.memref_slice %arg6[%dma_wait3A_227, %dma_wait3A_228] : memref<1000000x64xf32, #tpu.memory_space<hbm>> -> memref<1000000x64xf32, #tpu.memory_space<hbm>>
      tpu.wait_indirect_dma semaphore(%arg18 : memref<!tpu.dma_semaphore, #tpu.memory_space<semaphore_mem>>) src(%dma_wait3A_229 : memref<1000000x64xf32, #tpu.memory_space<hbm>>) dst(%dma_wait3A_224 : memref<128x64xf32, #tpu.memory_space<vmem>>)
      %dma_wait3A_230 = arith.constant 0 : i32
      %dma_wait3A_231 = arith.constant 0 : i32
      %dma_wait3A_232 = tpu.memref_slice %arg11[%dma_wait3A_230, %dma_wait3A_231] : memref<640x64xf32, #tpu.memory_space<vmem>> -> memref<128x64xf32, #tpu.memory_space<vmem>>
      %dma_wait3A_233 = arith.constant 0 : i32
      %dma_wait3A_234 = tpu.memref_slice %arg9[%dma_wait3A_233] : memref<640xi32, #tpu.memory_space<vmem>> -> memref<128xi32, #tpu.memory_space<vmem>>
      %dma_wait3A_235 = arith.constant 0 : i32
      %dma_wait3A_236 = arith.constant 0 : i32
      %dma_wait3A_237 = tpu.memref_slice %arg6[%dma_wait3A_235, %dma_wait3A_236] : memref<1000000x64xf32, #tpu.memory_space<hbm>> -> memref<1000000x64xf32, #tpu.memory_space<hbm>>
      tpu.wait_indirect_dma semaphore(%arg18 : memref<!tpu.dma_semaphore, #tpu.memory_space<semaphore_mem>>) src(%dma_wait3A_237 : memref<1000000x64xf32, #tpu.memory_space<hbm>>) dst(%dma_wait3A_232 : memref<128x64xf32, #tpu.memory_space<vmem>>)
      %dma_wait3A_238 = arith.constant 0 : i32
      %dma_wait3A_239 = arith.constant 0 : i32
      %dma_wait3A_240 = tpu.memref_slice %arg3[%dma_wait3A_238, %dma_wait3A_239] : memref<16384x64xf32, #tpu.memory_space<hbm>> -> memref<32x64xf32, #tpu.memory_space<hbm>>
      %dma_wait3A_241 = arith.constant 0 : i32
      %dma_wait3A_242 = arith.constant 0 : i32
      %dma_wait3A_243 = tpu.memref_slice %arg3[%dma_wait3A_241, %dma_wait3A_242] : memref<16384x64xf32, #tpu.memory_space<hbm>> -> memref<32x64xf32, #tpu.memory_space<hbm>>
      tpu.wait_dma2 semaphore(%arg18 : memref<!tpu.dma_semaphore, #tpu.memory_space<semaphore_mem>>) src(%dma_wait3A_243 : memref<32x64xf32, #tpu.memory_space<hbm>>) dst(%arg13 : memref<32x64xf32, #tpu.memory_space<vmem>>)
      %scan3A_244 = arith.constant 0 : i32
      %scan3A_245 = arith.constant 0 : i32
      %scan3A_246 = arith.constant 32 : i32
      %scan3A_247 = arith.addi %scan3A_245, %scan3A_246 : i32
      %scan3A_248 = arith.constant 1 : i32
      %scan3A_249 = scf.for %scan3A_454 = %scan3A_245 to %scan3A_247 step %scan3A_248 iter_args(%scan3A_455 = %scan3A_244) -> (i32)  : i32 {
        %mul3A_456 = arith.constant 20 : i32
        %mul3A_457 = arith.muli %scan3A_454, %mul3A_456 : i32
        %get3A_458 = arith.index_cast %mul3A_457 : i32 to index
        %get3A_459 = arith.constant 0 : index
        %get3A_460 = tpu.vector_load %arg11[%get3A_458, %get3A_459] {strides = array<i32>} : memref<640x64xf32, #tpu.memory_space<vmem>>, vector<16xf32>,
        %add3A_461 = arith.constant 1 : i32
        %add3A_462 = arith.addi %mul3A_457, %add3A_461 : i32
        %get3A_463 = arith.index_cast %add3A_462 : i32 to index
        %get3A_464 = arith.constant 0 : index
        %get3A_465 = tpu.vector_load %arg11[%get3A_463, %get3A_464] {strides = array<i32>} : memref<640x64xf32, #tpu.memory_space<vmem>>, vector<16xf32>,
        %add3A_466 = arith.addf %get3A_460, %get3A_465 : vector<16xf32>
        %add3A_467 = arith.constant 2 : i32
        %add3A_468 = arith.addi %mul3A_457, %add3A_467 : i32
        %get3A_469 = arith.index_cast %add3A_468 : i32 to index
        %get3A_470 = arith.constant 0 : index
        %get3A_471 = tpu.vector_load %arg11[%get3A_469, %get3A_470] {strides = array<i32>} : memref<640x64xf32, #tpu.memory_space<vmem>>, vector<16xf32>,
        %add3A_472 = arith.addf %add3A_466, %get3A_471 : vector<16xf32>
        %add3A_473 = arith.constant 3 : i32
        %add3A_474 = arith.addi %mul3A_457, %add3A_473 : i32
        %get3A_475 = arith.index_cast %add3A_474 : i32 to index
        %get3A_476 = arith.constant 0 : index
        %get3A_477 = tpu.vector_load %arg11[%get3A_475, %get3A_476] {strides = array<i32>} : memref<640x64xf32, #tpu.memory_space<vmem>>, vector<16xf32>,
        %add3A_478 = arith.addf %add3A_472, %get3A_477 : vector<16xf32>
        %add3A_479 = arith.constant 4 : i32
        %add3A_480 = arith.addi %mul3A_457, %add3A_479 : i32
        %get3A_481 = arith.index_cast %add3A_480 : i32 to index
        %get3A_482 = arith.constant 0 : index
        %get3A_483 = tpu.vector_load %arg11[%get3A_481, %get3A_482] {strides = array<i32>} : memref<640x64xf32, #tpu.memory_space<vmem>>, vector<16xf32>,
        %add3A_484 = arith.addf %add3A_478, %get3A_483 : vector<16xf32>
        %add3A_485 = arith.constant 5 : i32
        %add3A_486 = arith.addi %mul3A_457, %add3A_485 : i32
        %get3A_487 = arith.index_cast %add3A_486 : i32 to index
        %get3A_488 = arith.constant 0 : index
        %get3A_489 = tpu.vector_load %arg11[%get3A_487, %get3A_488] {strides = array<i32>} : memref<640x64xf32, #tpu.memory_space<vmem>>, vector<16xf32>,
        %add3A_490 = arith.addf %add3A_484, %get3A_489 : vector<16xf32>
        %add3A_491 = arith.constant 6 : i32
        %add3A_492 = arith.addi %mul3A_457, %add3A_491 : i32
        %get3A_493 = arith.index_cast %add3A_492 : i32 to index
        %get3A_494 = arith.constant 0 : index
        %get3A_495 = tpu.vector_load %arg11[%get3A_493, %get3A_494] {strides = array<i32>} : memref<640x64xf32, #tpu.memory_space<vmem>>, vector<16xf32>,
        %add3A_496 = arith.addf %add3A_490, %get3A_495 : vector<16xf32>
        %add3A_497 = arith.constant 7 : i32
        %add3A_498 = arith.addi %mul3A_457, %add3A_497 : i32
        %get3A_499 = arith.index_cast %add3A_498 : i32 to index
        %get3A_500 = arith.constant 0 : index
        %get3A_501 = tpu.vector_load %arg11[%get3A_499, %get3A_500] {strides = array<i32>} : memref<640x64xf32, #tpu.memory_space<vmem>>, vector<16xf32>,
        %add3A_502 = arith.addf %add3A_496, %get3A_501 : vector<16xf32>
        %add3A_503 = arith.constant 8 : i32
        %add3A_504 = arith.addi %mul3A_457, %add3A_503 : i32
        %get3A_505 = arith.index_cast %add3A_504 : i32 to index
        %get3A_506 = arith.constant 0 : index
        %get3A_507 = tpu.vector_load %arg11[%get3A_505, %get3A_506] {strides = array<i32>} : memref<640x64xf32, #tpu.memory_space<vmem>>, vector<16xf32>,
        %add3A_508 = arith.addf %add3A_502, %get3A_507 : vector<16xf32>
        %add3A_509 = arith.constant 9 : i32
        %add3A_510 = arith.addi %mul3A_457, %add3A_509 : i32
        %get3A_511 = arith.index_cast %add3A_510 : i32 to index
        %get3A_512 = arith.constant 0 : index
        %get3A_513 = tpu.vector_load %arg11[%get3A_511, %get3A_512] {strides = array<i32>} : memref<640x64xf32, #tpu.memory_space<vmem>>, vector<16xf32>,
        %add3A_514 = arith.addf %add3A_508, %get3A_513 : vector<16xf32>
        %add3A_515 = arith.constant 10 : i32
        %add3A_516 = arith.addi %mul3A_457, %add3A_515 : i32
        %get3A_517 = arith.index_cast %add3A_516 : i32 to index
        %get3A_518 = arith.constant 0 : index
        %get3A_519 = tpu.vector_load %arg11[%get3A_517, %get3A_518] {strides = array<i32>} : memref<640x64xf32, #tpu.memory_space<vmem>>, vector<16xf32>,
        %add3A_520 = arith.addf %add3A_514, %get3A_519 : vector<16xf32>
        %add3A_521 = arith.constant 11 : i32
        %add3A_522 = arith.addi %mul3A_457, %add3A_521 : i32
        %get3A_523 = arith.index_cast %add3A_522 : i32 to index
        %get3A_524 = arith.constant 0 : index
        %get3A_525 = tpu.vector_load %arg11[%get3A_523, %get3A_524] {strides = array<i32>} : memref<640x64xf32, #tpu.memory_space<vmem>>, vector<16xf32>,
        %add3A_526 = arith.addf %add3A_520, %get3A_525 : vector<16xf32>
        %add3A_527 = arith.constant 12 : i32
        %add3A_528 = arith.addi %mul3A_457, %add3A_527 : i32
        %get3A_529 = arith.index_cast %add3A_528 : i32 to index
        %get3A_530 = arith.constant 0 : index
        %get3A_531 = tpu.vector_load %arg11[%get3A_529, %get3A_530] {strides = array<i32>} : memref<640x64xf32, #tpu.memory_space<vmem>>, vector<16xf32>,
        %add3A_532 = arith.addf %add3A_526, %get3A_531 : vector<16xf32>
        %add3A_533 = arith.constant 13 : i32
        %add3A_534 = arith.addi %mul3A_457, %add3A_533 : i32
        %get3A_535 = arith.index_cast %add3A_534 : i32 to index
        %get3A_536 = arith.constant 0 : index
        %get3A_537 = tpu.vector_load %arg11[%get3A_535, %get3A_536] {strides = array<i32>} : memref<640x64xf32, #tpu.memory_space<vmem>>, vector<16xf32>,
        %add3A_538 = arith.addf %add3A_532, %get3A_537 : vector<16xf32>
        %add3A_539 = arith.constant 14 : i32
        %add3A_540 = arith.addi %mul3A_457, %add3A_539 : i32
        %get3A_541 = arith.index_cast %add3A_540 : i32 to index
        %get3A_542 = arith.constant 0 : index
        %get3A_543 = tpu.vector_load %arg11[%get3A_541, %get3A_542] {strides = array<i32>} : memref<640x64xf32, #tpu.memory_space<vmem>>, vector<16xf32>,
        %add3A_544 = arith.addf %add3A_538, %get3A_543 : vector<16xf32>
        %add3A_545 = arith.constant 15 : i32
        %add3A_546 = arith.addi %mul3A_457, %add3A_545 : i32
        %get3A_547 = arith.index_cast %add3A_546 : i32 to index
        %get3A_548 = arith.constant 0 : index
        %get3A_549 = tpu.vector_load %arg11[%get3A_547, %get3A_548] {strides = array<i32>} : memref<640x64xf32, #tpu.memory_space<vmem>>, vector<16xf32>,
        %add3A_550 = arith.addf %add3A_544, %get3A_549 : vector<16xf32>
        %add3A_551 = arith.constant 16 : i32
        %add3A_552 = arith.addi %mul3A_457, %add3A_551 : i32
        %get3A_553 = arith.index_cast %add3A_552 : i32 to index
        %get3A_554 = arith.constant 0 : index
        %get3A_555 = tpu.vector_load %arg11[%get3A_553, %get3A_554] {strides = array<i32>} : memref<640x64xf32, #tpu.memory_space<vmem>>, vector<16xf32>,
        %add3A_556 = arith.addf %add3A_550, %get3A_555 : vector<16xf32>
        %add3A_557 = arith.constant 17 : i32
        %add3A_558 = arith.addi %mul3A_457, %add3A_557 : i32
        %get3A_559 = arith.index_cast %add3A_558 : i32 to index
        %get3A_560 = arith.constant 0 : index
        %get3A_561 = tpu.vector_load %arg11[%get3A_559, %get3A_560] {strides = array<i32>} : memref<640x64xf32, #tpu.memory_space<vmem>>, vector<16xf32>,
        %add3A_562 = arith.addf %add3A_556, %get3A_561 : vector<16xf32>
        %add3A_563 = arith.constant 18 : i32
        %add3A_564 = arith.addi %mul3A_457, %add3A_563 : i32
        %get3A_565 = arith.index_cast %add3A_564 : i32 to index
        %get3A_566 = arith.constant 0 : index
        %get3A_567 = tpu.vector_load %arg11[%get3A_565, %get3A_566] {strides = array<i32>} : memref<640x64xf32, #tpu.memory_space<vmem>>, vector<16xf32>,
        %add3A_568 = arith.addf %add3A_562, %get3A_567 : vector<16xf32>
        %add3A_569 = arith.constant 19 : i32
        %add3A_570 = arith.addi %mul3A_457, %add3A_569 : i32
        %get3A_571 = arith.index_cast %add3A_570 : i32 to index
        %get3A_572 = arith.constant 0 : index
        %get3A_573 = tpu.vector_load %arg11[%get3A_571, %get3A_572] {strides = array<i32>} : memref<640x64xf32, #tpu.memory_space<vmem>>, vector<16xf32>,
        %add3A_574 = arith.addf %add3A_568, %get3A_573 : vector<16xf32>
        %swap3A_575 = arith.index_cast %scan3A_454 : i32 to index
        %swap3A_576 = arith.constant 0 : index
        %swap3A_577 = tpu.vector_load %arg14[%swap3A_575, %swap3A_576] {strides = array<i32>} : memref<32x64xf32, #tpu.memory_space<vmem>>, vector<16xf32>,
        tpu.vector_store %arg14[%swap3A_575, %swap3A_576], %add3A_574 {strides = array<i32>} : memref<32x64xf32, #tpu.memory_space<vmem>>, vector<16xf32>,
        %get3A_578 = arith.index_cast %mul3A_457 : i32 to index
        %get3A_579 = arith.constant 16 : index
        %get3A_580 = tpu.vector_load %arg11[%get3A_578, %get3A_579] {strides = array<i32>} : memref<640x64xf32, #tpu.memory_space<vmem>>, vector<16xf32>,
        %add3A_581 = arith.constant 1 : i32
        %add3A_582 = arith.addi %mul3A_457, %add3A_581 : i32
        %get3A_583 = arith.index_cast %add3A_582 : i32 to index
        %get3A_584 = arith.constant 16 : index
        %get3A_585 = tpu.vector_load %arg11[%get3A_583, %get3A_584] {strides = array<i32>} : memref<640x64xf32, #tpu.memory_space<vmem>>, vector<16xf32>,
        %add3A_586 = arith.addf %get3A_580, %get3A_585 : vector<16xf32>
        %add3A_587 = arith.constant 2 : i32
        %add3A_588 = arith.addi %mul3A_457, %add3A_587 : i32
        %get3A_589 = arith.index_cast %add3A_588 : i32 to index
        %get3A_590 = arith.constant 16 : index
        %get3A_591 = tpu.vector_load %arg11[%get3A_589, %get3A_590] {strides = array<i32>} : memref<640x64xf32, #tpu.memory_space<vmem>>, vector<16xf32>,
        %add3A_592 = arith.addf %add3A_586, %get3A_591 : vector<16xf32>
        %add3A_593 = arith.constant 3 : i32
        %add3A_594 = arith.addi %mul3A_457, %add3A_593 : i32
        %get3A_595 = arith.index_cast %add3A_594 : i32 to index
        %get3A_596 = arith.constant 16 : index
        %get3A_597 = tpu.vector_load %arg11[%get3A_595, %get3A_596] {strides = array<i32>} : memref<640x64xf32, #tpu.memory_space<vmem>>, vector<16xf32>,
        %add3A_598 = arith.addf %add3A_592, %get3A_597 : vector<16xf32>
        %add3A_599 = arith.constant 4 : i32
        %add3A_600 = arith.addi %mul3A_457, %add3A_599 : i32
        %get3A_601 = arith.index_cast %add3A_600 : i32 to index
        %get3A_602 = arith.constant 16 : index
        %get3A_603 = tpu.vector_load %arg11[%get3A_601, %get3A_602] {strides = array<i32>} : memref<640x64xf32, #tpu.memory_space<vmem>>, vector<16xf32>,
        %add3A_604 = arith.addf %add3A_598, %get3A_603 : vector<16xf32>
        %add3A_605 = arith.constant 5 : i32
        %add3A_606 = arith.addi %mul3A_457, %add3A_605 : i32
        %get3A_607 = arith.index_cast %add3A_606 : i32 to index
        %get3A_608 = arith.constant 16 : index
        %get3A_609 = tpu.vector_load %arg11[%get3A_607, %get3A_608] {strides = array<i32>} : memref<640x64xf32, #tpu.memory_space<vmem>>, vector<16xf32>,
        %add3A_610 = arith.addf %add3A_604, %get3A_609 : vector<16xf32>
        %add3A_611 = arith.constant 6 : i32
        %add3A_612 = arith.addi %mul3A_457, %add3A_611 : i32
        %get3A_613 = arith.index_cast %add3A_612 : i32 to index
        %get3A_614 = arith.constant 16 : index
        %get3A_615 = tpu.vector_load %arg11[%get3A_613, %get3A_614] {strides = array<i32>} : memref<640x64xf32, #tpu.memory_space<vmem>>, vector<16xf32>,
        %add3A_616 = arith.addf %add3A_610, %get3A_615 : vector<16xf32>
        %add3A_617 = arith.constant 7 : i32
        %add3A_618 = arith.addi %mul3A_457, %add3A_617 : i32
        %get3A_619 = arith.index_cast %add3A_618 : i32 to index
        %get3A_620 = arith.constant 16 : index
        %get3A_621 = tpu.vector_load %arg11[%get3A_619, %get3A_620] {strides = array<i32>} : memref<640x64xf32, #tpu.memory_space<vmem>>, vector<16xf32>,
        %add3A_622 = arith.addf %add3A_616, %get3A_621 : vector<16xf32>
        %add3A_623 = arith.constant 8 : i32
        %add3A_624 = arith.addi %mul3A_457, %add3A_623 : i32
        %get3A_625 = arith.index_cast %add3A_624 : i32 to index
        %get3A_626 = arith.constant 16 : index
        %get3A_627 = tpu.vector_load %arg11[%get3A_625, %get3A_626] {strides = array<i32>} : memref<640x64xf32, #tpu.memory_space<vmem>>, vector<16xf32>,
        %add3A_628 = arith.addf %add3A_622, %get3A_627 : vector<16xf32>
        %add3A_629 = arith.constant 9 : i32
        %add3A_630 = arith.addi %mul3A_457, %add3A_629 : i32
        %get3A_631 = arith.index_cast %add3A_630 : i32 to index
        %get3A_632 = arith.constant 16 : index
        %get3A_633 = tpu.vector_load %arg11[%get3A_631, %get3A_632] {strides = array<i32>} : memref<640x64xf32, #tpu.memory_space<vmem>>, vector<16xf32>,
        %add3A_634 = arith.addf %add3A_628, %get3A_633 : vector<16xf32>
        %add3A_635 = arith.constant 10 : i32
        %add3A_636 = arith.addi %mul3A_457, %add3A_635 : i32
        %get3A_637 = arith.index_cast %add3A_636 : i32 to index
        %get3A_638 = arith.constant 16 : index
        %get3A_639 = tpu.vector_load %arg11[%get3A_637, %get3A_638] {strides = array<i32>} : memref<640x64xf32, #tpu.memory_space<vmem>>, vector<16xf32>,
        %add3A_640 = arith.addf %add3A_634, %get3A_639 : vector<16xf32>
        %add3A_641 = arith.constant 11 : i32
        %add3A_642 = arith.addi %mul3A_457, %add3A_641 : i32
        %get3A_643 = arith.index_cast %add3A_642 : i32 to index
        %get3A_644 = arith.constant 16 : index
        %get3A_645 = tpu.vector_load %arg11[%get3A_643, %get3A_644] {strides = array<i32>} : memref<640x64xf32, #tpu.memory_space<vmem>>, vector<16xf32>,
        %add3A_646 = arith.addf %add3A_640, %get3A_645 : vector<16xf32>
        %add3A_647 = arith.constant 12 : i32
        %add3A_648 = arith.addi %mul3A_457, %add3A_647 : i32
        %get3A_649 = arith.index_cast %add3A_648 : i32 to index
        %get3A_650 = arith.constant 16 : index
        %get3A_651 = tpu.vector_load %arg11[%get3A_649, %get3A_650] {strides = array<i32>} : memref<640x64xf32, #tpu.memory_space<vmem>>, vector<16xf32>,
        %add3A_652 = arith.addf %add3A_646, %get3A_651 : vector<16xf32>
        %add3A_653 = arith.constant 13 : i32
        %add3A_654 = arith.addi %mul3A_457, %add3A_653 : i32
        %get3A_655 = arith.index_cast %add3A_654 : i32 to index
        %get3A_656 = arith.constant 16 : index
        %get3A_657 = tpu.vector_load %arg11[%get3A_655, %get3A_656] {strides = array<i32>} : memref<640x64xf32, #tpu.memory_space<vmem>>, vector<16xf32>,
        %add3A_658 = arith.addf %add3A_652, %get3A_657 : vector<16xf32>
        %add3A_659 = arith.constant 14 : i32
        %add3A_660 = arith.addi %mul3A_457, %add3A_659 : i32
        %get3A_661 = arith.index_cast %add3A_660 : i32 to index
        %get3A_662 = arith.constant 16 : index
        %get3A_663 = tpu.vector_load %arg11[%get3A_661, %get3A_662] {strides = array<i32>} : memref<640x64xf32, #tpu.memory_space<vmem>>, vector<16xf32>,
        %add3A_664 = arith.addf %add3A_658, %get3A_663 : vector<16xf32>
        %add3A_665 = arith.constant 15 : i32
        %add3A_666 = arith.addi %mul3A_457, %add3A_665 : i32
        %get3A_667 = arith.index_cast %add3A_666 : i32 to index
        %get3A_668 = arith.constant 16 : index
        %get3A_669 = tpu.vector_load %arg11[%get3A_667, %get3A_668] {strides = array<i32>} : memref<640x64xf32, #tpu.memory_space<vmem>>, vector<16xf32>,
        %add3A_670 = arith.addf %add3A_664, %get3A_669 : vector<16xf32>
        %add3A_671 = arith.constant 16 : i32
        %add3A_672 = arith.addi %mul3A_457, %add3A_671 : i32
        %get3A_673 = arith.index_cast %add3A_672 : i32 to index
        %get3A_674 = arith.constant 16 : index
        %get3A_675 = tpu.vector_load %arg11[%get3A_673, %get3A_674] {strides = array<i32>} : memref<640x64xf32, #tpu.memory_space<vmem>>, vector<16xf32>,
        %add3A_676 = arith.addf %add3A_670, %get3A_675 : vector<16xf32>
        %add3A_677 = arith.constant 17 : i32
        %add3A_678 = arith.addi %mul3A_457, %add3A_677 : i32
        %get3A_679 = arith.index_cast %add3A_678 : i32 to index
        %get3A_680 = arith.constant 16 : index
        %get3A_681 = tpu.vector_load %arg11[%get3A_679, %get3A_680] {strides = array<i32>} : memref<640x64xf32, #tpu.memory_space<vmem>>, vector<16xf32>,
        %add3A_682 = arith.addf %add3A_676, %get3A_681 : vector<16xf32>
        %add3A_683 = arith.constant 18 : i32
        %add3A_684 = arith.addi %mul3A_457, %add3A_683 : i32
        %get3A_685 = arith.index_cast %add3A_684 : i32 to index
        %get3A_686 = arith.constant 16 : index
        %get3A_687 = tpu.vector_load %arg11[%get3A_685, %get3A_686] {strides = array<i32>} : memref<640x64xf32, #tpu.memory_space<vmem>>, vector<16xf32>,
        %add3A_688 = arith.addf %add3A_682, %get3A_687 : vector<16xf32>
        %add3A_689 = arith.constant 19 : i32
        %add3A_690 = arith.addi %mul3A_457, %add3A_689 : i32
        %get3A_691 = arith.index_cast %add3A_690 : i32 to index
        %get3A_692 = arith.constant 16 : index
        %get3A_693 = tpu.vector_load %arg11[%get3A_691, %get3A_692] {strides = array<i32>} : memref<640x64xf32, #tpu.memory_space<vmem>>, vector<16xf32>,
        %add3A_694 = arith.addf %add3A_688, %get3A_693 : vector<16xf32>
        %swap3A_695 = arith.index_cast %scan3A_454 : i32 to index
        %swap3A_696 = arith.constant 16 : index
        %swap3A_697 = tpu.vector_load %arg14[%swap3A_695, %swap3A_696] {strides = array<i32>} : memref<32x64xf32, #tpu.memory_space<vmem>>, vector<16xf32>,
        tpu.vector_store %arg14[%swap3A_695, %swap3A_696], %add3A_694 {strides = array<i32>} : memref<32x64xf32, #tpu.memory_space<vmem>>, vector<16xf32>,
        %get3A_698 = arith.index_cast %mul3A_457 : i32 to index
        %get3A_699 = arith.constant 32 : index
        %get3A_700 = tpu.vector_load %arg11[%get3A_698, %get3A_699] {strides = array<i32>} : memref<640x64xf32, #tpu.memory_space<vmem>>, vector<16xf32>,
        %add3A_701 = arith.constant 1 : i32
        %add3A_702 = arith.addi %mul3A_457, %add3A_701 : i32
        %get3A_703 = arith.index_cast %add3A_702 : i32 to index
        %get3A_704 = arith.constant 32 : index
        %get3A_705 = tpu.vector_load %arg11[%get3A_703, %get3A_704] {strides = array<i32>} : memref<640x64xf32, #tpu.memory_space<vmem>>, vector<16xf32>,
        %add3A_706 = arith.addf %get3A_700, %get3A_705 : vector<16xf32>
        %add3A_707 = arith.constant 2 : i32
        %add3A_708 = arith.addi %mul3A_457, %add3A_707 : i32
        %get3A_709 = arith.index_cast %add3A_708 : i32 to index
        %get3A_710 = arith.constant 32 : index
        %get3A_711 = tpu.vector_load %arg11[%get3A_709, %get3A_710] {strides = array<i32>} : memref<640x64xf32, #tpu.memory_space<vmem>>, vector<16xf32>,
        %add3A_712 = arith.addf %add3A_706, %get3A_711 : vector<16xf32>
        %add3A_713 = arith.constant 3 : i32
        %add3A_714 = arith.addi %mul3A_457, %add3A_713 : i32
        %get3A_715 = arith.index_cast %add3A_714 : i32 to index
        %get3A_716 = arith.constant 32 : index
        %get3A_717 = tpu.vector_load %arg11[%get3A_715, %get3A_716] {strides = array<i32>} : memref<640x64xf32, #tpu.memory_space<vmem>>, vector<16xf32>,
        %add3A_718 = arith.addf %add3A_712, %get3A_717 : vector<16xf32>
        %add3A_719 = arith.constant 4 : i32
        %add3A_720 = arith.addi %mul3A_457, %add3A_719 : i32
        %get3A_721 = arith.index_cast %add3A_720 : i32 to index
        %get3A_722 = arith.constant 32 : index
        %get3A_723 = tpu.vector_load %arg11[%get3A_721, %get3A_722] {strides = array<i32>} : memref<640x64xf32, #tpu.memory_space<vmem>>, vector<16xf32>,
        %add3A_724 = arith.addf %add3A_718, %get3A_723 : vector<16xf32>
        %add3A_725 = arith.constant 5 : i32
        %add3A_726 = arith.addi %mul3A_457, %add3A_725 : i32
        %get3A_727 = arith.index_cast %add3A_726 : i32 to index
        %get3A_728 = arith.constant 32 : index
        %get3A_729 = tpu.vector_load %arg11[%get3A_727, %get3A_728] {strides = array<i32>} : memref<640x64xf32, #tpu.memory_space<vmem>>, vector<16xf32>,
        %add3A_730 = arith.addf %add3A_724, %get3A_729 : vector<16xf32>
        %add3A_731 = arith.constant 6 : i32
        %add3A_732 = arith.addi %mul3A_457, %add3A_731 : i32
        %get3A_733 = arith.index_cast %add3A_732 : i32 to index
        %get3A_734 = arith.constant 32 : index
        %get3A_735 = tpu.vector_load %arg11[%get3A_733, %get3A_734] {strides = array<i32>} : memref<640x64xf32, #tpu.memory_space<vmem>>, vector<16xf32>,
        %add3A_736 = arith.addf %add3A_730, %get3A_735 : vector<16xf32>
        %add3A_737 = arith.constant 7 : i32
        %add3A_738 = arith.addi %mul3A_457, %add3A_737 : i32
        %get3A_739 = arith.index_cast %add3A_738 : i32 to index
        %get3A_740 = arith.constant 32 : index
        %get3A_741 = tpu.vector_load %arg11[%get3A_739, %get3A_740] {strides = array<i32>} : memref<640x64xf32, #tpu.memory_space<vmem>>, vector<16xf32>,
        %add3A_742 = arith.addf %add3A_736, %get3A_741 : vector<16xf32>
        %add3A_743 = arith.constant 8 : i32
        %add3A_744 = arith.addi %mul3A_457, %add3A_743 : i32
        %get3A_745 = arith.index_cast %add3A_744 : i32 to index
        %get3A_746 = arith.constant 32 : index
        %get3A_747 = tpu.vector_load %arg11[%get3A_745, %get3A_746] {strides = array<i32>} : memref<640x64xf32, #tpu.memory_space<vmem>>, vector<16xf32>,
        %add3A_748 = arith.addf %add3A_742, %get3A_747 : vector<16xf32>
        %add3A_749 = arith.constant 9 : i32
        %add3A_750 = arith.addi %mul3A_457, %add3A_749 : i32
        %get3A_751 = arith.index_cast %add3A_750 : i32 to index
        %get3A_752 = arith.constant 32 : index
        %get3A_753 = tpu.vector_load %arg11[%get3A_751, %get3A_752] {strides = array<i32>} : memref<640x64xf32, #tpu.memory_space<vmem>>, vector<16xf32>,
        %add3A_754 = arith.addf %add3A_748, %get3A_753 : vector<16xf32>
        %add3A_755 = arith.constant 10 : i32
        %add3A_756 = arith.addi %mul3A_457, %add3A_755 : i32
        %get3A_757 = arith.index_cast %add3A_756 : i32 to index
        %get3A_758 = arith.constant 32 : index
        %get3A_759 = tpu.vector_load %arg11[%get3A_757, %get3A_758] {strides = array<i32>} : memref<640x64xf32, #tpu.memory_space<vmem>>, vector<16xf32>,
        %add3A_760 = arith.addf %add3A_754, %get3A_759 : vector<16xf32>
        %add3A_761 = arith.constant 11 : i32
        %add3A_762 = arith.addi %mul3A_457, %add3A_761 : i32
        %get3A_763 = arith.index_cast %add3A_762 : i32 to index
        %get3A_764 = arith.constant 32 : index
        %get3A_765 = tpu.vector_load %arg11[%get3A_763, %get3A_764] {strides = array<i32>} : memref<640x64xf32, #tpu.memory_space<vmem>>, vector<16xf32>,
        %add3A_766 = arith.addf %add3A_760, %get3A_765 : vector<16xf32>
        %add3A_767 = arith.constant 12 : i32
        %add3A_768 = arith.addi %mul3A_457, %add3A_767 : i32
        %get3A_769 = arith.index_cast %add3A_768 : i32 to index
        %get3A_770 = arith.constant 32 : index
        %get3A_771 = tpu.vector_load %arg11[%get3A_769, %get3A_770] {strides = array<i32>} : memref<640x64xf32, #tpu.memory_space<vmem>>, vector<16xf32>,
        %add3A_772 = arith.addf %add3A_766, %get3A_771 : vector<16xf32>
        %add3A_773 = arith.constant 13 : i32
        %add3A_774 = arith.addi %mul3A_457, %add3A_773 : i32
        %get3A_775 = arith.index_cast %add3A_774 : i32 to index
        %get3A_776 = arith.constant 32 : index
        %get3A_777 = tpu.vector_load %arg11[%get3A_775, %get3A_776] {strides = array<i32>} : memref<640x64xf32, #tpu.memory_space<vmem>>, vector<16xf32>,
        %add3A_778 = arith.addf %add3A_772, %get3A_777 : vector<16xf32>
        %add3A_779 = arith.constant 14 : i32
        %add3A_780 = arith.addi %mul3A_457, %add3A_779 : i32
        %get3A_781 = arith.index_cast %add3A_780 : i32 to index
        %get3A_782 = arith.constant 32 : index
        %get3A_783 = tpu.vector_load %arg11[%get3A_781, %get3A_782] {strides = array<i32>} : memref<640x64xf32, #tpu.memory_space<vmem>>, vector<16xf32>,
        %add3A_784 = arith.addf %add3A_778, %get3A_783 : vector<16xf32>
        %add3A_785 = arith.constant 15 : i32
        %add3A_786 = arith.addi %mul3A_457, %add3A_785 : i32
        %get3A_787 = arith.index_cast %add3A_786 : i32 to index
        %get3A_788 = arith.constant 32 : index
        %get3A_789 = tpu.vector_load %arg11[%get3A_787, %get3A_788] {strides = array<i32>} : memref<640x64xf32, #tpu.memory_space<vmem>>, vector<16xf32>,
        %add3A_790 = arith.addf %add3A_784, %get3A_789 : vector<16xf32>
        %add3A_791 = arith.constant 16 : i32
        %add3A_792 = arith.addi %mul3A_457, %add3A_791 : i32
        %get3A_793 = arith.index_cast %add3A_792 : i32 to index
        %get3A_794 = arith.constant 32 : index
        %get3A_795 = tpu.vector_load %arg11[%get3A_793, %get3A_794] {strides = array<i32>} : memref<640x64xf32, #tpu.memory_space<vmem>>, vector<16xf32>,
        %add3A_796 = arith.addf %add3A_790, %get3A_795 : vector<16xf32>
        %add3A_797 = arith.constant 17 : i32
        %add3A_798 = arith.addi %mul3A_457, %add3A_797 : i32
        %get3A_799 = arith.index_cast %add3A_798 : i32 to index
        %get3A_800 = arith.constant 32 : index
        %get3A_801 = tpu.vector_load %arg11[%get3A_799, %get3A_800] {strides = array<i32>} : memref<640x64xf32, #tpu.memory_space<vmem>>, vector<16xf32>,
        %add3A_802 = arith.addf %add3A_796, %get3A_801 : vector<16xf32>
        %add3A_803 = arith.constant 18 : i32
        %add3A_804 = arith.addi %mul3A_457, %add3A_803 : i32
        %get3A_805 = arith.index_cast %add3A_804 : i32 to index
        %get3A_806 = arith.constant 32 : index
        %get3A_807 = tpu.vector_load %arg11[%get3A_805, %get3A_806] {strides = array<i32>} : memref<640x64xf32, #tpu.memory_space<vmem>>, vector<16xf32>,
        %add3A_808 = arith.addf %add3A_802, %get3A_807 : vector<16xf32>
        %add3A_809 = arith.constant 19 : i32
        %add3A_810 = arith.addi %mul3A_457, %add3A_809 : i32
        %get3A_811 = arith.index_cast %add3A_810 : i32 to index
        %get3A_812 = arith.constant 32 : index
        %get3A_813 = tpu.vector_load %arg11[%get3A_811, %get3A_812] {strides = array<i32>} : memref<640x64xf32, #tpu.memory_space<vmem>>, vector<16xf32>,
        %add3A_814 = arith.addf %add3A_808, %get3A_813 : vector<16xf32>
        %swap3A_815 = arith.index_cast %scan3A_454 : i32 to index
        %swap3A_816 = arith.constant 32 : index
        %swap3A_817 = tpu.vector_load %arg14[%swap3A_815, %swap3A_816] {strides = array<i32>} : memref<32x64xf32, #tpu.memory_space<vmem>>, vector<16xf32>,
        tpu.vector_store %arg14[%swap3A_815, %swap3A_816], %add3A_814 {strides = array<i32>} : memref<32x64xf32, #tpu.memory_space<vmem>>, vector<16xf32>,
        %get3A_818 = arith.index_cast %mul3A_457 : i32 to index
        %get3A_819 = arith.constant 48 : index
        %get3A_820 = tpu.vector_load %arg11[%get3A_818, %get3A_819] {strides = array<i32>} : memref<640x64xf32, #tpu.memory_space<vmem>>, vector<16xf32>,
        %add3A_821 = arith.constant 1 : i32
        %add3A_822 = arith.addi %mul3A_457, %add3A_821 : i32
        %get3A_823 = arith.index_cast %add3A_822 : i32 to index
        %get3A_824 = arith.constant 48 : index
        %get3A_825 = tpu.vector_load %arg11[%get3A_823, %get3A_824] {strides = array<i32>} : memref<640x64xf32, #tpu.memory_space<vmem>>, vector<16xf32>,
        %add3A_826 = arith.addf %get3A_820, %get3A_825 : vector<16xf32>
        %add3A_827 = arith.constant 2 : i32
        %add3A_828 = arith.addi %mul3A_457, %add3A_827 : i32
        %get3A_829 = arith.index_cast %add3A_828 : i32 to index
        %get3A_830 = arith.constant 48 : index
        %get3A_831 = tpu.vector_load %arg11[%get3A_829, %get3A_830] {strides = array<i32>} : memref<640x64xf32, #tpu.memory_space<vmem>>, vector<16xf32>,
        %add3A_832 = arith.addf %add3A_826, %get3A_831 : vector<16xf32>
        %add3A_833 = arith.constant 3 : i32
        %add3A_834 = arith.addi %mul3A_457, %add3A_833 : i32
        %get3A_835 = arith.index_cast %add3A_834 : i32 to index
        %get3A_836 = arith.constant 48 : index
        %get3A_837 = tpu.vector_load %arg11[%get3A_835, %get3A_836] {strides = array<i32>} : memref<640x64xf32, #tpu.memory_space<vmem>>, vector<16xf32>,
        %add3A_838 = arith.addf %add3A_832, %get3A_837 : vector<16xf32>
        %add3A_839 = arith.constant 4 : i32
        %add3A_840 = arith.addi %mul3A_457, %add3A_839 : i32
        %get3A_841 = arith.index_cast %add3A_840 : i32 to index
        %get3A_842 = arith.constant 48 : index
        %get3A_843 = tpu.vector_load %arg11[%get3A_841, %get3A_842] {strides = array<i32>} : memref<640x64xf32, #tpu.memory_space<vmem>>, vector<16xf32>,
        %add3A_844 = arith.addf %add3A_838, %get3A_843 : vector<16xf32>
        %add3A_845 = arith.constant 5 : i32
        %add3A_846 = arith.addi %mul3A_457, %add3A_845 : i32
        %get3A_847 = arith.index_cast %add3A_846 : i32 to index
        %get3A_848 = arith.constant 48 : index
        %get3A_849 = tpu.vector_load %arg11[%get3A_847, %get3A_848] {strides = array<i32>} : memref<640x64xf32, #tpu.memory_space<vmem>>, vector<16xf32>,
        %add3A_850 = arith.addf %add3A_844, %get3A_849 : vector<16xf32>
        %add3A_851 = arith.constant 6 : i32
        %add3A_852 = arith.addi %mul3A_457, %add3A_851 : i32
        %get3A_853 = arith.index_cast %add3A_852 : i32 to index
        %get3A_854 = arith.constant 48 : index
        %get3A_855 = tpu.vector_load %arg11[%get3A_853, %get3A_854] {strides = array<i32>} : memref<640x64xf32, #tpu.memory_space<vmem>>, vector<16xf32>,
        %add3A_856 = arith.addf %add3A_850, %get3A_855 : vector<16xf32>
        %add3A_857 = arith.constant 7 : i32
        %add3A_858 = arith.addi %mul3A_457, %add3A_857 : i32
        %get3A_859 = arith.index_cast %add3A_858 : i32 to index
        %get3A_860 = arith.constant 48 : index
        %get3A_861 = tpu.vector_load %arg11[%get3A_859, %get3A_860] {strides = array<i32>} : memref<640x64xf32, #tpu.memory_space<vmem>>, vector<16xf32>,
        %add3A_862 = arith.addf %add3A_856, %get3A_861 : vector<16xf32>
        %add3A_863 = arith.constant 8 : i32
        %add3A_864 = arith.addi %mul3A_457, %add3A_863 : i32
        %get3A_865 = arith.index_cast %add3A_864 : i32 to index
        %get3A_866 = arith.constant 48 : index
        %get3A_867 = tpu.vector_load %arg11[%get3A_865, %get3A_866] {strides = array<i32>} : memref<640x64xf32, #tpu.memory_space<vmem>>, vector<16xf32>,
        %add3A_868 = arith.addf %add3A_862, %get3A_867 : vector<16xf32>
        %add3A_869 = arith.constant 9 : i32
        %add3A_870 = arith.addi %mul3A_457, %add3A_869 : i32
        %get3A_871 = arith.index_cast %add3A_870 : i32 to index
        %get3A_872 = arith.constant 48 : index
        %get3A_873 = tpu.vector_load %arg11[%get3A_871, %get3A_872] {strides = array<i32>} : memref<640x64xf32, #tpu.memory_space<vmem>>, vector<16xf32>,
        %add3A_874 = arith.addf %add3A_868, %get3A_873 : vector<16xf32>
        %add3A_875 = arith.constant 10 : i32
        %add3A_876 = arith.addi %mul3A_457, %add3A_875 : i32
        %get3A_877 = arith.index_cast %add3A_876 : i32 to index
        %get3A_878 = arith.constant 48 : index
        %get3A_879 = tpu.vector_load %arg11[%get3A_877, %get3A_878] {strides = array<i32>} : memref<640x64xf32, #tpu.memory_space<vmem>>, vector<16xf32>,
        %add3A_880 = arith.addf %add3A_874, %get3A_879 : vector<16xf32>
        %add3A_881 = arith.constant 11 : i32
        %add3A_882 = arith.addi %mul3A_457, %add3A_881 : i32
        %get3A_883 = arith.index_cast %add3A_882 : i32 to index
        %get3A_884 = arith.constant 48 : index
        %get3A_885 = tpu.vector_load %arg11[%get3A_883, %get3A_884] {strides = array<i32>} : memref<640x64xf32, #tpu.memory_space<vmem>>, vector<16xf32>,
        %add3A_886 = arith.addf %add3A_880, %get3A_885 : vector<16xf32>
        %add3A_887 = arith.constant 12 : i32
        %add3A_888 = arith.addi %mul3A_457, %add3A_887 : i32
        %get3A_889 = arith.index_cast %add3A_888 : i32 to index
        %get3A_890 = arith.constant 48 : index
        %get3A_891 = tpu.vector_load %arg11[%get3A_889, %get3A_890] {strides = array<i32>} : memref<640x64xf32, #tpu.memory_space<vmem>>, vector<16xf32>,
        %add3A_892 = arith.addf %add3A_886, %get3A_891 : vector<16xf32>
        %add3A_893 = arith.constant 13 : i32
        %add3A_894 = arith.addi %mul3A_457, %add3A_893 : i32
        %get3A_895 = arith.index_cast %add3A_894 : i32 to index
        %get3A_896 = arith.constant 48 : index
        %get3A_897 = tpu.vector_load %arg11[%get3A_895, %get3A_896] {strides = array<i32>} : memref<640x64xf32, #tpu.memory_space<vmem>>, vector<16xf32>,
        %add3A_898 = arith.addf %add3A_892, %get3A_897 : vector<16xf32>
        %add3A_899 = arith.constant 14 : i32
        %add3A_900 = arith.addi %mul3A_457, %add3A_899 : i32
        %get3A_901 = arith.index_cast %add3A_900 : i32 to index
        %get3A_902 = arith.constant 48 : index
        %get3A_903 = tpu.vector_load %arg11[%get3A_901, %get3A_902] {strides = array<i32>} : memref<640x64xf32, #tpu.memory_space<vmem>>, vector<16xf32>,
        %add3A_904 = arith.addf %add3A_898, %get3A_903 : vector<16xf32>
        %add3A_905 = arith.constant 15 : i32
        %add3A_906 = arith.addi %mul3A_457, %add3A_905 : i32
        %get3A_907 = arith.index_cast %add3A_906 : i32 to index
        %get3A_908 = arith.constant 48 : index
        %get3A_909 = tpu.vector_load %arg11[%get3A_907, %get3A_908] {strides = array<i32>} : memref<640x64xf32, #tpu.memory_space<vmem>>, vector<16xf32>,
        %add3A_910 = arith.addf %add3A_904, %get3A_909 : vector<16xf32>
        %add3A_911 = arith.constant 16 : i32
        %add3A_912 = arith.addi %mul3A_457, %add3A_911 : i32
        %get3A_913 = arith.index_cast %add3A_912 : i32 to index
        %get3A_914 = arith.constant 48 : index
        %get3A_915 = tpu.vector_load %arg11[%get3A_913, %get3A_914] {strides = array<i32>} : memref<640x64xf32, #tpu.memory_space<vmem>>, vector<16xf32>,
        %add3A_916 = arith.addf %add3A_910, %get3A_915 : vector<16xf32>
        %add3A_917 = arith.constant 17 : i32
        %add3A_918 = arith.addi %mul3A_457, %add3A_917 : i32
        %get3A_919 = arith.index_cast %add3A_918 : i32 to index
        %get3A_920 = arith.constant 48 : index
        %get3A_921 = tpu.vector_load %arg11[%get3A_919, %get3A_920] {strides = array<i32>} : memref<640x64xf32, #tpu.memory_space<vmem>>, vector<16xf32>,
        %add3A_922 = arith.addf %add3A_916, %get3A_921 : vector<16xf32>
        %add3A_923 = arith.constant 18 : i32
        %add3A_924 = arith.addi %mul3A_457, %add3A_923 : i32
        %get3A_925 = arith.index_cast %add3A_924 : i32 to index
        %get3A_926 = arith.constant 48 : index
        %get3A_927 = tpu.vector_load %arg11[%get3A_925, %get3A_926] {strides = array<i32>} : memref<640x64xf32, #tpu.memory_space<vmem>>, vector<16xf32>,
        %add3A_928 = arith.addf %add3A_922, %get3A_927 : vector<16xf32>
        %add3A_929 = arith.constant 19 : i32
        %add3A_930 = arith.addi %mul3A_457, %add3A_929 : i32
        %get3A_931 = arith.index_cast %add3A_930 : i32 to index
        %get3A_932 = arith.constant 48 : index
        %get3A_933 = tpu.vector_load %arg11[%get3A_931, %get3A_932] {strides = array<i32>} : memref<640x64xf32, #tpu.memory_space<vmem>>, vector<16xf32>,
        %add3A_934 = arith.addf %add3A_928, %get3A_933 : vector<16xf32>
        %swap3A_935 = arith.index_cast %scan3A_454 : i32 to index
        %swap3A_936 = arith.constant 48 : index
        %swap3A_937 = tpu.vector_load %arg14[%swap3A_935, %swap3A_936] {strides = array<i32>} : memref<32x64xf32, #tpu.memory_space<vmem>>, vector<16xf32>,
        tpu.vector_store %arg14[%swap3A_935, %swap3A_936], %add3A_934 {strides = array<i32>} : memref<32x64xf32, #tpu.memory_space<vmem>>, vector<16xf32>,
        %scan3A_938 = arith.constant 0 : i32
        scf.yield %scan3A_938 : i32
      }
      %scan3A_250 = arith.constant 32 : i32
      %iota3A_251 = tpu.iota {dimensions = array<i32: 0>} : vector<16xi32>
      %add3A_252 = arith.constant 0 : i32
      %add3A_253 = vector.broadcast %add3A_252 : i32 to vector<16xi32>
      %add3A_254 = arith.addi %iota3A_251, %add3A_253 : vector<16xi32>
      %broadcast_in_dim3A_255 = arith.constant 0.000000e+00 : f32
      %broadcast_in_dim3A_256 = vector.broadcast %broadcast_in_dim3A_255 : f32 to vector<16xf32>
      %scan3A_257 = arith.constant 0 : i32
      %scan3A_258 = arith.constant 64 : i32
      %scan3A_259 = arith.addi %scan3A_257, %scan3A_258 : i32
      %scan3A_260 = arith.constant 1 : i32
      %scan3A_261 = scf.for %scan3A_454 = %scan3A_257 to %scan3A_259 step %scan3A_260 iter_args(%scan3A_455 = %broadcast_in_dim3A_256) -> (vector<16xf32>)  : i32 {
        %broadcast_in_dim3A_456 = vector.broadcast %scan3A_454 : i32 to vector<16xi32>
        %gather3A = tpu.vector_load_idx %arg14[%add3A_254, %broadcast_in_dim3A_456] : memref<32x64xf32, #tpu.memory_space<vmem>>[vector<16xi32>, vector<16xi32>], vector<16xf32>,
        %gather3A_457 = tpu.vector_load_idx %arg13[%add3A_254, %broadcast_in_dim3A_456] : memref<32x64xf32, #tpu.memory_space<vmem>>[vector<16xi32>, vector<16xi32>], vector<16xf32>,
        %mul3A_458 = arith.mulf %gather3A, %gather3A_457 : vector<16xf32>
        %add3A_459 = arith.addf %scan3A_455, %mul3A_458 : vector<16xf32>
        scf.yield %add3A_459 : vector<16xf32>
      }
      %scan3A_262 = arith.constant 64 : i32
      %swap3A_263 = arith.constant 1 : i32
      %swap3A_264 = arith.index_cast %swap3A_263 : i32 to index
      %swap3A_265 = arith.constant 0 : index
      %swap3A_266 = tpu.vector_load %arg15[%swap3A_264, %swap3A_265] {strides = array<i32>} : memref<2x32xf32, #tpu.memory_space<vmem>>, vector<16xf32>,
      tpu.vector_store %arg15[%swap3A_264, %swap3A_265], %scan3A_261 {strides = array<i32>} : memref<2x32xf32, #tpu.memory_space<vmem>>, vector<16xf32>,
      %add3A_267 = arith.constant 16 : i32
      %add3A_268 = vector.broadcast %add3A_267 : i32 to vector<16xi32>
      %add3A_269 = arith.addi %iota3A_251, %add3A_268 : vector<16xi32>
      %broadcast_in_dim3A_270 = arith.constant 0.000000e+00 : f32
      %broadcast_in_dim3A_271 = vector.broadcast %broadcast_in_dim3A_270 : f32 to vector<16xf32>
      %scan3A_272 = arith.constant 0 : i32
      %scan3A_273 = arith.constant 64 : i32
      %scan3A_274 = arith.addi %scan3A_272, %scan3A_273 : i32
      %scan3A_275 = arith.constant 1 : i32
      %scan3A_276 = scf.for %scan3A_454 = %scan3A_272 to %scan3A_274 step %scan3A_275 iter_args(%scan3A_455 = %broadcast_in_dim3A_271) -> (vector<16xf32>)  : i32 {
        %broadcast_in_dim3A_456 = vector.broadcast %scan3A_454 : i32 to vector<16xi32>
        %gather3A = tpu.vector_load_idx %arg14[%add3A_269, %broadcast_in_dim3A_456] : memref<32x64xf32, #tpu.memory_space<vmem>>[vector<16xi32>, vector<16xi32>], vector<16xf32>,
        %gather3A_457 = tpu.vector_load_idx %arg13[%add3A_269, %broadcast_in_dim3A_456] : memref<32x64xf32, #tpu.memory_space<vmem>>[vector<16xi32>, vector<16xi32>], vector<16xf32>,
        %mul3A_458 = arith.mulf %gather3A, %gather3A_457 : vector<16xf32>
        %add3A_459 = arith.addf %scan3A_455, %mul3A_458 : vector<16xf32>
        scf.yield %add3A_459 : vector<16xf32>
      }
      %scan3A_277 = arith.constant 64 : i32
      %swap3A_278 = arith.constant 1 : i32
      %swap3A_279 = arith.index_cast %swap3A_278 : i32 to index
      %swap3A_280 = arith.constant 16 : index
      %swap3A_281 = tpu.vector_load %arg15[%swap3A_279, %swap3A_280] {strides = array<i32>} : memref<2x32xf32, #tpu.memory_space<vmem>>, vector<16xf32>,
      tpu.vector_store %arg15[%swap3A_279, %swap3A_280], %scan3A_276 {strides = array<i32>} : memref<2x32xf32, #tpu.memory_space<vmem>>, vector<16xf32>,
      %get3A = arith.constant 0 : i32
      %get3A_282 = arith.index_cast %get3A : i32 to index
      %get3A_283 = arith.constant 0 : index
      %get3A_284 = tpu.vector_load %arg15[%get3A_282, %get3A_283] {strides = array<i32>} : memref<2x32xf32, #tpu.memory_space<vmem>>, vector<16xf32>,
      %get3A_285 = arith.constant 1 : i32
      %get3A_286 = arith.index_cast %get3A_285 : i32 to index
      %get3A_287 = arith.constant 0 : index
      %get3A_288 = tpu.vector_load %arg15[%get3A_286, %get3A_287] {strides = array<i32>} : memref<2x32xf32, #tpu.memory_space<vmem>>, vector<16xf32>,
      %abs3A = math.absf %get3A_284 : vector<16xf32>
      %neg3A = arith.constant 0.000000e+00 : f32
      %neg3A_289 = vector.broadcast %neg3A : f32 to vector<16xf32>
      %neg3A_290 = arith.subf %neg3A_289, %abs3A : vector<16xf32>
      %exp3A = math.exp %neg3A_290 : vector<16xf32>
      %add3A_291 = arith.constant 2.000000e+00 : f32
      %add3A_292 = vector.broadcast %add3A_291 : f32 to vector<16xf32>
      %add3A_293 = arith.addf %exp3A, %add3A_292 : vector<16xf32>
      %div3A = arith.divf %exp3A, %add3A_293 : vector<16xf32>
      %mul3A_294 = arith.mulf %div3A, %div3A : vector<16xf32>
      %mul3A_295 = arith.constant 0.111111112 : f32
      %mul3A_296 = vector.broadcast %mul3A_295 : f32 to vector<16xf32>
      %mul3A_297 = arith.mulf %mul3A_294, %mul3A_296 : vector<16xf32>
      %add3A_298 = arith.constant 0.142857149 : f32
      %add3A_299 = vector.broadcast %add3A_298 : f32 to vector<16xf32>
      %add3A_300 = arith.addf %add3A_299, %mul3A_297 : vector<16xf32>
      %mul3A_301 = arith.mulf %mul3A_294, %add3A_300 : vector<16xf32>
      %add3A_302 = arith.constant 2.000000e-01 : f32
      %add3A_303 = vector.broadcast %add3A_302 : f32 to vector<16xf32>
      %add3A_304 = arith.addf %add3A_303, %mul3A_301 : vector<16xf32>
      %mul3A_305 = arith.mulf %mul3A_294, %add3A_304 : vector<16xf32>
      %add3A_306 = arith.constant 0.333333343 : f32
      %add3A_307 = vector.broadcast %add3A_306 : f32 to vector<16xf32>
      %add3A_308 = arith.addf %add3A_307, %mul3A_305 : vector<16xf32>
      %mul3A_309 = arith.mulf %mul3A_294, %add3A_308 : vector<16xf32>
      %add3A_310 = arith.constant 1.000000e+00 : f32
      %add3A_311 = vector.broadcast %add3A_310 : f32 to vector<16xf32>
      %add3A_312 = arith.addf %add3A_311, %mul3A_309 : vector<16xf32>
      %min3A = arith.constant 0.000000e+00 : f32
      %min3A_313 = vector.broadcast %min3A : f32 to vector<16xf32>
      %min3A_314 = arith.minimumf %get3A_284, %min3A_313 : vector<16xf32>
      %mul3A_315 = arith.constant 2.000000e+00 : f32
      %mul3A_316 = vector.broadcast %mul3A_315 : f32 to vector<16xf32>
      %mul3A_317 = arith.mulf %mul3A_316, %div3A : vector<16xf32>
      %mul3A_318 = arith.mulf %mul3A_317, %add3A_312 : vector<16xf32>
      %sub3A = arith.subf %min3A_314, %mul3A_318 : vector<16xf32>
      %neg3A_319 = arith.constant 0.000000e+00 : f32
      %neg3A_320 = vector.broadcast %neg3A_319 : f32 to vector<16xf32>
      %neg3A_321 = arith.subf %neg3A_320, %get3A_288 : vector<16xf32>
      %abs3A_322 = math.absf %neg3A_321 : vector<16xf32>
      %neg3A_323 = arith.constant 0.000000e+00 : f32
      %neg3A_324 = vector.broadcast %neg3A_323 : f32 to vector<16xf32>
      %neg3A_325 = arith.subf %neg3A_324, %abs3A_322 : vector<16xf32>
      %exp3A_326 = math.exp %neg3A_325 : vector<16xf32>
      %add3A_327 = arith.constant 2.000000e+00 : f32
      %add3A_328 = vector.broadcast %add3A_327 : f32 to vector<16xf32>
      %add3A_329 = arith.addf %exp3A_326, %add3A_328 : vector<16xf32>
      %div3A_330 = arith.divf %exp3A_326, %add3A_329 : vector<16xf32>
      %mul3A_331 = arith.mulf %div3A_330, %div3A_330 : vector<16xf32>
      %mul3A_332 = arith.constant 0.111111112 : f32
      %mul3A_333 = vector.broadcast %mul3A_332 : f32 to vector<16xf32>
      %mul3A_334 = arith.mulf %mul3A_331, %mul3A_333 : vector<16xf32>
      %add3A_335 = arith.constant 0.142857149 : f32
      %add3A_336 = vector.broadcast %add3A_335 : f32 to vector<16xf32>
      %add3A_337 = arith.addf %add3A_336, %mul3A_334 : vector<16xf32>
      %mul3A_338 = arith.mulf %mul3A_331, %add3A_337 : vector<16xf32>
      %add3A_339 = arith.constant 2.000000e-01 : f32
      %add3A_340 = vector.broadcast %add3A_339 : f32 to vector<16xf32>
      %add3A_341 = arith.addf %add3A_340, %mul3A_338 : vector<16xf32>
      %mul3A_342 = arith.mulf %mul3A_331, %add3A_341 : vector<16xf32>
      %add3A_343 = arith.constant 0.333333343 : f32
      %add3A_344 = vector.broadcast %add3A_343 : f32 to vector<16xf32>
      %add3A_345 = arith.addf %add3A_344, %mul3A_342 : vector<16xf32>
      %mul3A_346 = arith.mulf %mul3A_331, %add3A_345 : vector<16xf32>
      %add3A_347 = arith.constant 1.000000e+00 : f32
      %add3A_348 = vector.broadcast %add3A_347 : f32 to vector<16xf32>
      %add3A_349 = arith.addf %add3A_348, %mul3A_346 : vector<16xf32>
      %min3A_350 = arith.constant 0.000000e+00 : f32
      %min3A_351 = vector.broadcast %min3A_350 : f32 to vector<16xf32>
      %min3A_352 = arith.minimumf %neg3A_321, %min3A_351 : vector<16xf32>
      %mul3A_353 = arith.constant 2.000000e+00 : f32
      %mul3A_354 = vector.broadcast %mul3A_353 : f32 to vector<16xf32>
      %mul3A_355 = arith.mulf %mul3A_354, %div3A_330 : vector<16xf32>
      %mul3A_356 = arith.mulf %mul3A_355, %add3A_349 : vector<16xf32>
      %sub3A_357 = arith.subf %min3A_352, %mul3A_356 : vector<16xf32>
      %add3A_358 = arith.addf %sub3A, %sub3A_357 : vector<16xf32>
      %neg3A_359 = arith.constant 0.000000e+00 : f32
      %neg3A_360 = vector.broadcast %neg3A_359 : f32 to vector<16xf32>
      %neg3A_361 = arith.subf %neg3A_360, %add3A_358 : vector<16xf32>
      %swap3A_362 = arith.constant 0 : index
      %swap3A_363 = tpu.vector_load %arg16[%swap3A_362] {strides = array<i32>} : memref<32xf32, #tpu.memory_space<vmem>>, vector<16xf32>,
      tpu.vector_store %arg16[%swap3A_362], %neg3A_361 {strides = array<i32>} : memref<32xf32, #tpu.memory_space<vmem>>, vector<16xf32>,
      %get3A_364 = arith.constant 0 : i32
      %get3A_365 = arith.index_cast %get3A_364 : i32 to index
      %get3A_366 = arith.constant 16 : index
      %get3A_367 = tpu.vector_load %arg15[%get3A_365, %get3A_366] {strides = array<i32>} : memref<2x32xf32, #tpu.memory_space<vmem>>, vector<16xf32>,
      %get3A_368 = arith.constant 1 : i32
      %get3A_369 = arith.index_cast %get3A_368 : i32 to index
      %get3A_370 = arith.constant 16 : index
      %get3A_371 = tpu.vector_load %arg15[%get3A_369, %get3A_370] {strides = array<i32>} : memref<2x32xf32, #tpu.memory_space<vmem>>, vector<16xf32>,
      %abs3A_372 = math.absf %get3A_367 : vector<16xf32>
      %neg3A_373 = arith.constant 0.000000e+00 : f32
      %neg3A_374 = vector.broadcast %neg3A_373 : f32 to vector<16xf32>
      %neg3A_375 = arith.subf %neg3A_374, %abs3A_372 : vector<16xf32>
      %exp3A_376 = math.exp %neg3A_375 : vector<16xf32>
      %add3A_377 = arith.constant 2.000000e+00 : f32
      %add3A_378 = vector.broadcast %add3A_377 : f32 to vector<16xf32>
      %add3A_379 = arith.addf %exp3A_376, %add3A_378 : vector<16xf32>
      %div3A_380 = arith.divf %exp3A_376, %add3A_379 : vector<16xf32>
      %mul3A_381 = arith.mulf %div3A_380, %div3A_380 : vector<16xf32>
      %mul3A_382 = arith.constant 0.111111112 : f32
      %mul3A_383 = vector.broadcast %mul3A_382 : f32 to vector<16xf32>
      %mul3A_384 = arith.mulf %mul3A_381, %mul3A_383 : vector<16xf32>
      %add3A_385 = arith.constant 0.142857149 : f32
      %add3A_386 = vector.broadcast %add3A_385 : f32 to vector<16xf32>
      %add3A_387 = arith.addf %add3A_386, %mul3A_384 : vector<16xf32>
      %mul3A_388 = arith.mulf %mul3A_381, %add3A_387 : vector<16xf32>
      %add3A_389 = arith.constant 2.000000e-01 : f32
      %add3A_390 = vector.broadcast %add3A_389 : f32 to vector<16xf32>
      %add3A_391 = arith.addf %add3A_390, %mul3A_388 : vector<16xf32>
      %mul3A_392 = arith.mulf %mul3A_381, %add3A_391 : vector<16xf32>
      %add3A_393 = arith.constant 0.333333343 : f32
      %add3A_394 = vector.broadcast %add3A_393 : f32 to vector<16xf32>
      %add3A_395 = arith.addf %add3A_394, %mul3A_392 : vector<16xf32>
      %mul3A_396 = arith.mulf %mul3A_381, %add3A_395 : vector<16xf32>
      %add3A_397 = arith.constant 1.000000e+00 : f32
      %add3A_398 = vector.broadcast %add3A_397 : f32 to vector<16xf32>
      %add3A_399 = arith.addf %add3A_398, %mul3A_396 : vector<16xf32>
      %min3A_400 = arith.constant 0.000000e+00 : f32
      %min3A_401 = vector.broadcast %min3A_400 : f32 to vector<16xf32>
      %min3A_402 = arith.minimumf %get3A_367, %min3A_401 : vector<16xf32>
      %mul3A_403 = arith.constant 2.000000e+00 : f32
      %mul3A_404 = vector.broadcast %mul3A_403 : f32 to vector<16xf32>
      %mul3A_405 = arith.mulf %mul3A_404, %div3A_380 : vector<16xf32>
      %mul3A_406 = arith.mulf %mul3A_405, %add3A_399 : vector<16xf32>
      %sub3A_407 = arith.subf %min3A_402, %mul3A_406 : vector<16xf32>
      %neg3A_408 = arith.constant 0.000000e+00 : f32
      %neg3A_409 = vector.broadcast %neg3A_408 : f32 to vector<16xf32>
      %neg3A_410 = arith.subf %neg3A_409, %get3A_371 : vector<16xf32>
      %abs3A_411 = math.absf %neg3A_410 : vector<16xf32>
      %neg3A_412 = arith.constant 0.000000e+00 : f32
      %neg3A_413 = vector.broadcast %neg3A_412 : f32 to vector<16xf32>
      %neg3A_414 = arith.subf %neg3A_413, %abs3A_411 : vector<16xf32>
      %exp3A_415 = math.exp %neg3A_414 : vector<16xf32>
      %add3A_416 = arith.constant 2.000000e+00 : f32
      %add3A_417 = vector.broadcast %add3A_416 : f32 to vector<16xf32>
      %add3A_418 = arith.addf %exp3A_415, %add3A_417 : vector<16xf32>
      %div3A_419 = arith.divf %exp3A_415, %add3A_418 : vector<16xf32>
      %mul3A_420 = arith.mulf %div3A_419, %div3A_419 : vector<16xf32>
      %mul3A_421 = arith.constant 0.111111112 : f32
      %mul3A_422 = vector.broadcast %mul3A_421 : f32 to vector<16xf32>
      %mul3A_423 = arith.mulf %mul3A_420, %mul3A_422 : vector<16xf32>
      %add3A_424 = arith.constant 0.142857149 : f32
      %add3A_425 = vector.broadcast %add3A_424 : f32 to vector<16xf32>
      %add3A_426 = arith.addf %add3A_425, %mul3A_423 : vector<16xf32>
      %mul3A_427 = arith.mulf %mul3A_420, %add3A_426 : vector<16xf32>
      %add3A_428 = arith.constant 2.000000e-01 : f32
      %add3A_429 = vector.broadcast %add3A_428 : f32 to vector<16xf32>
      %add3A_430 = arith.addf %add3A_429, %mul3A_427 : vector<16xf32>
      %mul3A_431 = arith.mulf %mul3A_420, %add3A_430 : vector<16xf32>
      %add3A_432 = arith.constant 0.333333343 : f32
      %add3A_433 = vector.broadcast %add3A_432 : f32 to vector<16xf32>
      %add3A_434 = arith.addf %add3A_433, %mul3A_431 : vector<16xf32>
      %mul3A_435 = arith.mulf %mul3A_420, %add3A_434 : vector<16xf32>
      %add3A_436 = arith.constant 1.000000e+00 : f32
      %add3A_437 = vector.broadcast %add3A_436 : f32 to vector<16xf32>
      %add3A_438 = arith.addf %add3A_437, %mul3A_435 : vector<16xf32>
      %min3A_439 = arith.constant 0.000000e+00 : f32
      %min3A_440 = vector.broadcast %min3A_439 : f32 to vector<16xf32>
      %min3A_441 = arith.minimumf %neg3A_410, %min3A_440 : vector<16xf32>
      %mul3A_442 = arith.constant 2.000000e+00 : f32
      %mul3A_443 = vector.broadcast %mul3A_442 : f32 to vector<16xf32>
      %mul3A_444 = arith.mulf %mul3A_443, %div3A_419 : vector<16xf32>
      %mul3A_445 = arith.mulf %mul3A_444, %add3A_438 : vector<16xf32>
      %sub3A_446 = arith.subf %min3A_441, %mul3A_445 : vector<16xf32>
      %add3A_447 = arith.addf %sub3A_407, %sub3A_446 : vector<16xf32>
      %neg3A_448 = arith.constant 0.000000e+00 : f32
      %neg3A_449 = vector.broadcast %neg3A_448 : f32 to vector<16xf32>
      %neg3A_450 = arith.subf %neg3A_449, %add3A_447 : vector<16xf32>
      %swap3A_451 = arith.constant 16 : index
      %swap3A_452 = tpu.vector_load %arg16[%swap3A_451] {strides = array<i32>} : memref<32xf32, #tpu.memory_space<vmem>>, vector<16xf32>,
      tpu.vector_store %arg16[%swap3A_451], %neg3A_450 {strides = array<i32>} : memref<32xf32, #tpu.memory_space<vmem>>, vector<16xf32>,
      "tpu.region"() ({
        %run_scoped3A = tpu.sem_alloc : memref<!tpu.dma_semaphore, #tpu.memory_space<semaphore_mem>>
        %dma_start3A_454 = tpu.memref_slice %arg7[%add3A_62] : memref<16384xf32, #tpu.memory_space<hbm>> -> memref<32xf32, #tpu.memory_space<hbm>>
        %dma_start3A_455 = tpu.memref_slice %arg7[%add3A_62] : memref<16384xf32, #tpu.memory_space<hbm>> -> memref<32xf32, #tpu.memory_space<hbm>>
        tpu.enqueue_dma source(%arg16 : memref<32xf32, #tpu.memory_space<vmem>>) target(%dma_start3A_455 : memref<32xf32, #tpu.memory_space<hbm>>) target_semaphore(%run_scoped3A : memref<!tpu.dma_semaphore, #tpu.memory_space<semaphore_mem>>)
        %dma_wait3A_456 = tpu.memref_slice %arg7[%add3A_62] : memref<16384xf32, #tpu.memory_space<hbm>> -> memref<32xf32, #tpu.memory_space<hbm>>
        %dma_wait3A_457 = tpu.memref_slice %arg7[%add3A_62] : memref<16384xf32, #tpu.memory_space<hbm>> -> memref<32xf32, #tpu.memory_space<hbm>>
        tpu.wait_dma2 semaphore(%run_scoped3A : memref<!tpu.dma_semaphore, #tpu.memory_space<semaphore_mem>>) src(%arg16 : memref<32xf32, #tpu.memory_space<vmem>>) dst(%dma_wait3A_457 : memref<32xf32, #tpu.memory_space<hbm>>)
        tpu.yield
      }) : () -> ()
      %scan3A_453 = arith.constant 0 : i32
      scf.yield %scan3A_453 : i32
    }
    %scan3A_55 = arith.constant 16 : i32
    return
  }
}

</mosaic_0001>

<sc_bundles>
// kernel: gather_offload_async_start.1
scs
__scs_entry_jumppad:
0x0: {  	(pc) =	sbr.rel $0x88, $3  }
0x1: {  	(tag) =	ssettag $0x0;
	lr =	simm.s32 $0x1  }
0x2: {  	[smem:$0x3F9B] =	sst lr;
	_ =	strace $0xD0000000  }
0x3: {  	_ = 	snop  }
0x4: {  	_ = 	snop  }
0x5: {  	_ = 	snop  }
0x6: {  	_ = 	snop  }
0x7: {  	_ = 	snop  }
__scs_overlays_trampoline_lowered:
0x8: {  	[smem:$0x3FAA] =	sst s0  }
0x9: {  	[smem:$0x3FAB] =	sst s1  }
0xa: {  	[smem:$0x3FAC] =	sst s2  }
0xb: {  	[smem:$0x3FAD] =	sst s3  }
0xc: {  	[smem:$0x3FAE] =	sst s4  }
0xd: {  	[smem:$0x3FAF] =	sst s5  }
0xe: {  	[smem:$0x3FB0] =	sst s6  }
0xf: {  	[smem:$0x3FB1] =	sst s7  }
0x10: {  	[smem:$0x3FB2] =	sst s8  }
0x11: {  	[smem:$0x3FB3] =	sst s9;
	s0 =	simm.s32 @!p0 $0x0  }
0x12: {  	s1 =	sld [smem:$0x3F99];
	s0 =	simm.s32 @p0 $0x1  }
0x13: {  	[smem:$0x3FB4] =	sst s0;
	s0 =	simm.s32 @!p1 $0x0  }
0x14: {  	s2 =	sld [smem:$0x3F98];
	s0 =	simm.s32 @p1 $0x1  }
0x15: {  	[smem:$0x3FB5] =	sst s0;
	s0 =	simm.s32 @!p2 $0x0  }
0x16: {  	s3 =	sld [smem:$0x3FDB];
	s0 =	simm.s32 @p2 $0x1  }
0x17: {  	s4 =	simm.s32 $0x1BF5;
	[smem:$0x3FB7] =	sst s0  }
0x18: {  	s0 =	sld [smem:$0x3F9A];
	_ =	swait.ge [sflag:s4], $0x0  }
0x19: {  	s7 =	sld [smem:$0x3F9B]  }
0x1a: {  	s8 =	sadd.s32 $0xFFFFE003, lr  }
0x1b: {  	s9 =	sadd.s32 $0xFFFFFEF7, lr;
	s5 =	simm.s32 $0xFFFFFFFF;
	p2 =	slt.u32 s8, $0xFFFFF086  }
0x1c: {  	p1 =	slt.u32 s9, $0xF7A;
	s5 =	simm.s32 @!p2 $0x0  }
0x1d: {  	s5 =	simm.s32 @p1 $0x1;
	p0 =	seq.s32 s7, s2  }
0x1e: {  	s7 =	smul.u32 @!p0 $0xF7A, s2;
	p2 =	seq.s32 @!p0 s5, $0x0  }
0x1f: {  	s9 =	smul.u32 $0xF7A, s1;
	s8 =	simm.s32 @!p0 $0x1BF5;
	p2 =	por !p2, p0  }
0x20: {  	[sflag:s8] =	ssyncset.s32 @!p0 $0xFFFFF086;
	s6 =	sadd.s32 @!p0 s3, s7;
	s7 =	simm.s32 @!p0 $0x108  }
0x21: {  	s3 =	sadd.s32 s3, s9;
	s6 =	sadd.s32 @!p0 $0x88, s6;
	s7 =	simm.s32 @p2 $0x1082  }
0x22: {  	[simem:s7], [sflag:s8] =	dma.local @!p0 [hbm:s6], $0xF7A  }
0x23: {  	s9 =	sor.u32 $0xD0000000, s2;
	s6 =	simm.s32 $0x108;
	_ =	swait.ge @!p0 [sflag:s8], $0x0  }
0x24: {  	s3 =	sadd.s32 $0x88, s3;
	s6 =	simm.s32 @!p1 $0x1082;
	[sflag:s4] =	ssyncset.s32 $0xFFFFF086  }
0x25: {  	[simem:s6], [sflag:s4] =	dma.local [hbm:s3], $0xF7A  }
0x26: {  	[smem:$0x3F9B] =	sst s1;
	(tag) =	ssettag s2;
	_ =	strace s9  }
0x27: {  	s1 =	sld [smem:$0x3FAB]  }
0x28: {  	s2 =	sld [smem:$0x3FAC]  }
0x29: {  	s4 =	sld [smem:$0x3FAE]  }
0x2a: {  	p0 =	seq.s32 s5, $0x0;
	s5 =	sld [smem:$0x3FAF]  }
0x2b: {  	s6 =	sld [smem:$0x3FB0]  }
0x2c: {  	s7 =	sld [smem:$0x3FB1]  }
0x2d: {  	s3 =	simm.s32 $0x108;
	s8 =	sld [smem:$0x3FB2]  }
0x2e: {  	s3 =	simm.s32 @!p0 $0x1082;
	s9 =	sld [smem:$0x3FB3]  }
0x2f: {  	lr =	sadd.s32 s0, s3;
	s0 =	sld [smem:$0x3FAA]  }
0x30: {  	s3 =	sld [smem:$0x3FAD]  }
0x31: {  	[smem:$0x3FB6] =	sst s10  }
0x32: {  	s10 =	sld [smem:$0x3FB4];
	_ =	sdelay $0x3  }
0x33: {  	p0 =	seq.s32 s10, $0x1;
	s10 =	sld [smem:$0x3FB6];
	_ =	sdelay $0x3  }
0x34: {  	[smem:$0x3FB6] =	sst s10  }
0x35: {  	s10 =	sld [smem:$0x3FB5];
	_ =	sdelay $0x3  }
0x36: {  	p1 =	seq.s32 s10, $0x1;
	s10 =	sld [smem:$0x3FB6];
	_ =	sdelay $0x3  }
0x37: {  	[smem:$0x3FB6] =	sst s10  }
0x38: {  	s10 =	sld [smem:$0x3FB7]  }
0x39: {  	_ = 	snop;
	(pc) =	sbr.ind lr, $3  }
0x3a: {  	_ = 	snop  }
0x3b: {  	_ = 	snop  }
0x3c: {  	p2 =	seq.s32 s10, $0x1;
	s10 =	sld [smem:$0x3FB6]  }
0x3d: {  	_ =	shalt  }
0x3e: {  	_ =	shalt  }
0x3f: {  	_ =	shalt  }
0x40: {  	_ =	shalt  }
0x41: {  	_ =	shalt  }
0x42: {  	_ =	shalt  }
0x43: {  	_ =	shalt  }
0x44: {  	_ =	shalt  }
0x45: {  	_ =	shalt  }
0x46: {  	_ =	shalt  }
0x47: {  	_ =	shalt  }
0x48: {  	_ =	shalt  }
0x49: {  	_ =	shalt  }
0x4a: {  	_ =	shalt  }
0x4b: {  	_ =	shalt  }
0x4c: {  	_ =	shalt  }
0x4d: {  	_ =	shalt  }
0x4e: {  	_ =	shalt  }
0x4f: {  	_ =	shalt  }
0x50: {  	_ =	shalt  }
0x51: {  	_ =	shalt  }
0x52: {  	_ =	shalt  }
0x53: {  	_ =	shalt  }
0x54: {  	_ =	shalt  }
0x55: {  	_ =	shalt  }
0x56: {  	_ =	shalt  }
0x57: {  	_ =	shalt  }
0x58: {  	_ =	shalt  }
0x59: {  	_ =	shalt  }
0x5a: {  	_ =	shalt  }
0x5b: {  	_ =	shalt  }
0x5c: {  	_ =	shalt  }
0x5d: {  	_ =	shalt  }
0x5e: {  	_ =	shalt  }
0x5f: {  	_ =	shalt  }
0x60: {  	_ =	shalt  }
0x61: {  	_ =	shalt  }
0x62: {  	_ =	shalt  }
0x63: {  	_ =	shalt  }
0x64: {  	_ =	shalt  }
0x65: {  	_ =	shalt  }
0x66: {  	_ =	shalt  }
0x67: {  	_ =	shalt  }
0x68: {  	_ =	shalt  }
0x69: {  	_ =	shalt  }
0x6a: {  	_ =	shalt  }
0x6b: {  	_ =	shalt  }
0x6c: {  	_ =	shalt  }
0x6d: {  	_ =	shalt  }
0x6e: {  	_ =	shalt  }
0x6f: {  	_ =	shalt  }
0x70: {  	_ =	shalt  }
0x71: {  	_ =	shalt  }
0x72: {  	_ =	shalt  }
0x73: {  	_ =	shalt  }
0x74: {  	_ =	shalt  }
0x75: {  	_ =	shalt  }
0x76: {  	_ =	shalt  }
0x77: {  	_ =	shalt  }
0x78: {  	_ =	shalt  }
0x79: {  	_ =	shalt  }
0x7a: {  	_ =	shalt  }
0x7b: {  	_ =	shalt  }
0x7c: {  	_ =	shalt  }
0x7d: {  	_ =	shalt  }
0x7e: {  	_ =	shalt  }
0x7f: {  	_ =	shalt  }
0x80: {  	_ =	shalt  }
0x81: {  	_ =	shalt  }
0x82: {  	_ =	shalt  }
0x83: {  	_ =	shalt  }
0x84: {  	_ =	shalt  }
0x85: {  	_ =	shalt  }
0x86: {  	_ =	shalt  }
0x87: {  	_ =	shalt  }
.Lfunc_end0:
.L_simem_size_0:
called_computation.1_lowered:
.L_overlay_start_0:
0x88: {  	s2 =	sld [smem:$0x3FD9]  }
0x89: {  	s3 =	sld [smem:$0x3FFE];
	_ =	sdelay $0x1  }
0x8a: {  	s1 =	srdreg.scid  }
0x8b: {  	s0 =	sand.u32 $0x1, s1  }
0x8c: {  	s16 =	sshll.u32 s0, $0xA;
	s2 =	sadd.s32 s3, s2  }
0x8d: {  	s2 =	sadd.s32 s2, s16  }
0x8e: {  	[smem:$0x3FC2] =	sst s2  }
0x8f: {  	_ = 	snop  }
0x90: {  	(tm) =	ssettm $0x1  }
0x91: {  	s17 =	sld [smem:$0x3FFB];
	_ =	sdelay $0x3  }
0x92: {  	_ =	strace s17  }
0x93: {  	s2 =	sld [smem:$0x3FFC];
	_ =	sdelay $0x3  }
0x94: {  	_ =	strace s2  }
0x95: {  	s2 =	sld [smem:$0x3FFD];
	_ =	sdelay $0x3  }
0x96: {  	_ =	strace s2  }
0x97: {  	_ =	strace $0x8FFFFFFF  }
0x98: {  	s18 =	sld [smem:$0x3FDB];
	_ =	sdelay $0x1  }
0x99: {  	s19 =	simm.s32 $_scs_section_size  }
0x9a: {  	s4 =	simm.s32 $_size__tile_overlayer_lowered;
	s5 =	simm.s32 $_tile_overlayer_lowered  }
0x9b: {  	s22 =	simm.s32 $0x1BFF;
	s21 =	sshll.u32 s5, $0x1;
	s2 =	sadd.s32 s19, s18  }
0x9c: {  	s6 =	simm.s32 $0x0;
	s20 =	sshll.u32 s4, $0x1;
	s4 =	sadd.s32 s21, s2  }
0x9d: {  	[timem:s6], [sflag:s22] =	dma.local [hbm:s4], s20  }
0x9e: {  	_ =	swait.ge [sflag:s22], s20  }
0x9f: {  	s3 =	ssub.s32 $0x0, s20;
	[sflag:s22] =	ssyncset.done $0x0  }
0xa0: {  	[sflag:s22] =	ssyncadd.s32 s3;
	_ =	sdelay $0x1  }
0xa1: {  	s23 =	simm.s32 $0x1B8B  }
0xa2: {  	_ =	swait.ge [sflag:s23], $0x1  }
0xa3: {  	[sflag:s23] =	ssyncset.done $0x0  }
0xa4: {  	s25 =	simm.s32 $0x1B8E;
	s24 =	sld [smem:$0x3FFE];
	[sflag:s23] =	ssyncadd.s32 $0xFFFFFFFF  }
0xa5: {  	s26 =	simm.s32 $execute0_lowered;
	[smem:$0x3FD2] =	sst s25  }
0xa6: {  	s4 =	sshll.u32 s26, $0x1;
	_ =	strace $0x80000046;
	[dreg:$0x1] =	wrdreg $0xFFFFFFFF  }
0xa7: {  	s28 =	simm.s32 $_size_execute0_lowered;
	s2 =	sadd.s32 s2, s4;
	[dreg:$0x0] =	wrdreg $0x0  }
0xa8: {  	s4 =	sshll.u32 s28, $0x1;
	[dreg:$0x2] =	wrdreg s2  }
0xa9: {  	[dreg:$0x3] =	wrdreg s4  }
0xaa: {  	[dreg:$0x4] =	wrdreg $0xC0  }
0xab: {  	_ =	task [dreg:s6], $0x5FFFF  }
0xac: {  	[dreg:$0x1] =	wrdreg $0xFFFFFFFF  }
0xad: {  	[dreg:$0x0] =	wrdreg $0x60  }
0xae: {  	[dreg:$0x2] =	wrdreg s24  }
0xaf: {  	[dreg:$0x3] =	wrdreg $0xA  }
0xb0: {  	_ =	task.clear_ibuf [dreg:s6], $0x4FFFF;
	_ =	strace $0x90000046  }
0xb1: {  	s29 =	simm.s32 $0xA;
	_ =	strace $0x80000048  }
0xb2: {  	_ =	swait.ge [sflag:s29], $0x1  }
0xb3: {  	[sflag:s29] =	ssyncadd.s32 $0xFFFFFFFF  }
0xb4: {  	_ =	strace $0x90000048  }
0xb5: {  	_ =	sfence  }
0xb6: {  	s30 =	sld [smem:$0x0];
	_ =	sdelay $0x2  }
0xb7: {  	s31 =	sshll.u32 s1, $0xD;
	s1 =	sshrl.u32 s1, $0x2  }
0xb8: {  	s3 =	sand.u32 $0x4000, s31;
	s1 =	sadd.s32 s1, s30  }
0xb9: {  	s0 =	sor.u32 s3, s0;
	s1 =	sshll.u32 s1, $0x11  }
0xba: {  	s0 =	sor.u32 s1, s0  }
0xbb: {  	s0 =	sadd.s32 $0x8F2B, s0  }
0xbc: {  	[sflag:s0] =	ssyncadd.remote.s32 $0x1  }
0xbd: {  	_ =	sfence.sel $0xFFFF  }
0xbe: {  	[dreg:$0x0] =	wrdreg $0xFFFFFFFF;
	(pc) =	sbr.abs _section_cstart, $3  }
0xbf: {  	[dreg:$0x1] =	wrdreg $0xFFFFFFFF  }
0xc0: {  	_ =	task.clear_ibuf [dreg:s6], $0x2FFFF;
	_ =	strace $0x9FFFFFFF  }
0xc1: {  	(tm) =	ssettm $0x7FFFFFFF  }
tec
execute0_lowered:
.L_overlay_start_1:
0x0: {  	(tag) =	ssettag $0x1  }
0x1: {  	s7 =	rddreg [dreg:$0x0]  }
0x2: {  	s0 =	rddreg [dreg:$0x1];
	_ =	strace $0x80000047  }
0x3: {  	s1 =	srdreg.scid;
	s4 =	simm.s32 $0x1;
	s9 =	simm.s32 $0x3  }
0x4: {  	s11 =	simm.s32 $0x0;
	p0 =	por $0x0, $0x0;
	s5 =	sshll.u32 s1, $0x4  }
.Ltmp0:
0x5: {  	s1 =	stileid.u32;
	s5 =	sand.u32 $0x10, s5;
	(pc) =	sbr.rel .LBB2_1-.Ltmp0, $4  }
0x6: {  	s2 =	sadd.s32 $0x2200, s7;
	s3 =	sadd.s32 $0x1800, s7;
	s6 =	sor.u32 s1, s5  }
0x7: {  	[sflag:s4] =	ssyncpa.u1 $0x0;
	s5 =	simm.s32 $0x2;
	s6 =	sshll.u32 s6, $0x9  }
0x8: {  	s7 =	sadd.s32 $0xF44600, s7;
	[sflag:s5] =	ssyncpa.u1 $0x0;
	s8 =	sadd.s32 $0x200, s6  }
0x9: {  	vm0 =	vmmov $0xff;
	vm1 =	vcmask $0x3F20;
	[sflag:s9] =	ssyncpa.u1 $0x0;
	s10 =	smov.u32 s6;
	s9 =	simm.s32 $0x0  }
.LBB2_7:
0xa: {  	p1 =	slt.u32 s9, $0x2;
	s11 =	sadd.s32 $0x100, s10  }
0xb: {  	s13 =	smov.u32 s6;
	s9 =	sadd.s32 $0x1, s9;
	p2 =	slt.s32 s11, s8  }
0xc: {  	s13 =	smov.u32 @p2 s11;
	p2 =	sne.s32 s9, $0x4  }
.Ltmp1:
0xd: {  	_ = 	snop;
	(pc) =	sbr.rel @!p2 .LBB2_8-.Ltmp1, $4  }
0xe: {  	s12 =	simm.s32 @!p1 $0x3  }
0xf: {  	_ =	swait.ge @!p1 [sflag:s12], $0x8000  }
0x10: {  	p0 =	por !p0, !p0;
	[sflag:s12] =	ssyncset.done @!p1 $0x0  }
0x11: {  	s11 =	smov.u32 s10;
	s10 =	smov.u32 s13;
	[sflag:s12] =	ssyncadd.s32 @!p1 $0xFFFF8000  }
.LBB2_1:
0x12: {  	p1 =	sgt.u32 s9, $0x1  }
0x13: {  	s12 =	sshll.u32 @!p1 s9, $0x8;
	s13 =	sshrl.u32 @!p1 s10, $0x3  }
0x14: {  	s14 =	sand.u32 @!p1 $0x7, s10;
	s12 =	sxor.u32 @!p1 $0x100, s12;
	s13 =	sadd.s32 @!p1 s3, s13  }
0x15: {  	[tilespmem:s12], [sflag:$0x2] =	stream.linear.gather @!p1 [hbm4b:s13+s14], $0x100, $0x38;
	[tilespmem:$0x10200] =	vst v63  }
0x16: {  	p1 =	seq.s32 s9, $0x0  }
0x17: {  	p2 =	seq.s32 @!p1 s9, $0x3  }
0x18: {  	p1 =	por p1, p2  }
.Ltmp2:
0x19: {  	_ = 	snop;
	(pc) =	sbr.rel @p1 .LBB2_7-.Ltmp2, $1  }
0x1a: {  	_ =	sdelay $0x3  }
0x1b: {  	s12 =	simm.s32 $0x1  }
0x1c: {  	_ =	swait.ge [sflag:s5], $0x100;
	s12 =	simm.s32 @!p0 $0x0  }
0x1d: {  	[sflag:s5] =	ssyncset.done $0x0;
	s14 =	sshll.u32 s12, $0x8  }
0x1e: {  	[sflag:s5] =	ssyncadd.s32 $0xFFFFFF00;
	s13 =	sadd.s32 $0x0, s14  }
0x1f: {  	v0 =	vld.msk [tilespmem:s13+$0x0 ss:$0x1], $0xffff;
	_ =	sdelay $0x4  }
0x20: {  	vm2 =	vgt.s32 v0, $0x0  }
0x21: {  	v0 =	vnsel vm2, $0x0, v0  }
0x22: {  	v0 =	vmin.u32 v0, $0xF423F  }
0x23: {  	v0 =	vshll.u32 v0, $0x4;
	_ =	sdelay $0x2  }
0x24: {  	s12 =	sshll.u32 s12, $0xF  }
0x25: {  	s12 =	sor.u32 $0x200, s12  }
0x26: {  	[tilespmem:s12], [sflag:$0x1] =	stream.indirect_vreg.gather [hbm:s2], $0x80, v0, vm0, $0x38;
	[tilespmem:$0x10200] =	vst v63  }
0x27: {  	s15 =	sadd.s32 $0x10, s14;
	s13 =	sadd.s32 $0x400, s12  }
0x28: {  	[tilespmem:s13], [sflag:$0x1] =	stream.indirect_vreg.gather [hbm:s2], $0x80, v0, vm1, $0x38;
	[tilespmem:$0x10200] =	vst v63  }
0x29: {  	s16 =	simm.s32 $0x80;
	v0 =	vld.msk [tilespmem:s15+$0x0 ss:$0x1], $0xffff;
	s15 =	smov.u32 s12  }
.LBB2_3:
0x2a: {  	p1 =	sne.s32 s16, $0x3C0;
	_ =	sdelay $0x4  }
0x2b: {  	vm2 =	vgt.s32 v0, $0x0  }
0x2c: {  	v0 =	vnsel vm2, $0x0, v0  }
0x2d: {  	v0 =	vmin.u32 v0, $0xF423F  }
0x2e: {  	v0 =	vshll.u32 v0, $0x4;
	_ =	sdelay $0x3  }
.Ltmp3:
0x2f: {  	s17 =	sshra.s32 s16, $0x2;
	s15 =	sadd.s32 $0x800, s15;
	(pc) =	sbr.rel @p1 .LBB2_3-.Ltmp3, $4  }
0x30: {  	[tilespmem:s15], [sflag:$0x1] =	stream.indirect_vreg.gather [hbm:s2], $0x80, v0, vm0, $0x38;
	[tilespmem:$0x10200] =	vst v63  }
0x31: {  	s17 =	sadd.s32 s17, s14;
	s18 =	sadd.s32 $0x400, s15  }
0x32: {  	[tilespmem:s18], [sflag:$0x1] =	stream.indirect_vreg.gather [hbm:s2], $0x80, v0, vm1, $0x38;
	[tilespmem:$0x10200] =	vst v63  }
0x33: {  	s16 =	sadd.s32 $0x40, s16;
	v0 =	vld.msk [tilespmem:s17+$0x0 ss:$0x1], $0xffff  }
0x34: {  	_ =	sdelay $0x3  }
0x35: {  	vm2 =	vgt.s32 v0, $0x0  }
0x36: {  	v0 =	vnsel vm2, $0x0, v0  }
0x37: {  	v0 =	vmin.u32 v0, $0xF423F  }
0x38: {  	v0 =	vshll.u32 v0, $0x4;
	_ =	sdelay $0x3  }
0x39: {  	s14 =	sadd.s32 $0x800, s15  }
0x3a: {  	[tilespmem:s14], [sflag:$0x1] =	stream.indirect_vreg.gather [hbm:s2], $0x80, v0, vm0, $0x38;
	[tilespmem:$0x10200] =	vst v63  }
0x3b: {  	s14 =	sadd.s32 $0x400, s14  }
0x3c: {  	[tilespmem:s14], [sflag:$0x1] =	stream.indirect_vreg.gather [hbm:s2], $0x80, v0, vm1, $0x38;
	[tilespmem:$0x10200] =	vst v63  }
0x3d: {  	s11 =	sshll.u32 s11, $0x4;
	_ =	swait.ge [sflag:s4], $0x8000  }
0x3e: {  	s11 =	sadd.s32 s11, s7;
	[sflag:s4] =	ssyncset.done $0x0  }
0x3f: {  	s15 =	sadd.s32 $0x0, s11;
	s14 =	simm.s32 $0x80;
	[sflag:s4] =	ssyncadd.s32 $0xFFFF8000  }
.LBB2_5:
0x40: {  	[hbm:s15] =	stream.linear.scatter [tilespmem:s12], [sflag:$0x3], $0x400, $0x38;
	[tilespmem:$0x10200] =	vst v63  }
0x41: {  	s15 =	smov.u32 s14;
	s12 =	smov.u32 s13;
	p1 =	sne.s32 s14, $0xF80  }
.Ltmp4:
0x42: {  	s14 =	sadd.s32 $0x80, s14;
	(pc) =	sbr.rel @p1 .LBB2_5-.Ltmp4, $2  }
0x43: {  	_ =	sdelay $0x2  }
0x44: {  	s13 =	sadd.s32 $0x400, s13;
	s15 =	sadd.s32 s15, s11  }
.Ltmp5:
0x45: {  	(pc) =	sbr.rel .LBB2_7-.Ltmp5, $2  }
0x46: {  	_ =	sdelay $0x2  }
0x47: {  	[hbm:s15] =	stream.linear.scatter [tilespmem:s12], [sflag:$0x3], $0x400, $0x38;
	[tilespmem:$0x10200] =	vst v63  }
.LBB2_8:
0x48: {  	_ =	sfence.sel $0x180000  }
0x49: {  	s2 =	simm.s32 $0x2;
	[bflag:$0x0] =	sbarrier.arrive $0xFFFF  }
0x4a: {  	s30 =	simm.s32 $0x3;
	[sflag:s2] =	ssyncpa.u1 $0x1  }
0x4b: {  	s31 =	simm.s32 $0x1;
	[sflag:s30] =	ssyncpa.u1 $0x1  }
0x4c: {  	[sflag:s31] =	ssyncpa.u1 $0x1  }
0x4d: {  	p0 =	sne.s32 s1, $0x0;
	_ =	strace $0x90000047  }
0x4e: {  	s0 =	sadd.s32 @!p0 $0x100000, s0;
	[bflag:$0x2] =	sbarrier.arrive $0xFFFF  }
0x4f: {  	[sflag:s0] =	ssyncadd.tile.s32 @!p0 $0x1;
	_ =	shalt  }
.Lfunc_end2:
_tile_overlayer_lowered:
.L_overlay_start_2:
0x50: {  	(tag) =	ssettag $0x2  }
0x51: {  	s0 =	rddreg [dreg:$0x0];
	s2 =	stileid.u32  }
0x52: {  	s1 =	rddreg [dreg:$0x1];
	p0 =	sne.s32 s2, $0x0  }
0x53: {  	s3 =	rddreg [dreg:$0x2];
	[bflag:$0x3] =	sbarrier.arrive $0xFFFF;
	s2 =	simm.s32 @!p0 $0x1C01  }
0x54: {  	[timem:s3], [sflag:s2] =	dma.local @!p0 [hbm:s0], s1  }
0x55: {  	s0 =	simm.s32 @!p0 $0x1  }
0x56: {  	_ =	swait.ge @!p0 [sflag:s0], s1  }
0x57: {  	s1 =	ssub.s32 @!p0 $0x0, s1;
	[sflag:s0] =	ssyncset.done @!p0 $0x0  }
0x58: {  	[sflag:s0] =	ssyncadd.s32 @!p0 s1  }
0x59: {  	[bflag:$0x3] =	sbarrier.arrive $0xFFFF  }
0x5a: {  	_ =	shalt  }

// kernel: gather_offload_async_start
scs
__scs_entry_jumppad:
0x0: {  	(pc) =	sbr.rel $0x88, $3  }
0x1: {  	(tag) =	ssettag $0x0;
	lr =	simm.s32 $0x1  }
0x2: {  	[smem:$0x3F9B] =	sst lr;
	_ =	strace $0xD0000000  }
0x3: {  	_ = 	snop  }
0x4: {  	_ = 	snop  }
0x5: {  	_ = 	snop  }
0x6: {  	_ = 	snop  }
0x7: {  	_ = 	snop  }
__scs_overlays_trampoline_lowered:
0x8: {  	[smem:$0x3FAA] =	sst s0  }
0x9: {  	[smem:$0x3FAB] =	sst s1  }
0xa: {  	[smem:$0x3FAC] =	sst s2  }
0xb: {  	[smem:$0x3FAD] =	sst s3  }
0xc: {  	[smem:$0x3FAE] =	sst s4  }
0xd: {  	[smem:$0x3FAF] =	sst s5  }
0xe: {  	[smem:$0x3FB0] =	sst s6  }
0xf: {  	[smem:$0x3FB1] =	sst s7  }
0x10: {  	[smem:$0x3FB2] =	sst s8  }
0x11: {  	[smem:$0x3FB3] =	sst s9;
	s0 =	simm.s32 @!p0 $0x0  }
0x12: {  	s1 =	sld [smem:$0x3F99];
	s0 =	simm.s32 @p0 $0x1  }
0x13: {  	[smem:$0x3FB4] =	sst s0;
	s0 =	simm.s32 @!p1 $0x0  }
0x14: {  	s2 =	sld [smem:$0x3F98];
	s0 =	simm.s32 @p1 $0x1  }
0x15: {  	[smem:$0x3FB5] =	sst s0;
	s0 =	simm.s32 @!p2 $0x0  }
0x16: {  	s3 =	sld [smem:$0x3FDB];
	s0 =	simm.s32 @p2 $0x1  }
0x17: {  	s4 =	simm.s32 $0x1BF5;
	[smem:$0x3FB7] =	sst s0  }
0x18: {  	s0 =	sld [smem:$0x3F9A];
	_ =	swait.ge [sflag:s4], $0x0  }
0x19: {  	s7 =	sld [smem:$0x3F9B]  }
0x1a: {  	s8 =	sadd.s32 $0xFFFFE003, lr  }
0x1b: {  	s9 =	sadd.s32 $0xFFFFFEF7, lr;
	s5 =	simm.s32 $0xFFFFFFFF;
	p2 =	slt.u32 s8, $0xFFFFF086  }
0x1c: {  	p1 =	slt.u32 s9, $0xF7A;
	s5 =	simm.s32 @!p2 $0x0  }
0x1d: {  	s5 =	simm.s32 @p1 $0x1;
	p0 =	seq.s32 s7, s2  }
0x1e: {  	s7 =	smul.u32 @!p0 $0xF7A, s2;
	p2 =	seq.s32 @!p0 s5, $0x0  }
0x1f: {  	s9 =	smul.u32 $0xF7A, s1;
	s8 =	simm.s32 @!p0 $0x1BF5;
	p2 =	por !p2, p0  }
0x20: {  	[sflag:s8] =	ssyncset.s32 @!p0 $0xFFFFF086;
	s6 =	sadd.s32 @!p0 s3, s7;
	s7 =	simm.s32 @!p0 $0x108  }
0x21: {  	s3 =	sadd.s32 s3, s9;
	s6 =	sadd.s32 @!p0 $0x88, s6;
	s7 =	simm.s32 @p2 $0x1082  }
0x22: {  	[simem:s7], [sflag:s8] =	dma.local @!p0 [hbm:s6], $0xF7A  }
0x23: {  	s9 =	sor.u32 $0xD0000000, s2;
	s6 =	simm.s32 $0x108;
	_ =	swait.ge @!p0 [sflag:s8], $0x0  }
0x24: {  	s3 =	sadd.s32 $0x88, s3;
	s6 =	simm.s32 @!p1 $0x1082;
	[sflag:s4] =	ssyncset.s32 $0xFFFFF086  }
0x25: {  	[simem:s6], [sflag:s4] =	dma.local [hbm:s3], $0xF7A  }
0x26: {  	[smem:$0x3F9B] =	sst s1;
	(tag) =	ssettag s2;
	_ =	strace s9  }
0x27: {  	s1 =	sld [smem:$0x3FAB]  }
0x28: {  	s2 =	sld [smem:$0x3FAC]  }
0x29: {  	s4 =	sld [smem:$0x3FAE]  }
0x2a: {  	p0 =	seq.s32 s5, $0x0;
	s5 =	sld [smem:$0x3FAF]  }
0x2b: {  	s6 =	sld [smem:$0x3FB0]  }
0x2c: {  	s7 =	sld [smem:$0x3FB1]  }
0x2d: {  	s3 =	simm.s32 $0x108;
	s8 =	sld [smem:$0x3FB2]  }
0x2e: {  	s3 =	simm.s32 @!p0 $0x1082;
	s9 =	sld [smem:$0x3FB3]  }
0x2f: {  	lr =	sadd.s32 s0, s3;
	s0 =	sld [smem:$0x3FAA]  }
0x30: {  	s3 =	sld [smem:$0x3FAD]  }
0x31: {  	[smem:$0x3FB6] =	sst s10  }
0x32: {  	s10 =	sld [smem:$0x3FB4];
	_ =	sdelay $0x3  }
0x33: {  	p0 =	seq.s32 s10, $0x1;
	s10 =	sld [smem:$0x3FB6];
	_ =	sdelay $0x3  }
0x34: {  	[smem:$0x3FB6] =	sst s10  }
0x35: {  	s10 =	sld [smem:$0x3FB5];
	_ =	sdelay $0x3  }
0x36: {  	p1 =	seq.s32 s10, $0x1;
	s10 =	sld [smem:$0x3FB6];
	_ =	sdelay $0x3  }
0x37: {  	[smem:$0x3FB6] =	sst s10  }
0x38: {  	s10 =	sld [smem:$0x3FB7]  }
0x39: {  	_ = 	snop;
	(pc) =	sbr.ind lr, $3  }
0x3a: {  	_ = 	snop  }
0x3b: {  	_ = 	snop  }
0x3c: {  	p2 =	seq.s32 s10, $0x1;
	s10 =	sld [smem:$0x3FB6]  }
0x3d: {  	_ =	shalt  }
0x3e: {  	_ =	shalt  }
0x3f: {  	_ =	shalt  }
0x40: {  	_ =	shalt  }
0x41: {  	_ =	shalt  }
0x42: {  	_ =	shalt  }
0x43: {  	_ =	shalt  }
0x44: {  	_ =	shalt  }
0x45: {  	_ =	shalt  }
0x46: {  	_ =	shalt  }
0x47: {  	_ =	shalt  }
0x48: {  	_ =	shalt  }
0x49: {  	_ =	shalt  }
0x4a: {  	_ =	shalt  }
0x4b: {  	_ =	shalt  }
0x4c: {  	_ =	shalt  }
0x4d: {  	_ =	shalt  }
0x4e: {  	_ =	shalt  }
0x4f: {  	_ =	shalt  }
0x50: {  	_ =	shalt  }
0x51: {  	_ =	shalt  }
0x52: {  	_ =	shalt  }
0x53: {  	_ =	shalt  }
0x54: {  	_ =	shalt  }
0x55: {  	_ =	shalt  }
0x56: {  	_ =	shalt  }
0x57: {  	_ =	shalt  }
0x58: {  	_ =	shalt  }
0x59: {  	_ =	shalt  }
0x5a: {  	_ =	shalt  }
0x5b: {  	_ =	shalt  }
0x5c: {  	_ =	shalt  }
0x5d: {  	_ =	shalt  }
0x5e: {  	_ =	shalt  }
0x5f: {  	_ =	shalt  }
0x60: {  	_ =	shalt  }
0x61: {  	_ =	shalt  }
0x62: {  	_ =	shalt  }
0x63: {  	_ =	shalt  }
0x64: {  	_ =	shalt  }
0x65: {  	_ =	shalt  }
0x66: {  	_ =	shalt  }
0x67: {  	_ =	shalt  }
0x68: {  	_ =	shalt  }
0x69: {  	_ =	shalt  }
0x6a: {  	_ =	shalt  }
0x6b: {  	_ =	shalt  }
0x6c: {  	_ =	shalt  }
0x6d: {  	_ =	shalt  }
0x6e: {  	_ =	shalt  }
0x6f: {  	_ =	shalt  }
0x70: {  	_ =	shalt  }
0x71: {  	_ =	shalt  }
0x72: {  	_ =	shalt  }
0x73: {  	_ =	shalt  }
0x74: {  	_ =	shalt  }
0x75: {  	_ =	shalt  }
0x76: {  	_ =	shalt  }
0x77: {  	_ =	shalt  }
0x78: {  	_ =	shalt  }
0x79: {  	_ =	shalt  }
0x7a: {  	_ =	shalt  }
0x7b: {  	_ =	shalt  }
0x7c: {  	_ =	shalt  }
0x7d: {  	_ =	shalt  }
0x7e: {  	_ =	shalt  }
0x7f: {  	_ =	shalt  }
0x80: {  	_ =	shalt  }
0x81: {  	_ =	shalt  }
0x82: {  	_ =	shalt  }
0x83: {  	_ =	shalt  }
0x84: {  	_ =	shalt  }
0x85: {  	_ =	shalt  }
0x86: {  	_ =	shalt  }
0x87: {  	_ =	shalt  }
.Lfunc_end0:
.L_simem_size_0:
called_computation_lowered:
.L_overlay_start_0:
0x88: {  	s2 =	sld [smem:$0x3FD9]  }
0x89: {  	s3 =	sld [smem:$0x3FFE];
	_ =	sdelay $0x1  }
0x8a: {  	s1 =	srdreg.scid  }
0x8b: {  	s0 =	sand.u32 $0x1, s1  }
0x8c: {  	s17 =	sshll.u32 s0, $0xA;
	s2 =	sadd.s32 s3, s2  }
0x8d: {  	s2 =	sadd.s32 s2, s17  }
0x8e: {  	[smem:$0x3FC2] =	sst s2  }
0x8f: {  	_ = 	snop  }
0x90: {  	s18 =	sld [smem:$0x3FD0];
	(tm) =	ssettm $0x1  }
0x91: {  	s19 =	sld [smem:$0x3FFB];
	_ =	sdelay $0x3  }
0x92: {  	_ =	strace s19  }
0x93: {  	s2 =	sld [smem:$0x3FFC];
	_ =	sdelay $0x3  }
0x94: {  	_ =	strace s2  }
0x95: {  	s2 =	sld [smem:$0x3FFD];
	_ =	sdelay $0x3  }
0x96: {  	_ =	strace s2  }
0x97: {  	_ =	strace $0x8FFFFFFF  }
0x98: {  	s20 =	sld [smem:$0x3FDB];
	_ =	sdelay $0x1  }
0x99: {  	s4 =	simm.s32 $_scs_section_size  }
0x9a: {  	s5 =	simm.s32 $_size__tile_overlayer_lowered;
	s6 =	simm.s32 $_tile_overlayer_lowered  }
0x9b: {  	s7 =	simm.s32 $0x1BFF;
	s21 =	sshll.u32 s6, $0x1;
	s4 =	sadd.s32 s4, s20  }
0x9c: {  	s22 =	simm.s32 $0x0;
	s5 =	sshll.u32 s5, $0x1;
	s6 =	sadd.s32 s21, s4  }
0x9d: {  	[timem:s22], [sflag:s7] =	dma.local [hbm:s6], s5  }
0x9e: {  	_ =	swait.ge [sflag:s7], s5  }
0x9f: {  	s5 =	ssub.s32 $0x0, s5;
	[sflag:s7] =	ssyncset.done $0x0  }
0xa0: {  	[sflag:s7] =	ssyncadd.s32 s5;
	_ =	sdelay $0x1  }
0xa1: {  	s23 =	simm.s32 $0x1B8B  }
0xa2: {  	_ =	swait.ge [sflag:s23], $0x1  }
0xa3: {  	[sflag:s23] =	ssyncset.done $0x0  }
0xa4: {  	[sflag:s23] =	ssyncadd.s32 $0xFFFFFFFF  }
0xa5: {  	s5 =	sld [smem:$0x0]  }
0xa6: {  	s6 =	sand.u32 $0xFFFFFFFE, s1  }
0xa7: {  	p0 =	sne.s32 s1, s6  }
0xa8: {  	s6 =	sshll.u32 @p0 s6, $0xE  }
0xa9: {  	s6 =	sadd.s32 @p0 $0x11B8D, s6;
	s7 =	sshll.u32 @p0 s5, $0x11  }
0xaa: {  	s6 =	sor.u32 @p0 s7, s6  }
0xab: {  	[sflag:s6] =	ssyncadd.remote.s32 @p0 $0x1;
	_ =	sdelay $0x1  }
0xac: {  	s6 =	simm.s32 @p0 $0x1B8D  }
0xad: {  	_ =	swait.eq @p0 [sflag:s6], $0x1  }
0xae: {  	[sflag:s6] =	ssyncadd.s32 @p0 $0xFFFFFFFF  }
0xaf: {  	s7 =	sshll.u32 @!p0 s1, $0xE  }
0xb0: {  	s7 =	sor.u32 @!p0 $0x4000, s7;
	s6 =	simm.s32 @!p0 $0x1B8D  }
0xb1: {  	s5 =	sshll.u32 @!p0 s5, $0x11;
	s7 =	sadd.s32 @!p0 $0x11B8D, s7;
	_ =	swait.eq @!p0 [sflag:s6], $0x1  }
0xb2: {  	s5 =	sor.u32 @!p0 s5, s7;
	[sflag:s6] =	ssyncadd.s32 @!p0 $0xFFFFFFFF  }
0xb3: {  	s25 =	simm.s32 $0x1B8E;
	s24 =	sld [smem:$0x3FFE];
	[sflag:s5] =	ssyncadd.remote.s32 @!p0 $0x1  }
0xb4: {  	s26 =	simm.s32 $execute0_lowered;
	[smem:$0x3FD2] =	sst s25  }
0xb5: {  	s6 =	sshll.u32 s26, $0x1;
	_ =	strace $0x80000049;
	[dreg:$0x1] =	wrdreg $0xFFFFFFFF  }
0xb6: {  	s28 =	simm.s32 $_size_execute0_lowered;
	s4 =	sadd.s32 s4, s6;
	[dreg:$0x0] =	wrdreg $0x0  }
0xb7: {  	s6 =	sshll.u32 s28, $0x1;
	[dreg:$0x2] =	wrdreg s4  }
0xb8: {  	[dreg:$0x3] =	wrdreg s6  }
0xb9: {  	[dreg:$0x4] =	wrdreg $0xC0  }
0xba: {  	_ =	task [dreg:s22], $0x5FFFF  }
0xbb: {  	[dreg:$0x1] =	wrdreg $0xFFFFFFFF  }
0xbc: {  	[dreg:$0x0] =	wrdreg $0x60  }
0xbd: {  	[dreg:$0x2] =	wrdreg s24  }
0xbe: {  	[dreg:$0x3] =	wrdreg s18  }
0xbf: {  	[dreg:$0x4] =	wrdreg $0x9  }
0xc0: {  	_ =	task.clear_ibuf [dreg:s22], $0x5FFFF;
	_ =	strace $0x90000049  }
0xc1: {  	s29 =	simm.s32 $0x9;
	_ =	strace $0x8000004B  }
0xc2: {  	_ =	swait.ge [sflag:s29], $0x1  }
0xc3: {  	[sflag:s29] =	ssyncadd.s32 $0xFFFFFFFF  }
0xc4: {  	_ =	strace $0x9000004B  }
0xc5: {  	_ =	sfence  }
0xc6: {  	s30 =	sld [smem:$0x0];
	_ =	sdelay $0x2  }
0xc7: {  	s31 =	sshll.u32 s1, $0xD;
	s1 =	sshrl.u32 s1, $0x2  }
0xc8: {  	s4 =	sand.u32 $0x4000, s31;
	s1 =	sadd.s32 s1, s30  }
0xc9: {  	s0 =	sor.u32 s4, s0;
	s1 =	sshll.u32 s1, $0x11  }
0xca: {  	s0 =	sor.u32 s1, s0  }
0xcb: {  	s0 =	sadd.s32 $0x8F2B, s0  }
0xcc: {  	[sflag:s0] =	ssyncadd.remote.s32 $0x1  }
0xcd: {  	_ =	sfence.sel $0xFFFF  }
0xce: {  	[dreg:$0x0] =	wrdreg $0xFFFFFFFF;
	(pc) =	sbr.abs _section_cstart, $3  }
0xcf: {  	[dreg:$0x1] =	wrdreg $0xFFFFFFFF  }
0xd0: {  	_ =	task.clear_ibuf [dreg:s22], $0x2FFFF;
	_ =	strace $0x9FFFFFFF  }
0xd1: {  	(tm) =	ssettm $0x7FFFFFFF  }
tec
execute0_lowered:
.L_overlay_start_1:
0x0: {  	(tag) =	ssettag $0x1  }
0x1: {  	s7 =	rddreg [dreg:$0x0]  }
0x2: {  	s2 =	rddreg [dreg:$0x1]  }
0x3: {  	s0 =	rddreg [dreg:$0x2]  }
0x4: {  	s1 =	srdreg.scid;
	_ =	strace $0x8000004A;
	s4 =	simm.s32 $0x1  }
0x5: {  	s9 =	simm.s32 $0x3;
	s11 =	simm.s32 $0x0;
	s5 =	sshll.u32 s1, $0x4  }
.Ltmp0:
0x6: {  	s1 =	stileid.u32;
	s5 =	sand.u32 $0x10, s5;
	(pc) =	sbr.rel .LBB2_1-.Ltmp0, $4  }
0x7: {  	p0 =	por $0x0, $0x0;
	s3 =	sadd.s32 $0x2200, s7;
	s6 =	sor.u32 s1, s5  }
0x8: {  	[sflag:s4] =	ssyncpa.u1 $0x0;
	s5 =	simm.s32 $0x2;
	s6 =	sshll.u32 s6, $0x9  }
0x9: {  	s7 =	sadd.s32 $0xF98800, s7;
	[sflag:s5] =	ssyncpa.u1 $0x0;
	s8 =	sadd.s32 $0x200, s6  }
0xa: {  	vm0 =	vmmov $0xff;
	vm1 =	vcmask $0x3F20;
	[sflag:s9] =	ssyncpa.u1 $0x0;
	s10 =	smov.u32 s6;
	s9 =	simm.s32 $0x0  }
.LBB2_7:
0xb: {  	p1 =	slt.u32 s9, $0x2;
	s11 =	sadd.s32 $0x100, s10  }
0xc: {  	s13 =	smov.u32 s6;
	s9 =	sadd.s32 $0x1, s9;
	p2 =	slt.s32 s11, s8  }
0xd: {  	s13 =	smov.u32 @p2 s11;
	p2 =	sne.s32 s9, $0x4  }
.Ltmp1:
0xe: {  	_ = 	snop;
	(pc) =	sbr.rel @!p2 .LBB2_8-.Ltmp1, $4  }
0xf: {  	s12 =	simm.s32 @!p1 $0x3  }
0x10: {  	_ =	swait.ge @!p1 [sflag:s12], $0x8000  }
0x11: {  	p0 =	por !p0, !p0;
	[sflag:s12] =	ssyncset.done @!p1 $0x0  }
0x12: {  	s11 =	smov.u32 s10;
	s10 =	smov.u32 s13;
	[sflag:s12] =	ssyncadd.s32 @!p1 $0xFFFF8000  }
.LBB2_1:
0x13: {  	p1 =	sgt.u32 s9, $0x1  }
0x14: {  	s12 =	sshll.u32 @!p1 s9, $0x8;
	s13 =	sshrl.u32 @!p1 s10, $0x3  }
0x15: {  	s14 =	sand.u32 @!p1 $0x7, s10;
	s12 =	sxor.u32 @!p1 $0x100, s12;
	s13 =	sadd.s32 @!p1 s2, s13  }
0x16: {  	[tilespmem:s12], [sflag:$0x2] =	stream.linear.gather @!p1 [hbm4b:s13+s14], $0x100, $0x38;
	[tilespmem:$0x10200] =	vst v63  }
0x17: {  	p1 =	seq.s32 s9, $0x0  }
0x18: {  	p2 =	seq.s32 @!p1 s9, $0x3  }
0x19: {  	p1 =	por p1, p2  }
.Ltmp2:
0x1a: {  	_ = 	snop;
	(pc) =	sbr.rel @p1 .LBB2_7-.Ltmp2, $1  }
0x1b: {  	_ =	sdelay $0x3  }
0x1c: {  	s12 =	simm.s32 $0x1  }
0x1d: {  	_ =	swait.ge [sflag:s5], $0x100;
	s12 =	simm.s32 @!p0 $0x0  }
0x1e: {  	[sflag:s5] =	ssyncset.done $0x0;
	s14 =	sshll.u32 s12, $0x8  }
0x1f: {  	[sflag:s5] =	ssyncadd.s32 $0xFFFFFF00;
	s13 =	sadd.s32 $0x0, s14  }
0x20: {  	v0 =	vld.msk [tilespmem:s13+$0x0 ss:$0x1], $0xffff;
	_ =	sdelay $0x4  }
0x21: {  	vm2 =	vgt.s32 v0, $0x0  }
0x22: {  	v0 =	vnsel vm2, $0x0, v0  }
0x23: {  	v0 =	vmin.u32 v0, $0xF423F  }
0x24: {  	v0 =	vshll.u32 v0, $0x4;
	_ =	sdelay $0x2  }
0x25: {  	s12 =	sshll.u32 s12, $0xF  }
0x26: {  	s12 =	sor.u32 $0x200, s12  }
0x27: {  	[tilespmem:s12], [sflag:$0x1] =	stream.indirect_vreg.gather [hbm:s3], $0x80, v0, vm0, $0x38;
	[tilespmem:$0x10200] =	vst v63  }
0x28: {  	s15 =	sadd.s32 $0x10, s14;
	s13 =	sadd.s32 $0x400, s12  }
0x29: {  	[tilespmem:s13], [sflag:$0x1] =	stream.indirect_vreg.gather [hbm:s3], $0x80, v0, vm1, $0x38;
	[tilespmem:$0x10200] =	vst v63  }
0x2a: {  	s16 =	simm.s32 $0x80;
	v0 =	vld.msk [tilespmem:s15+$0x0 ss:$0x1], $0xffff;
	s15 =	smov.u32 s12  }
.LBB2_3:
0x2b: {  	p1 =	sne.s32 s16, $0x3C0;
	_ =	sdelay $0x4  }
0x2c: {  	vm2 =	vgt.s32 v0, $0x0  }
0x2d: {  	v0 =	vnsel vm2, $0x0, v0  }
0x2e: {  	v0 =	vmin.u32 v0, $0xF423F  }
0x2f: {  	v0 =	vshll.u32 v0, $0x4;
	_ =	sdelay $0x3  }
.Ltmp3:
0x30: {  	s17 =	sshra.s32 s16, $0x2;
	s15 =	sadd.s32 $0x800, s15;
	(pc) =	sbr.rel @p1 .LBB2_3-.Ltmp3, $4  }
0x31: {  	[tilespmem:s15], [sflag:$0x1] =	stream.indirect_vreg.gather [hbm:s3], $0x80, v0, vm0, $0x38;
	[tilespmem:$0x10200] =	vst v63  }
0x32: {  	s17 =	sadd.s32 s17, s14;
	s18 =	sadd.s32 $0x400, s15  }
0x33: {  	[tilespmem:s18], [sflag:$0x1] =	stream.indirect_vreg.gather [hbm:s3], $0x80, v0, vm1, $0x38;
	[tilespmem:$0x10200] =	vst v63  }
0x34: {  	s16 =	sadd.s32 $0x40, s16;
	v0 =	vld.msk [tilespmem:s17+$0x0 ss:$0x1], $0xffff  }
0x35: {  	_ =	sdelay $0x3  }
0x36: {  	vm2 =	vgt.s32 v0, $0x0  }
0x37: {  	v0 =	vnsel vm2, $0x0, v0  }
0x38: {  	v0 =	vmin.u32 v0, $0xF423F  }
0x39: {  	v0 =	vshll.u32 v0, $0x4;
	_ =	sdelay $0x3  }
0x3a: {  	s14 =	sadd.s32 $0x800, s15  }
0x3b: {  	[tilespmem:s14], [sflag:$0x1] =	stream.indirect_vreg.gather [hbm:s3], $0x80, v0, vm0, $0x38;
	[tilespmem:$0x10200] =	vst v63  }
0x3c: {  	s14 =	sadd.s32 $0x400, s14  }
0x3d: {  	[tilespmem:s14], [sflag:$0x1] =	stream.indirect_vreg.gather [hbm:s3], $0x80, v0, vm1, $0x38;
	[tilespmem:$0x10200] =	vst v63  }
0x3e: {  	s11 =	sshll.u32 s11, $0x4;
	_ =	swait.ge [sflag:s4], $0x8000  }
0x3f: {  	s11 =	sadd.s32 s11, s7;
	[sflag:s4] =	ssyncset.done $0x0  }
0x40: {  	s15 =	sadd.s32 $0x0, s11;
	s14 =	simm.s32 $0x80;
	[sflag:s4] =	ssyncadd.s32 $0xFFFF8000  }
.LBB2_5:
0x41: {  	[hbm:s15] =	stream.linear.scatter [tilespmem:s12], [sflag:$0x3], $0x400, $0x38;
	[tilespmem:$0x10200] =	vst v63  }
0x42: {  	s15 =	smov.u32 s14;
	s12 =	smov.u32 s13;
	p1 =	sne.s32 s14, $0xF80  }
.Ltmp4:
0x43: {  	s14 =	sadd.s32 $0x80, s14;
	(pc) =	sbr.rel @p1 .LBB2_5-.Ltmp4, $2  }
0x44: {  	_ =	sdelay $0x2  }
0x45: {  	s13 =	sadd.s32 $0x400, s13;
	s15 =	sadd.s32 s15, s11  }
.Ltmp5:
0x46: {  	(pc) =	sbr.rel .LBB2_7-.Ltmp5, $2  }
0x47: {  	_ =	sdelay $0x2  }
0x48: {  	[hbm:s15] =	stream.linear.scatter [tilespmem:s12], [sflag:$0x3], $0x400, $0x38;
	[tilespmem:$0x10200] =	vst v63  }
.LBB2_8:
0x49: {  	_ =	sfence.sel $0x180000  }
0x4a: {  	s2 =	simm.s32 $0x2;
	[bflag:$0x0] =	sbarrier.arrive $0xFFFF  }
0x4b: {  	s30 =	simm.s32 $0x3;
	[sflag:s2] =	ssyncpa.u1 $0x1  }
0x4c: {  	s31 =	simm.s32 $0x1;
	[sflag:s30] =	ssyncpa.u1 $0x1  }
0x4d: {  	[sflag:s31] =	ssyncpa.u1 $0x1  }
0x4e: {  	p0 =	sne.s32 s1, $0x0;
	_ =	strace $0x9000004A  }
0x4f: {  	s0 =	sadd.s32 @!p0 $0x100000, s0;
	[bflag:$0x2] =	sbarrier.arrive $0xFFFF  }
0x50: {  	[sflag:s0] =	ssyncadd.tile.s32 @!p0 $0x1;
	_ =	shalt  }
.Lfunc_end2:
_tile_overlayer_lowered:
.L_overlay_start_2:
0x51: {  	(tag) =	ssettag $0x2  }
0x52: {  	s0 =	rddreg [dreg:$0x0];
	s2 =	stileid.u32  }
0x53: {  	s1 =	rddreg [dreg:$0x1];
	p0 =	sne.s32 s2, $0x0  }
0x54: {  	s3 =	rddreg [dreg:$0x2];
	[bflag:$0x3] =	sbarrier.arrive $0xFFFF;
	s2 =	simm.s32 @!p0 $0x1C01  }
0x55: {  	[timem:s3], [sflag:s2] =	dma.local @!p0 [hbm:s0], s1  }
0x56: {  	s0 =	simm.s32 @!p0 $0x1  }
0x57: {  	_ =	swait.ge @!p0 [sflag:s0], s1  }
0x58: {  	s1 =	ssub.s32 @!p0 $0x0, s1;
	[sflag:s0] =	ssyncset.done @!p0 $0x0  }
0x59: {  	[sflag:s0] =	ssyncadd.s32 @!p0 s1  }
0x5a: {  	[bflag:$0x3] =	sbarrier.arrive $0xFFFF  }
0x5b: {  	_ =	shalt  }

// kernel: kernel.3.cloned.1.call-start
scs
__scs_entry_jumppad:
0x0: {  	(pc) =	sbr.rel $0x88, $3  }
0x1: {  	(tag) =	ssettag $0x0;
	lr =	simm.s32 $0x1  }
0x2: {  	[smem:$0x3F9B] =	sst lr;
	_ =	strace $0xD0000000  }
0x3: {  	_ = 	snop  }
0x4: {  	_ = 	snop  }
0x5: {  	_ = 	snop  }
0x6: {  	_ = 	snop  }
0x7: {  	_ = 	snop  }
__scs_overlays_trampoline_lowered:
0x8: {  	[smem:$0x3FAA] =	sst s0  }
0x9: {  	[smem:$0x3FAB] =	sst s1  }
0xa: {  	[smem:$0x3FAC] =	sst s2  }
0xb: {  	[smem:$0x3FAD] =	sst s3  }
0xc: {  	[smem:$0x3FAE] =	sst s4  }
0xd: {  	[smem:$0x3FAF] =	sst s5  }
0xe: {  	[smem:$0x3FB0] =	sst s6  }
0xf: {  	[smem:$0x3FB1] =	sst s7  }
0x10: {  	[smem:$0x3FB2] =	sst s8  }
0x11: {  	[smem:$0x3FB3] =	sst s9;
	s0 =	simm.s32 @!p0 $0x0  }
0x12: {  	s1 =	sld [smem:$0x3F99];
	s0 =	simm.s32 @p0 $0x1  }
0x13: {  	[smem:$0x3FB4] =	sst s0;
	s0 =	simm.s32 @!p1 $0x0  }
0x14: {  	s2 =	sld [smem:$0x3F98];
	s0 =	simm.s32 @p1 $0x1  }
0x15: {  	[smem:$0x3FB5] =	sst s0;
	s0 =	simm.s32 @!p2 $0x0  }
0x16: {  	s3 =	sld [smem:$0x3FDB];
	s0 =	simm.s32 @p2 $0x1  }
0x17: {  	s4 =	simm.s32 $0x1BF5;
	[smem:$0x3FB7] =	sst s0  }
0x18: {  	s0 =	sld [smem:$0x3F9A];
	_ =	swait.ge [sflag:s4], $0x0  }
0x19: {  	s7 =	sld [smem:$0x3F9B]  }
0x1a: {  	s8 =	sadd.s32 $0xFFFFE003, lr  }
0x1b: {  	s9 =	sadd.s32 $0xFFFFFEF7, lr;
	s5 =	simm.s32 $0xFFFFFFFF;
	p2 =	slt.u32 s8, $0xFFFFF086  }
0x1c: {  	p1 =	slt.u32 s9, $0xF7A;
	s5 =	simm.s32 @!p2 $0x0  }
0x1d: {  	s5 =	simm.s32 @p1 $0x1;
	p0 =	seq.s32 s7, s2  }
0x1e: {  	s7 =	smul.u32 @!p0 $0xF7A, s2;
	p2 =	seq.s32 @!p0 s5, $0x0  }
0x1f: {  	s9 =	smul.u32 $0xF7A, s1;
	s8 =	simm.s32 @!p0 $0x1BF5;
	p2 =	por !p2, p0  }
0x20: {  	[sflag:s8] =	ssyncset.s32 @!p0 $0xFFFFF086;
	s6 =	sadd.s32 @!p0 s3, s7;
	s7 =	simm.s32 @!p0 $0x108  }
0x21: {  	s3 =	sadd.s32 s3, s9;
	s6 =	sadd.s32 @!p0 $0x88, s6;
	s7 =	simm.s32 @p2 $0x1082  }
0x22: {  	[simem:s7], [sflag:s8] =	dma.local @!p0 [hbm:s6], $0xF7A  }
0x23: {  	s9 =	sor.u32 $0xD0000000, s2;
	s6 =	simm.s32 $0x108;
	_ =	swait.ge @!p0 [sflag:s8], $0x0  }
0x24: {  	s3 =	sadd.s32 $0x88, s3;
	s6 =	simm.s32 @!p1 $0x1082;
	[sflag:s4] =	ssyncset.s32 $0xFFFFF086  }
0x25: {  	[simem:s6], [sflag:s4] =	dma.local [hbm:s3], $0xF7A  }
0x26: {  	[smem:$0x3F9B] =	sst s1;
	(tag) =	ssettag s2;
	_ =	strace s9  }
0x27: {  	s1 =	sld [smem:$0x3FAB]  }
0x28: {  	s2 =	sld [smem:$0x3FAC]  }
0x29: {  	s4 =	sld [smem:$0x3FAE]  }
0x2a: {  	p0 =	seq.s32 s5, $0x0;
	s5 =	sld [smem:$0x3FAF]  }
0x2b: {  	s6 =	sld [smem:$0x3FB0]  }
0x2c: {  	s7 =	sld [smem:$0x3FB1]  }
0x2d: {  	s3 =	simm.s32 $0x108;
	s8 =	sld [smem:$0x3FB2]  }
0x2e: {  	s3 =	simm.s32 @!p0 $0x1082;
	s9 =	sld [smem:$0x3FB3]  }
0x2f: {  	lr =	sadd.s32 s0, s3;
	s0 =	sld [smem:$0x3FAA]  }
0x30: {  	s3 =	sld [smem:$0x3FAD]  }
0x31: {  	[smem:$0x3FB6] =	sst s10  }
0x32: {  	s10 =	sld [smem:$0x3FB4];
	_ =	sdelay $0x3  }
0x33: {  	p0 =	seq.s32 s10, $0x1;
	s10 =	sld [smem:$0x3FB6];
	_ =	sdelay $0x3  }
0x34: {  	[smem:$0x3FB6] =	sst s10  }
0x35: {  	s10 =	sld [smem:$0x3FB5];
	_ =	sdelay $0x3  }
0x36: {  	p1 =	seq.s32 s10, $0x1;
	s10 =	sld [smem:$0x3FB6];
	_ =	sdelay $0x3  }
0x37: {  	[smem:$0x3FB6] =	sst s10  }
0x38: {  	s10 =	sld [smem:$0x3FB7]  }
0x39: {  	_ = 	snop;
	(pc) =	sbr.ind lr, $3  }
0x3a: {  	_ = 	snop  }
0x3b: {  	_ = 	snop  }
0x3c: {  	p2 =	seq.s32 s10, $0x1;
	s10 =	sld [smem:$0x3FB6]  }
0x3d: {  	_ =	shalt  }
0x3e: {  	_ =	shalt  }
0x3f: {  	_ =	shalt  }
0x40: {  	_ =	shalt  }
0x41: {  	_ =	shalt  }
0x42: {  	_ =	shalt  }
0x43: {  	_ =	shalt  }
0x44: {  	_ =	shalt  }
0x45: {  	_ =	shalt  }
0x46: {  	_ =	shalt  }
0x47: {  	_ =	shalt  }
0x48: {  	_ =	shalt  }
0x49: {  	_ =	shalt  }
0x4a: {  	_ =	shalt  }
0x4b: {  	_ =	shalt  }
0x4c: {  	_ =	shalt  }
0x4d: {  	_ =	shalt  }
0x4e: {  	_ =	shalt  }
0x4f: {  	_ =	shalt  }
0x50: {  	_ =	shalt  }
0x51: {  	_ =	shalt  }
0x52: {  	_ =	shalt  }
0x53: {  	_ =	shalt  }
0x54: {  	_ =	shalt  }
0x55: {  	_ =	shalt  }
0x56: {  	_ =	shalt  }
0x57: {  	_ =	shalt  }
0x58: {  	_ =	shalt  }
0x59: {  	_ =	shalt  }
0x5a: {  	_ =	shalt  }
0x5b: {  	_ =	shalt  }
0x5c: {  	_ =	shalt  }
0x5d: {  	_ =	shalt  }
0x5e: {  	_ =	shalt  }
0x5f: {  	_ =	shalt  }
0x60: {  	_ =	shalt  }
0x61: {  	_ =	shalt  }
0x62: {  	_ =	shalt  }
0x63: {  	_ =	shalt  }
0x64: {  	_ =	shalt  }
0x65: {  	_ =	shalt  }
0x66: {  	_ =	shalt  }
0x67: {  	_ =	shalt  }
0x68: {  	_ =	shalt  }
0x69: {  	_ =	shalt  }
0x6a: {  	_ =	shalt  }
0x6b: {  	_ =	shalt  }
0x6c: {  	_ =	shalt  }
0x6d: {  	_ =	shalt  }
0x6e: {  	_ =	shalt  }
0x6f: {  	_ =	shalt  }
0x70: {  	_ =	shalt  }
0x71: {  	_ =	shalt  }
0x72: {  	_ =	shalt  }
0x73: {  	_ =	shalt  }
0x74: {  	_ =	shalt  }
0x75: {  	_ =	shalt  }
0x76: {  	_ =	shalt  }
0x77: {  	_ =	shalt  }
0x78: {  	_ =	shalt  }
0x79: {  	_ =	shalt  }
0x7a: {  	_ =	shalt  }
0x7b: {  	_ =	shalt  }
0x7c: {  	_ =	shalt  }
0x7d: {  	_ =	shalt  }
0x7e: {  	_ =	shalt  }
0x7f: {  	_ =	shalt  }
0x80: {  	_ =	shalt  }
0x81: {  	_ =	shalt  }
0x82: {  	_ =	shalt  }
0x83: {  	_ =	shalt  }
0x84: {  	_ =	shalt  }
0x85: {  	_ =	shalt  }
0x86: {  	_ =	shalt  }
0x87: {  	_ =	shalt  }
.Lfunc_end0:
.L_simem_size_0:
called_computation.2_lowered:
.L_overlay_start_0:
0x88: {  	s2 =	sld [smem:$0x3FD9]  }
0x89: {  	s3 =	sld [smem:$0x3FFE];
	_ =	sdelay $0x1  }
0x8a: {  	s1 =	srdreg.scid  }
0x8b: {  	s0 =	sand.u32 $0x1, s1  }
0x8c: {  	s17 =	sshll.u32 s0, $0xA;
	s2 =	sadd.s32 s3, s2  }
0x8d: {  	s2 =	sadd.s32 s2, s17  }
0x8e: {  	[smem:$0x3FC2] =	sst s2  }
0x8f: {  	_ = 	snop  }
0x90: {  	s2 =	sld [smem:$0x3FD0];
	(tm) =	ssettm $0x1  }
0x91: {  	s18 =	sld [smem:$0x3FFB];
	_ =	sdelay $0x3  }
0x92: {  	_ =	strace s18  }
0x93: {  	s3 =	sld [smem:$0x3FFC];
	_ =	sdelay $0x3  }
0x94: {  	_ =	strace s3  }
0x95: {  	s3 =	sld [smem:$0x3FFD];
	_ =	sdelay $0x3  }
0x96: {  	_ =	strace s3  }
0x97: {  	_ =	strace $0x8FFFFFFF  }
0x98: {  	s19 =	sld [smem:$0x3FDB];
	_ =	sdelay $0x1  }
0x99: {  	s4 =	simm.s32 $_scs_section_size  }
0x9a: {  	s5 =	simm.s32 $_size__tile_overlayer_lowered;
	s6 =	simm.s32 $_tile_overlayer_lowered  }
0x9b: {  	s22 =	simm.s32 $0x1BFF;
	s21 =	sshll.u32 s6, $0x1;
	s3 =	sadd.s32 s4, s19  }
0x9c: {  	s7 =	simm.s32 $0x0;
	s20 =	sshll.u32 s5, $0x1;
	s5 =	sadd.s32 s21, s3  }
0x9d: {  	[timem:s7], [sflag:s22] =	dma.local [hbm:s5], s20  }
0x9e: {  	_ =	swait.ge [sflag:s22], s20  }
0x9f: {  	s4 =	ssub.s32 $0x0, s20;
	[sflag:s22] =	ssyncset.done $0x0  }
0xa0: {  	[sflag:s22] =	ssyncadd.s32 s4;
	_ =	sdelay $0x1  }
0xa1: {  	s23 =	simm.s32 $0x1B8B  }
0xa2: {  	_ =	swait.ge [sflag:s23], $0x1  }
0xa3: {  	[sflag:s23] =	ssyncset.done $0x0  }
0xa4: {  	s25 =	simm.s32 $0x1B8E;
	s24 =	sld [smem:$0x3FFE];
	[sflag:s23] =	ssyncadd.s32 $0xFFFFFFFF  }
0xa5: {  	s26 =	simm.s32 $execute0_lowered;
	[smem:$0x3FD2] =	sst s25  }
0xa6: {  	s5 =	sshll.u32 s26, $0x1;
	_ =	strace $0x8000004C;
	[dreg:$0x1] =	wrdreg $0xFFFFFFFF  }
0xa7: {  	s28 =	simm.s32 $_size_execute0_lowered;
	s3 =	sadd.s32 s3, s5;
	[dreg:$0x0] =	wrdreg $0x0  }
0xa8: {  	s5 =	sshll.u32 s28, $0x1;
	[dreg:$0x2] =	wrdreg s3  }
0xa9: {  	[dreg:$0x3] =	wrdreg s5  }
0xaa: {  	[dreg:$0x4] =	wrdreg $0xC0  }
0xab: {  	_ =	task [dreg:s7], $0x5FFFF  }
0xac: {  	[dreg:$0x1] =	wrdreg $0xFFFFFFFF  }
0xad: {  	[dreg:$0x0] =	wrdreg $0x60  }
0xae: {  	[dreg:$0x2] =	wrdreg s24  }
0xaf: {  	[dreg:$0x3] =	wrdreg s2  }
0xb0: {  	[dreg:$0x4] =	wrdreg $0x9  }
0xb1: {  	_ =	task.clear_ibuf [dreg:s7], $0x5FFFF;
	_ =	strace $0x9000004C  }
0xb2: {  	s29 =	simm.s32 $0x9;
	_ =	strace $0x8000004E  }
0xb3: {  	_ =	swait.ge [sflag:s29], $0x1  }
0xb4: {  	[sflag:s29] =	ssyncadd.s32 $0xFFFFFFFF  }
0xb5: {  	_ =	strace $0x9000004E  }
0xb6: {  	_ =	sfence  }
0xb7: {  	s30 =	sld [smem:$0x0];
	_ =	sdelay $0x2  }
0xb8: {  	s31 =	sshll.u32 s1, $0xD;
	s1 =	sshrl.u32 s1, $0x2  }
0xb9: {  	s3 =	sand.u32 $0x4000, s31;
	s1 =	sadd.s32 s1, s30  }
0xba: {  	s0 =	sor.u32 s3, s0;
	s1 =	sshll.u32 s1, $0x11  }
0xbb: {  	s0 =	sor.u32 s1, s0  }
0xbc: {  	s0 =	sadd.s32 $0x8F2B, s0  }
0xbd: {  	[sflag:s0] =	ssyncadd.remote.s32 $0x1  }
0xbe: {  	_ =	sfence.sel $0xFFFF  }
0xbf: {  	[dreg:$0x0] =	wrdreg $0xFFFFFFFF;
	(pc) =	sbr.abs _section_cstart, $3  }
0xc0: {  	[dreg:$0x1] =	wrdreg $0xFFFFFFFF  }
0xc1: {  	_ =	task.clear_ibuf [dreg:s7], $0x2FFFF;
	_ =	strace $0x9FFFFFFF  }
0xc2: {  	(tm) =	ssettm $0x7FFFFFFF  }
0xc3: {  	_ =	shalt  }
tec
execute0_lowered:
.L_overlay_start_1:
0x0: {  	(tag) =	ssettag $0x1  }
0x1: {  	s0 =	rddreg [dreg:$0x0];
	s2 =	simm.s32 $0x0  }
0x2: {  	s1 =	srdreg.scid;
	s3 =	stileid.u32;
	s13 =	simm.s32 $0x3  }
0x3: {  	s14 =	simm.s32 $0x80;
	s23 =	simm.s32 $0x14500;
	s24 =	simm.s32 $0x280  }
0x4: {  	s28 =	simm.s32 $0xC500;
	s29 =	simm.s32 $0x380;
	s30 =	simm.s32 $0xE500  }
0x5: {  	s31 =	simm.s32 $0x400;
	s15 =	simm.s32 $0x12500;
	s16 =	simm.s32 $0x14D00  }
0x6: {  	s17 =	simm.s32 $0x1;
	s18 =	simm.s32 $0x15500;
	s19 =	simm.s32 $0x2  }
0x7: {  	s20 =	simm.s32 $0x15D40;
	s10 =	simm.s32 $0x0;
	[smem:$0x7FF] =	sst s2  }
0x8: {  	s4 =	sadd.s32 $0xF8E800, s0;
	s1 =	sand.u32 $0x1, s1;
	s3 =	sshll.u32 s3, $0x1  }
0x9: {  	s5 =	sadd.s32 $0xF64600, s0;
	s9 =	ssub.s32 $0x2, s1;
	s1 =	sor.u32 s1, s3  }
0xa: {  	s6 =	sadd.s32 $0xF84800, s0;
	s26 =	sshrl.u32 s9, $0x1;
	s3 =	smul.u32 $0x500, s1  }
0xb: {  	s7 =	sadd.s32 $0xF44600, s0;
	s8 =	sadd.s32 $0x1EC6C00, s0;
	s0 =	ssub.s32 s9, s26  }
0xc: {  	v0 =	vlaneseq.u32;
	s9 =	sshll.u32 s1, $0x9;
	s1 =	sshll.u32 s1, $0xC;
	s3 =	sadd.s32 s4, s3  }
0xd: {  	v0 =	vmul.u32 $0x40, v0;
	_ =	strace $0x8000004D;
	s1 =	sadd.s32 s5, s1;
	[dreg:$0x3] =	wrdreg s3  }
0xe: {  	s26 =	simm.s32 $0x300;
	s0 =	smax.u32 s0, $0x1;
	[dreg:$0x4] =	wrdreg s1  }
0xf: {  	v1 =	vor.u32 $0x400, v0;
	[dreg:$0x5] =	wrdreg s0;
	s0 =	simm.s32 $0x10500;
	s3 =	simm.s32 $0x480  }
.LBB2_1:
0x10: {  	[dreg:$0x6] =	wrdreg s10  }
0x11: {  	s1 =	rddreg [dreg:$0x3]  }
0x12: {  	[tilespmem:s2], [sflag:$0x3] =	stream.linear.gather [hbm4b:s1+s2], $0x280, $0x38;
	[tilespmem:$0x15D60] =	vst v63  }
0x13: {  	_ =	swait.ge [sflag:s13], $0x280  }
0x14: {  	[sflag:s13] =	ssyncset.done $0x0  }
0x15: {  	s12 =	simm.s32 $0x500;
	[sflag:s13] =	ssyncadd.s32 $0xFFFFFD80  }
0x16: {  	[tilespmem:s12], [sflag:$0x1] =	stream.indirect.gather [hbm4b:s8+s14], $0x40, s2, s14, $0xb8;
	[tilespmem:$0x15D60] =	vst v63  }
0x17: {  	s21 =	simm.s32 $0x2500  }
0x18: {  	[tilespmem:s21], [sflag:$0x1] =	stream.indirect.gather [hbm4b:s8+s14], $0x40, s14, s14, $0xb8;
	[tilespmem:$0x15D60] =	vst v63  }
0x19: {  	s22 =	simm.s32 $0x100;
	s25 =	simm.s32 $0x4500  }
0x1a: {  	[tilespmem:s25], [sflag:$0x1] =	stream.indirect.gather [hbm4b:s8+s14], $0x40, s22, s14, $0xb8;
	[tilespmem:$0x15D60] =	vst v63  }
0x1b: {  	s11 =	simm.s32 $0x180;
	s12 =	simm.s32 $0x6500  }
0x1c: {  	[tilespmem:s12], [sflag:$0x1] =	stream.indirect.gather [hbm4b:s8+s14], $0x40, s11, s14, $0xb8;
	[tilespmem:$0x15D60] =	vst v63  }
0x1d: {  	s21 =	simm.s32 $0x200;
	s22 =	simm.s32 $0x8500  }
0x1e: {  	[tilespmem:s22], [sflag:$0x1] =	stream.indirect.gather [hbm4b:s8+s14], $0x40, s21, s14, $0xb8;
	[tilespmem:$0x15D60] =	vst v63  }
0x1f: {  	s10 =	simm.s32 $0x0;
	s25 =	rddreg [dreg:$0x4]  }
0x20: {  	[tilespmem:s23], [sflag:$0x1] =	stream.linear.gather [hbm4b:s25+s2], $0x800, $0x38;
	[tilespmem:$0x15D60] =	vst v63  }
.LBB2_2:
0x21: {  	s1 =	sshll.u32 s10, $0x5  }
0x22: {  	s22 =	sadd.s32 s9, s1  }
0x23: {  	s1 =	smul.u32 $0x14, s22;
	_ =	sdelay $0x1  }
0x24: {  	s1 =	sshrl.u32 s1, $0x3  }
0x25: {  	s11 =	simm.s32 $0x0;
	s1 =	sadd.s32 s6, s1  }
0x26: {  	[tilespmem:s24], [sflag:$0x3] =	stream.linear.gather [hbm4b:s1+s11], $0x280, $0x38;
	[tilespmem:$0x15D60] =	vst v63  }
0x27: {  	_ =	swait.ge [sflag:s13], $0x280  }
0x28: {  	[sflag:s13] =	ssyncset.done $0x0  }
0x29: {  	s21 =	simm.s32 $0xA500;
	[sflag:s13] =	ssyncadd.s32 $0xFFFFFD80  }
0x2a: {  	[tilespmem:s21], [sflag:$0x2] =	stream.indirect.gather [hbm4b:s8+s14], $0x40, s24, s14, $0xb8;
	[tilespmem:$0x15D60] =	vst v63  }
0x2b: {  	_ = 	snop  }
0x2c: {  	[tilespmem:s28], [sflag:$0x2] =	stream.indirect.gather [hbm4b:s8+s14], $0x40, s26, s14, $0xb8;
	[tilespmem:$0x15D60] =	vst v63  }
0x2d: {  	_ = 	snop  }
0x2e: {  	[tilespmem:s30], [sflag:$0x2] =	stream.indirect.gather [hbm4b:s8+s14], $0x40, s29, s14, $0xb8;
	[tilespmem:$0x15D60] =	vst v63  }
0x2f: {  	_ = 	snop  }
0x30: {  	[tilespmem:s0], [sflag:$0x2] =	stream.indirect.gather [hbm4b:s8+s14], $0x40, s31, s14, $0xb8;
	[tilespmem:$0x15D60] =	vst v63  }
0x31: {  	s25 =	sshll.u32 s22, $0x3  }
0x32: {  	[tilespmem:s15], [sflag:$0x2] =	stream.indirect.gather [hbm4b:s8+s14], $0x40, s3, s14, $0xb8;
	[tilespmem:$0x15D60] =	vst v63  }
0x33: {  	s1 =	sadd.s32 s7, s25  }
0x34: {  	[tilespmem:s16], [sflag:$0x2] =	stream.linear.gather [hbm4b:s1+s11], $0x800, $0x38;
	[tilespmem:$0x15D60] =	vst v63  }
0x35: {  	_ =	swait.ge [sflag:s17], $0x2000  }
0x36: {  	[sflag:s17] =	ssyncset.done $0x0  }
0x37: {  	[sflag:s17] =	ssyncadd.s32 $0xFFFFE000  }
0x38: {  	_ =	swait.ge [sflag:s17], $0x2000  }
0x39: {  	[sflag:s17] =	ssyncset.done $0x0  }
0x3a: {  	[sflag:s17] =	ssyncadd.s32 $0xFFFFE000  }
0x3b: {  	_ =	swait.ge [sflag:s17], $0x2000  }
0x3c: {  	[sflag:s17] =	ssyncset.done $0x0  }
0x3d: {  	[sflag:s17] =	ssyncadd.s32 $0xFFFFE000  }
0x3e: {  	_ =	swait.ge [sflag:s17], $0x2000  }
0x3f: {  	[sflag:s17] =	ssyncset.done $0x0  }
0x40: {  	[sflag:s17] =	ssyncadd.s32 $0xFFFFE000  }
0x41: {  	_ =	swait.ge [sflag:s17], $0x2000  }
0x42: {  	[sflag:s17] =	ssyncset.done $0x0  }
0x43: {  	[sflag:s17] =	ssyncadd.s32 $0xFFFFE000  }
0x44: {  	_ =	swait.ge [sflag:s17], $0x800  }
0x45: {  	[sflag:s17] =	ssyncset.done $0x0  }
0x46: {  	s12 =	simm.s32 $0x780;
	[sflag:s17] =	ssyncadd.s32 $0xFFFFF800  }
0x47: {  	v2 =	vld [tilespmem:s12+$0xFFFFFDC0]  }
0x48: {  	v3 =	vld [tilespmem:s12+$0xFFFFFD80];
	_ =	sdelay $0x1  }
0x49: {  	v4 =	vld [tilespmem:s12+$0xFFFFFE00];
	_ =	sdelay $0x1  }
0x4a: {  	v5 =	vld [tilespmem:s12+$0xFFFFFE40]  }
0x4b: {  	v2 =	vadd.f32 v2, v3  }
0x4c: {  	v3 =	vld [tilespmem:s12+$0xFFFFFE80]  }
0x4d: {  	v2 =	vadd.f32 v4, v2  }
0x4e: {  	v4 =	vld [tilespmem:s12+$0xFFFFFEC0]  }
0x4f: {  	v2 =	vadd.f32 v5, v2  }
0x50: {  	v5 =	vld [tilespmem:s12+$0xFFFFFF00]  }
0x51: {  	v2 =	vadd.f32 v3, v2  }
0x52: {  	v3 =	vld [tilespmem:s12+$0xFFFFFF40]  }
0x53: {  	v2 =	vadd.f32 v4, v2  }
0x54: {  	v4 =	vld [tilespmem:s12+$0xFFFFFF80]  }
0x55: {  	v2 =	vadd.f32 v5, v2  }
0x56: {  	v5 =	vld [tilespmem:s12+$0xFFFFFFC0]  }
0x57: {  	v2 =	vadd.f32 v3, v2  }
0x58: {  	v3 =	vld [tilespmem:s12+$0x0]  }
0x59: {  	v2 =	vadd.f32 v4, v2  }
0x5a: {  	v4 =	vld [tilespmem:s12+$0x40]  }
0x5b: {  	v2 =	vadd.f32 v5, v2  }
0x5c: {  	v5 =	vld [tilespmem:s12+$0x80]  }
0x5d: {  	v2 =	vadd.f32 v3, v2  }
0x5e: {  	v3 =	vld [tilespmem:s12+$0xC0]  }
0x5f: {  	v2 =	vadd.f32 v4, v2  }
0x60: {  	v4 =	vld [tilespmem:s12+$0x100]  }
0x61: {  	v2 =	vadd.f32 v5, v2  }
0x62: {  	v5 =	vld [tilespmem:s12+$0x140]  }
0x63: {  	v2 =	vadd.f32 v3, v2  }
0x64: {  	v3 =	vld [tilespmem:s12+$0x180]  }
0x65: {  	v2 =	vadd.f32 v4, v2  }
0x66: {  	v4 =	vld [tilespmem:s12+$0x1C0]  }
0x67: {  	v2 =	vadd.f32 v5, v2  }
0x68: {  	v5 =	vld [tilespmem:s12+$0x200]  }
0x69: {  	v2 =	vadd.f32 v3, v2  }
0x6a: {  	v3 =	vld [tilespmem:s12+$0x240]  }
0x6b: {  	v2 =	vadd.f32 v4, v2;
	_ =	sdelay $0x1  }
0x6c: {  	v2 =	vadd.f32 v5, v2;
	_ =	sdelay $0x1  }
0x6d: {  	v2 =	vadd.f32 v3, v2  }
0x6e: {  	s21 =	simm.s32 $0x0  }
0x6f: {  	[tilespmem:s21+$0x15500] =	vst v2  }
0x70: {  	v2 =	vld [tilespmem:s12+$0xFFFFFD90]  }
0x71: {  	v3 =	vld [tilespmem:s12+$0xFFFFFDD0];
	_ =	sdelay $0x1  }
0x72: {  	v4 =	vld [tilespmem:s12+$0xFFFFFE10];
	_ =	sdelay $0x1  }
0x73: {  	v5 =	vld [tilespmem:s12+$0xFFFFFE50]  }
0x74: {  	v2 =	vadd.f32 v3, v2  }
0x75: {  	v3 =	vld [tilespmem:s12+$0xFFFFFE90]  }
0x76: {  	v2 =	vadd.f32 v4, v2  }
0x77: {  	v4 =	vld [tilespmem:s12+$0xFFFFFED0]  }
0x78: {  	v2 =	vadd.f32 v5, v2  }
0x79: {  	v5 =	vld [tilespmem:s12+$0xFFFFFF10]  }
0x7a: {  	v2 =	vadd.f32 v3, v2  }
0x7b: {  	v3 =	vld [tilespmem:s12+$0xFFFFFF50]  }
0x7c: {  	v2 =	vadd.f32 v4, v2  }
0x7d: {  	v4 =	vld [tilespmem:s12+$0xFFFFFF90]  }
0x7e: {  	v2 =	vadd.f32 v5, v2  }
0x7f: {  	v5 =	vld [tilespmem:s12+$0xFFFFFFD0]  }
0x80: {  	v2 =	vadd.f32 v3, v2  }
0x81: {  	v3 =	vld [tilespmem:s12+$0x10]  }
0x82: {  	v2 =	vadd.f32 v4, v2  }
0x83: {  	v4 =	vld [tilespmem:s12+$0x50]  }
0x84: {  	v2 =	vadd.f32 v5, v2  }
0x85: {  	v5 =	vld [tilespmem:s12+$0x90]  }
0x86: {  	v2 =	vadd.f32 v3, v2  }
0x87: {  	v3 =	vld [tilespmem:s12+$0xD0]  }
0x88: {  	v2 =	vadd.f32 v4, v2  }
0x89: {  	v4 =	vld [tilespmem:s12+$0x110]  }
0x8a: {  	v2 =	vadd.f32 v5, v2  }
0x8b: {  	v5 =	vld [tilespmem:s12+$0x150]  }
0x8c: {  	v2 =	vadd.f32 v3, v2  }
0x8d: {  	v3 =	vld [tilespmem:s12+$0x190]  }
0x8e: {  	v2 =	vadd.f32 v4, v2  }
0x8f: {  	v4 =	vld [tilespmem:s12+$0x1D0]  }
0x90: {  	v2 =	vadd.f32 v5, v2  }
0x91: {  	v5 =	vld [tilespmem:s12+$0x210]  }
0x92: {  	v2 =	vadd.f32 v3, v2  }
0x93: {  	v3 =	vld [tilespmem:s12+$0x250]  }
0x94: {  	v2 =	vadd.f32 v4, v2;
	_ =	sdelay $0x1  }
0x95: {  	v2 =	vadd.f32 v5, v2;
	_ =	sdelay $0x1  }
0x96: {  	v2 =	vadd.f32 v3, v2;
	_ =	sdelay $0x1  }
0x97: {  	[tilespmem:s21+$0x15510] =	vst v2  }
0x98: {  	v2 =	vld [tilespmem:s12+$0xFFFFFDA0]  }
0x99: {  	v3 =	vld [tilespmem:s12+$0xFFFFFDE0];
	_ =	sdelay $0x1  }
0x9a: {  	v4 =	vld [tilespmem:s12+$0xFFFFFE20];
	_ =	sdelay $0x1  }
0x9b: {  	v5 =	vld [tilespmem:s12+$0xFFFFFE60]  }
0x9c: {  	v2 =	vadd.f32 v3, v2  }
0x9d: {  	v3 =	vld [tilespmem:s12+$0xFFFFFEA0]  }
0x9e: {  	v2 =	vadd.f32 v4, v2  }
0x9f: {  	v4 =	vld [tilespmem:s12+$0xFFFFFEE0]  }
0xa0: {  	v2 =	vadd.f32 v5, v2  }
0xa1: {  	v5 =	vld [tilespmem:s12+$0xFFFFFF20]  }
0xa2: {  	v2 =	vadd.f32 v3, v2  }
0xa3: {  	v3 =	vld [tilespmem:s12+$0xFFFFFF60]  }
0xa4: {  	v2 =	vadd.f32 v4, v2  }
0xa5: {  	v4 =	vld [tilespmem:s12+$0xFFFFFFA0]  }
0xa6: {  	v2 =	vadd.f32 v5, v2  }
0xa7: {  	v5 =	vld [tilespmem:s12+$0xFFFFFFE0]  }
0xa8: {  	v2 =	vadd.f32 v3, v2  }
0xa9: {  	v3 =	vld [tilespmem:s12+$0x20]  }
0xaa: {  	v2 =	vadd.f32 v4, v2  }
0xab: {  	v4 =	vld [tilespmem:s12+$0x60]  }
0xac: {  	v2 =	vadd.f32 v5, v2  }
0xad: {  	v5 =	vld [tilespmem:s12+$0xA0]  }
0xae: {  	v2 =	vadd.f32 v3, v2  }
0xaf: {  	v3 =	vld [tilespmem:s12+$0xE0]  }
0xb0: {  	v2 =	vadd.f32 v4, v2  }
0xb1: {  	v4 =	vld [tilespmem:s12+$0x120]  }
0xb2: {  	v2 =	vadd.f32 v5, v2  }
0xb3: {  	v5 =	vld [tilespmem:s12+$0x160]  }
0xb4: {  	v2 =	vadd.f32 v3, v2  }
0xb5: {  	v3 =	vld [tilespmem:s12+$0x1A0]  }
0xb6: {  	v2 =	vadd.f32 v4, v2  }
0xb7: {  	v4 =	vld [tilespmem:s12+$0x1E0]  }
0xb8: {  	v2 =	vadd.f32 v5, v2  }
0xb9: {  	v5 =	vld [tilespmem:s12+$0x220]  }
0xba: {  	v2 =	vadd.f32 v3, v2  }
0xbb: {  	v3 =	vld [tilespmem:s12+$0x260]  }
0xbc: {  	v2 =	vadd.f32 v4, v2;
	_ =	sdelay $0x1  }
0xbd: {  	v2 =	vadd.f32 v5, v2;
	_ =	sdelay $0x1  }
0xbe: {  	v2 =	vadd.f32 v3, v2;
	_ =	sdelay $0x1  }
0xbf: {  	[tilespmem:s21+$0x15520] =	vst v2  }
0xc0: {  	v2 =	vld [tilespmem:s12+$0xFFFFFDB0]  }
0xc1: {  	v3 =	vld [tilespmem:s12+$0xFFFFFDF0];
	_ =	sdelay $0x1  }
0xc2: {  	v4 =	vld [tilespmem:s12+$0xFFFFFE30];
	_ =	sdelay $0x1  }
0xc3: {  	v5 =	vld [tilespmem:s12+$0xFFFFFE70]  }
0xc4: {  	v2 =	vadd.f32 v3, v2  }
0xc5: {  	v3 =	vld [tilespmem:s12+$0xFFFFFEB0]  }
0xc6: {  	v2 =	vadd.f32 v4, v2  }
0xc7: {  	v4 =	vld [tilespmem:s12+$0xFFFFFEF0]  }
0xc8: {  	v2 =	vadd.f32 v5, v2  }
0xc9: {  	v5 =	vld [tilespmem:s12+$0xFFFFFF30]  }
0xca: {  	v2 =	vadd.f32 v3, v2  }
0xcb: {  	v3 =	vld [tilespmem:s12+$0xFFFFFF70]  }
0xcc: {  	v2 =	vadd.f32 v4, v2  }
0xcd: {  	v4 =	vld [tilespmem:s12+$0xFFFFFFB0]  }
0xce: {  	v2 =	vadd.f32 v5, v2  }
0xcf: {  	v5 =	vld [tilespmem:s12+$0xFFFFFFF0]  }
0xd0: {  	v2 =	vadd.f32 v3, v2  }
0xd1: {  	v3 =	vld [tilespmem:s12+$0x30]  }
0xd2: {  	v2 =	vadd.f32 v4, v2  }
0xd3: {  	v4 =	vld [tilespmem:s12+$0x70]  }
0xd4: {  	v2 =	vadd.f32 v5, v2  }
0xd5: {  	v5 =	vld [tilespmem:s12+$0xB0]  }
0xd6: {  	v2 =	vadd.f32 v3, v2  }
0xd7: {  	v3 =	vld [tilespmem:s12+$0xF0]  }
0xd8: {  	v2 =	vadd.f32 v4, v2  }
0xd9: {  	v4 =	vld [tilespmem:s12+$0x130]  }
0xda: {  	v2 =	vadd.f32 v5, v2  }
0xdb: {  	v5 =	vld [tilespmem:s12+$0x170]  }
0xdc: {  	v2 =	vadd.f32 v3, v2  }
0xdd: {  	v3 =	vld [tilespmem:s12+$0x1B0]  }
0xde: {  	v2 =	vadd.f32 v4, v2;
	_ =	sdelay $0x1  }
0xdf: {  	v4 =	vld [tilespmem:s12+$0x1F0];
	v2 =	vadd.f32 v5, v2;
	_ =	sdelay $0x1  }
0xe0: {  	v5 =	vadd.f32 v3, v2;
	v3 =	vld [tilespmem:s12+$0x230];
	_ =	sdelay $0x1  }
0xe1: {  	v2 =	vld [tilespmem:s12+$0x270]  }
0xe2: {  	s1 =	simm.s32 $0x100;
	v4 =	vadd.f32 v4, v5  }
.LBB2_3:
0xe3: {  	p0 =	sne.s32 s1, $0x1F00  }
0xe4: {  	s12 =	sadd.s32 $0x500, s12;
	s25 =	smov.u32 s1;
	s1 =	sadd.s32 $0x100, s1;
	v3 =	vadd.f32 v3, v4  }
0xe5: {  	_ = 	snop  }
0xe6: {  	v2 =	vadd.f32 v2, v3;
	_ =	sdelay $0x1  }
0xe7: {  	[tilespmem:s21+$0x15530] =	vst v2  }
0xe8: {  	v2 =	vld [tilespmem:s12+$0xFFFFFDC0]  }
0xe9: {  	v3 =	vld [tilespmem:s12+$0xFFFFFD80];
	_ =	sdelay $0x1  }
0xea: {  	v4 =	vld [tilespmem:s12+$0xFFFFFE00];
	_ =	sdelay $0x1  }
0xeb: {  	v5 =	vld [tilespmem:s12+$0xFFFFFE40]  }
0xec: {  	v2 =	vadd.f32 v2, v3  }
0xed: {  	v3 =	vld [tilespmem:s12+$0xFFFFFE80]  }
0xee: {  	v2 =	vadd.f32 v4, v2  }
0xef: {  	v4 =	vld [tilespmem:s12+$0xFFFFFEC0]  }
0xf0: {  	v2 =	vadd.f32 v5, v2  }
0xf1: {  	v5 =	vld [tilespmem:s12+$0xFFFFFF00]  }
0xf2: {  	v2 =	vadd.f32 v3, v2  }
0xf3: {  	v3 =	vld [tilespmem:s12+$0xFFFFFF40]  }
0xf4: {  	v2 =	vadd.f32 v4, v2  }
0xf5: {  	v4 =	vld [tilespmem:s12+$0xFFFFFF80]  }
0xf6: {  	v2 =	vadd.f32 v5, v2  }
0xf7: {  	v5 =	vld [tilespmem:s12+$0xFFFFFFC0]  }
0xf8: {  	v2 =	vadd.f32 v3, v2  }
0xf9: {  	v3 =	vld [tilespmem:s12+$0x0]  }
0xfa: {  	v2 =	vadd.f32 v4, v2  }
0xfb: {  	v4 =	vld [tilespmem:s12+$0x40]  }
0xfc: {  	v2 =	vadd.f32 v5, v2  }
0xfd: {  	v5 =	vld [tilespmem:s12+$0x80]  }
0xfe: {  	v2 =	vadd.f32 v3, v2  }
0xff: {  	v3 =	vld [tilespmem:s12+$0xC0]  }
0x100: {  	v2 =	vadd.f32 v4, v2  }
0x101: {  	v4 =	vld [tilespmem:s12+$0x100]  }
0x102: {  	v2 =	vadd.f32 v5, v2  }
0x103: {  	v5 =	vld [tilespmem:s12+$0x140]  }
0x104: {  	v2 =	vadd.f32 v3, v2  }
0x105: {  	v3 =	vld [tilespmem:s12+$0x180]  }
0x106: {  	v2 =	vadd.f32 v4, v2  }
0x107: {  	v4 =	vld [tilespmem:s12+$0x1C0]  }
0x108: {  	v2 =	vadd.f32 v5, v2  }
0x109: {  	v5 =	vld [tilespmem:s12+$0x200]  }
0x10a: {  	v2 =	vadd.f32 v3, v2  }
0x10b: {  	v3 =	vld [tilespmem:s12+$0x240]  }
0x10c: {  	v2 =	vadd.f32 v4, v2;
	_ =	sdelay $0x1  }
0x10d: {  	v2 =	vadd.f32 v5, v2;
	_ =	sdelay $0x1  }
0x10e: {  	v2 =	vadd.f32 v3, v2  }
0x10f: {  	s21 =	sshra.s32 s25, $0x2  }
0x110: {  	[tilespmem:s21+$0x15500] =	vst v2  }
0x111: {  	v2 =	vld [tilespmem:s12+$0xFFFFFD90]  }
0x112: {  	v3 =	vld [tilespmem:s12+$0xFFFFFDD0];
	_ =	sdelay $0x1  }
0x113: {  	v4 =	vld [tilespmem:s12+$0xFFFFFE10];
	_ =	sdelay $0x1  }
0x114: {  	v5 =	vld [tilespmem:s12+$0xFFFFFE50]  }
0x115: {  	v2 =	vadd.f32 v3, v2  }
0x116: {  	v3 =	vld [tilespmem:s12+$0xFFFFFE90]  }
0x117: {  	v2 =	vadd.f32 v4, v2  }
0x118: {  	v4 =	vld [tilespmem:s12+$0xFFFFFED0]  }
0x119: {  	v2 =	vadd.f32 v5, v2  }
0x11a: {  	v5 =	vld [tilespmem:s12+$0xFFFFFF10]  }
0x11b: {  	v2 =	vadd.f32 v3, v2  }
0x11c: {  	v3 =	vld [tilespmem:s12+$0xFFFFFF50]  }
0x11d: {  	v2 =	vadd.f32 v4, v2  }
0x11e: {  	v4 =	vld [tilespmem:s12+$0xFFFFFF90]  }
0x11f: {  	v2 =	vadd.f32 v5, v2  }
0x120: {  	v5 =	vld [tilespmem:s12+$0xFFFFFFD0]  }
0x121: {  	v2 =	vadd.f32 v3, v2  }
0x122: {  	v3 =	vld [tilespmem:s12+$0x10]  }
0x123: {  	v2 =	vadd.f32 v4, v2  }
0x124: {  	v4 =	vld [tilespmem:s12+$0x50]  }
0x125: {  	v2 =	vadd.f32 v5, v2  }
0x126: {  	v5 =	vld [tilespmem:s12+$0x90]  }
0x127: {  	v2 =	vadd.f32 v3, v2  }
0x128: {  	v3 =	vld [tilespmem:s12+$0xD0]  }
0x129: {  	v2 =	vadd.f32 v4, v2  }
0x12a: {  	v4 =	vld [tilespmem:s12+$0x110]  }
0x12b: {  	v2 =	vadd.f32 v5, v2  }
0x12c: {  	v5 =	vld [tilespmem:s12+$0x150]  }
0x12d: {  	v2 =	vadd.f32 v3, v2  }
0x12e: {  	v3 =	vld [tilespmem:s12+$0x190]  }
0x12f: {  	v2 =	vadd.f32 v4, v2  }
0x130: {  	v4 =	vld [tilespmem:s12+$0x1D0]  }
0x131: {  	v2 =	vadd.f32 v5, v2  }
0x132: {  	v5 =	vld [tilespmem:s12+$0x210]  }
0x133: {  	v2 =	vadd.f32 v3, v2  }
0x134: {  	v3 =	vld [tilespmem:s12+$0x250]  }
0x135: {  	v2 =	vadd.f32 v4, v2;
	_ =	sdelay $0x1  }
0x136: {  	v2 =	vadd.f32 v5, v2;
	_ =	sdelay $0x1  }
0x137: {  	v2 =	vadd.f32 v3, v2;
	_ =	sdelay $0x1  }
0x138: {  	[tilespmem:s21+$0x15510] =	vst v2  }
0x139: {  	v2 =	vld [tilespmem:s12+$0xFFFFFDA0]  }
0x13a: {  	v3 =	vld [tilespmem:s12+$0xFFFFFDE0];
	_ =	sdelay $0x1  }
0x13b: {  	v4 =	vld [tilespmem:s12+$0xFFFFFE20];
	_ =	sdelay $0x1  }
0x13c: {  	v5 =	vld [tilespmem:s12+$0xFFFFFE60]  }
0x13d: {  	v2 =	vadd.f32 v3, v2  }
0x13e: {  	v3 =	vld [tilespmem:s12+$0xFFFFFEA0]  }
0x13f: {  	v2 =	vadd.f32 v4, v2  }
0x140: {  	v4 =	vld [tilespmem:s12+$0xFFFFFEE0]  }
0x141: {  	v2 =	vadd.f32 v5, v2  }
0x142: {  	v5 =	vld [tilespmem:s12+$0xFFFFFF20]  }
0x143: {  	v2 =	vadd.f32 v3, v2  }
0x144: {  	v3 =	vld [tilespmem:s12+$0xFFFFFF60]  }
0x145: {  	v2 =	vadd.f32 v4, v2  }
0x146: {  	v4 =	vld [tilespmem:s12+$0xFFFFFFA0]  }
0x147: {  	v2 =	vadd.f32 v5, v2  }
0x148: {  	v5 =	vld [tilespmem:s12+$0xFFFFFFE0]  }
0x149: {  	v2 =	vadd.f32 v3, v2  }
0x14a: {  	v3 =	vld [tilespmem:s12+$0x20]  }
0x14b: {  	v2 =	vadd.f32 v4, v2  }
0x14c: {  	v4 =	vld [tilespmem:s12+$0x60]  }
0x14d: {  	v2 =	vadd.f32 v5, v2  }
0x14e: {  	v5 =	vld [tilespmem:s12+$0xA0]  }
0x14f: {  	v2 =	vadd.f32 v3, v2  }
0x150: {  	v3 =	vld [tilespmem:s12+$0xE0]  }
0x151: {  	v2 =	vadd.f32 v4, v2  }
0x152: {  	v4 =	vld [tilespmem:s12+$0x120]  }
0x153: {  	v2 =	vadd.f32 v5, v2  }
0x154: {  	v5 =	vld [tilespmem:s12+$0x160]  }
0x155: {  	v2 =	vadd.f32 v3, v2  }
0x156: {  	v3 =	vld [tilespmem:s12+$0x1A0]  }
0x157: {  	v2 =	vadd.f32 v4, v2  }
0x158: {  	v4 =	vld [tilespmem:s12+$0x1E0]  }
0x159: {  	v2 =	vadd.f32 v5, v2  }
0x15a: {  	v5 =	vld [tilespmem:s12+$0x220]  }
0x15b: {  	v2 =	vadd.f32 v3, v2  }
0x15c: {  	v3 =	vld [tilespmem:s12+$0x260]  }
0x15d: {  	v2 =	vadd.f32 v4, v2;
	_ =	sdelay $0x1  }
0x15e: {  	v2 =	vadd.f32 v5, v2;
	_ =	sdelay $0x1  }
0x15f: {  	v2 =	vadd.f32 v3, v2;
	_ =	sdelay $0x1  }
0x160: {  	[tilespmem:s21+$0x15520] =	vst v2  }
0x161: {  	v2 =	vld [tilespmem:s12+$0xFFFFFDB0]  }
0x162: {  	v3 =	vld [tilespmem:s12+$0xFFFFFDF0]  }
0x163: {  	v4 =	vld [tilespmem:s12+$0xFFFFFE30]  }
0x164: {  	v5 =	vld [tilespmem:s12+$0xFFFFFE70]  }
0x165: {  	v6 =	vld [tilespmem:s12+$0xFFFFFEB0]  }
0x166: {  	v7 =	vld [tilespmem:s12+$0xFFFFFEF0]  }
0x167: {  	v2 =	vadd.f32 v3, v2;
	v3 =	vld [tilespmem:s12+$0xFFFFFF30]  }
0x168: {  	v8 =	vld [tilespmem:s12+$0xFFFFFF70]  }
0x169: {  	v2 =	vadd.f32 v4, v2;
	v4 =	vld [tilespmem:s12+$0xFFFFFFB0]  }
0x16a: {  	v9 =	vld [tilespmem:s12+$0xFFFFFFF0]  }
0x16b: {  	v2 =	vadd.f32 v5, v2;
	v5 =	vld [tilespmem:s12+$0x30]  }
0x16c: {  	v10 =	vld [tilespmem:s12+$0x70]  }
0x16d: {  	v2 =	vadd.f32 v6, v2;
	v6 =	vld [tilespmem:s12+$0xB0]  }
0x16e: {  	v11 =	vld [tilespmem:s12+$0xF0]  }
0x16f: {  	v2 =	vadd.f32 v7, v2;
	v7 =	vld [tilespmem:s12+$0x130]  }
0x170: {  	v12 =	vld [tilespmem:s12+$0x170]  }
0x171: {  	v2 =	vadd.f32 v3, v2;
	v13 =	vld [tilespmem:s12+$0x1B0]  }
0x172: {  	v14 =	vld [tilespmem:s12+$0x1F0]  }
0x173: {  	v8 =	vadd.f32 v8, v2;
	v3 =	vld [tilespmem:s12+$0x230]  }
0x174: {  	v2 =	vld [tilespmem:s12+$0x270]  }
0x175: {  	v4 =	vadd.f32 v4, v8;
	_ =	sdelay $0x1  }
0x176: {  	v4 =	vadd.f32 v9, v4;
	_ =	sdelay $0x1  }
0x177: {  	v4 =	vadd.f32 v5, v4;
	_ =	sdelay $0x1  }
0x178: {  	v4 =	vadd.f32 v10, v4;
	_ =	sdelay $0x1  }
0x179: {  	v4 =	vadd.f32 v6, v4;
	_ =	sdelay $0x1  }
0x17a: {  	v4 =	vadd.f32 v11, v4;
	_ =	sdelay $0x1  }
0x17b: {  	v4 =	vadd.f32 v7, v4;
	_ =	sdelay $0x1  }
.Ltmp0:
0x17c: {  	v4 =	vadd.f32 v12, v4;
	(pc) =	sbr.rel @p0 .LBB2_3-.Ltmp0, $3  }
0x17d: {  	_ = 	snop  }
0x17e: {  	v4 =	vadd.f32 v13, v4;
	_ =	sdelay $0x1  }
0x17f: {  	v4 =	vadd.f32 v14, v4  }
0x180: {  	v5 =	vmov s11  }
0x181: {  	v5 =	vand.u32 $0x3F, v5  }
0x182: {  	v5 =	vbroadcast v5, $0x0;
	_ =	sdelay $0x1  }
0x183: {  	s1 =	simm.s32 $0x1;
	v3 =	vadd.f32 v3, v4;
	v4 =	vor.u32 v0, v5  }
0x184: {  	v5 =	vmov s1  }
0x185: {  	v2 =	vadd.f32 v2, v3;
	v3 =	vand.u32 $0x3F, v5  }
0x186: {  	v3 =	vbroadcast v3, $0x0  }
0x187: {  	[tilespmem:s21+$0x15530] =	vst v2  }
0x188: {  	v7 =	vor.u32 v0, v3;
	v6 =	vld.idx.msk [tilespmem:v4+s18+$0x0], $0xffff  }
0x189: {  	s25 =	simm.s32 $0x2;
	v8 =	vld.idx.msk [tilespmem:v4+s23+$0x0], $0xffff  }
0x18a: {  	v2 =	vmov s25  }
0x18b: {  	v2 =	vand.u32 $0x3F, v2  }
0x18c: {  	v4 =	vbroadcast v2, $0x0  }
0x18d: {  	v2 =	vld.idx.msk [tilespmem:v7+s18+$0x0], $0xffff  }
0x18e: {  	s1 =	simm.s32 $0x3;
	v3 =	vimm.f32 $0.0e+00;
	v5 =	vor.u32 v0, v4;
	v4 =	vld.idx.msk [tilespmem:v7+s23+$0x0], $0xffff;
	v6 =	vmul.f32 v8, v6  }
.LBB2_5:
0x18f: {  	p0 =	sne.s32 s1, $0x3F  }
.Ltmp1:
0x190: {  	v7 =	vmov s1;
	v3 =	vadd.f32 v6, v3;
	(pc) =	sbr.rel @p0 .LBB2_5-.Ltmp1, $4  }
0x191: {  	s1 =	sadd.s32 $0x1, s1;
	v8 =	vand.u32 $0x3F, v7  }
0x192: {  	v7 =	vbroadcast v8, $0x0  }
0x193: {  	v6 =	vmov v2;
	v2 =	vld.idx.msk [tilespmem:v5+s18+$0x0], $0xffff  }
0x194: {  	v6 =	vmul.f32 v4, v6;
	v4 =	vld.idx.msk [tilespmem:v5+s23+$0x0], $0xffff;
	v5 =	vor.u32 v0, v7  }
0x195: {  	_ =	sdelay $0x3  }
0x196: {  	v7 =	vld.idx.msk [tilespmem:v5+s18+$0x0], $0xffff  }
0x197: {  	v5 =	vld.idx.msk [tilespmem:v5+s23+$0x0], $0xffff;
	s1 =	simm.s32 $0x0  }
0x198: {  	v8 =	vmov s1  }
0x199: {  	v8 =	vand.u32 $0x3F, v8  }
0x19a: {  	v3 =	vadd.f32 v6, v3;
	v2 =	vmul.f32 v4, v2;
	v4 =	vbroadcast v8, $0x0;
	_ =	sdelay $0x1  }
0x19b: {  	s21 =	simm.s32 $0x1;
	v2 =	vadd.f32 v2, v3;
	v3 =	vmul.f32 v5, v7;
	v4 =	vor.u32 v1, v4  }
0x19c: {  	v5 =	vmov s21  }
0x19d: {  	v2 =	vadd.f32 v3, v2;
	v3 =	vand.u32 $0x3F, v5  }
0x19e: {  	v3 =	vbroadcast v3, $0x0  }
0x19f: {  	[tilespmem:$0x15D00] =	vst v2  }
0x1a0: {  	v6 =	vld.idx.msk [tilespmem:v4+s18+$0x0], $0xffff;
	v7 =	vor.u32 v1, v3  }
0x1a1: {  	s25 =	simm.s32 $0x2;
	v8 =	vld.idx.msk [tilespmem:v4+s23+$0x0], $0xffff  }
0x1a2: {  	v2 =	vmov s25  }
0x1a3: {  	v2 =	vand.u32 $0x3F, v2  }
0x1a4: {  	v4 =	vbroadcast v2, $0x0  }
0x1a5: {  	v2 =	vld.idx.msk [tilespmem:v7+s18+$0x0], $0xffff  }
0x1a6: {  	s1 =	simm.s32 $0x3;
	v3 =	vimm.f32 $0.0e+00;
	v5 =	vor.u32 v1, v4;
	v4 =	vld.idx.msk [tilespmem:v7+s23+$0x0], $0xffff;
	v6 =	vmul.f32 v8, v6  }
.LBB2_7:
0x1a7: {  	p0 =	sne.s32 s1, $0x3F  }
.Ltmp2:
0x1a8: {  	v7 =	vmov s1;
	v3 =	vadd.f32 v6, v3;
	(pc) =	sbr.rel @p0 .LBB2_7-.Ltmp2, $4  }
0x1a9: {  	s1 =	sadd.s32 $0x1, s1;
	v8 =	vand.u32 $0x3F, v7  }
0x1aa: {  	v7 =	vbroadcast v8, $0x0  }
0x1ab: {  	v6 =	vmov v2;
	v2 =	vld.idx.msk [tilespmem:v5+s18+$0x0], $0xffff  }
0x1ac: {  	v6 =	vmul.f32 v4, v6;
	v4 =	vld.idx.msk [tilespmem:v5+s23+$0x0], $0xffff;
	v5 =	vor.u32 v1, v7  }
0x1ad: {  	_ =	sdelay $0x3  }
0x1ae: {  	v7 =	vld.idx.msk [tilespmem:v5+s18+$0x0], $0xffff  }
0x1af: {  	v5 =	vld.idx.msk [tilespmem:v5+s23+$0x0], $0xffff;
	_ =	sdelay $0x2  }
0x1b0: {  	s11 =	sadd.s32 $0x1, s10;
	p0 =	seq.s32 s10, $0xF;
	v3 =	vadd.f32 v6, v3;
	v2 =	vmul.f32 v4, v2  }
0x1b1: {  	s1 =	sshll.u32 @!p0 s11, $0x5  }
0x1b2: {  	s1 =	sadd.s32 @!p0 s9, s1;
	v2 =	vadd.f32 v2, v3;
	v3 =	vmul.f32 v5, v7  }
0x1b3: {  	s10 =	smul.u32 @!p0 $0x14, s1  }
0x1b4: {  	v2 =	vadd.f32 v3, v2  }
0x1b5: {  	s10 =	sshrl.u32 @!p0 s10, $0x3  }
0x1b6: {  	s12 =	simm.s32 @!p0 $0x0;
	s10 =	sadd.s32 @!p0 s4, s10;
	[tilespmem:$0x15D10] =	vst v2  }
0x1b7: {  	[tilespmem:s12], [sflag:$0x3] =	stream.linear.gather @!p0 [hbm4b:s10+s12], $0x280, $0x38;
	[tilespmem:$0x15D60] =	vst v63  }
0x1b8: {  	s10 =	simm.s32 @!p0 $0x3  }
0x1b9: {  	_ =	swait.ge @!p0 [sflag:s10], $0x280  }
0x1ba: {  	[sflag:s10] =	ssyncset.done @!p0 $0x0  }
0x1bb: {  	s21 =	simm.s32 @!p0 $0x500;
	[sflag:s10] =	ssyncadd.s32 @!p0 $0xFFFFFD80;
	s10 =	simm.s32 @!p0 $0x80  }
0x1bc: {  	[tilespmem:s21], [sflag:$0x1] =	stream.indirect.gather @!p0 [hbm4b:s8+s10], $0x40, s12, s10, $0xb8;
	[tilespmem:$0x15D60] =	vst v63  }
0x1bd: {  	s21 =	simm.s32 @!p0 $0x2500  }
0x1be: {  	[tilespmem:s21], [sflag:$0x1] =	stream.indirect.gather @!p0 [hbm4b:s8+s10], $0x40, s10, s10, $0xb8;
	[tilespmem:$0x15D60] =	vst v63  }
0x1bf: {  	s25 =	simm.s32 @!p0 $0x4500;
	s21 =	simm.s32 @!p0 $0x100  }
0x1c0: {  	[tilespmem:s25], [sflag:$0x1] =	stream.indirect.gather @!p0 [hbm4b:s8+s10], $0x40, s21, s10, $0xb8;
	[tilespmem:$0x15D60] =	vst v63  }
0x1c1: {  	s1 =	sshll.u32 @!p0 s1, $0x3;
	s21 =	simm.s32 @!p0 $0x180;
	s25 =	simm.s32 @!p0 $0x6500  }
0x1c2: {  	[tilespmem:s25], [sflag:$0x1] =	stream.indirect.gather @!p0 [hbm4b:s8+s10], $0x40, s21, s10, $0xb8;
	[tilespmem:$0x15D60] =	vst v63  }
0x1c3: {  	s1 =	sand.u32 @!p0 $0x1FFFFF00, s1;
	s21 =	simm.s32 @!p0 $0x200;
	s25 =	simm.s32 @!p0 $0x8500  }
0x1c4: {  	[tilespmem:s25], [sflag:$0x1] =	stream.indirect.gather @!p0 [hbm4b:s8+s10], $0x40, s21, s10, $0xb8;
	[tilespmem:$0x15D60] =	vst v63  }
0x1c5: {  	s1 =	sadd.s32 @!p0 s5, s1;
	s10 =	simm.s32 @!p0 $0x14500  }
0x1c6: {  	[tilespmem:s10], [sflag:$0x1] =	stream.linear.gather @!p0 [hbm4b:s1+s12], $0x800, $0x38;
	[tilespmem:$0x15D60] =	vst v63  }
0x1c7: {  	_ =	swait.ge [sflag:s19], $0x2000  }
0x1c8: {  	[sflag:s19] =	ssyncset.done $0x0  }
0x1c9: {  	[sflag:s19] =	ssyncadd.s32 $0xFFFFE000  }
0x1ca: {  	_ =	swait.ge [sflag:s19], $0x2000  }
0x1cb: {  	[sflag:s19] =	ssyncset.done $0x0  }
0x1cc: {  	[sflag:s19] =	ssyncadd.s32 $0xFFFFE000  }
0x1cd: {  	_ =	swait.ge [sflag:s19], $0x2000  }
0x1ce: {  	[sflag:s19] =	ssyncset.done $0x0  }
0x1cf: {  	[sflag:s19] =	ssyncadd.s32 $0xFFFFE000  }
0x1d0: {  	_ =	swait.ge [sflag:s19], $0x2000  }
0x1d1: {  	[sflag:s19] =	ssyncset.done $0x0  }
0x1d2: {  	[sflag:s19] =	ssyncadd.s32 $0xFFFFE000  }
0x1d3: {  	_ =	swait.ge [sflag:s19], $0x2000  }
0x1d4: {  	[sflag:s19] =	ssyncset.done $0x0  }
0x1d5: {  	[sflag:s19] =	ssyncadd.s32 $0xFFFFE000  }
0x1d6: {  	_ =	swait.ge [sflag:s19], $0x800  }
0x1d7: {  	[sflag:s19] =	ssyncset.done $0x0  }
0x1d8: {  	s10 =	simm.s32 $0xA780;
	[sflag:s19] =	ssyncadd.s32 $0xFFFFF800  }
0x1d9: {  	v2 =	vld [tilespmem:s10+$0xFFFFFDC0]  }
0x1da: {  	v3 =	vld [tilespmem:s10+$0xFFFFFD80];
	_ =	sdelay $0x1  }
0x1db: {  	v4 =	vld [tilespmem:s10+$0xFFFFFE00];
	_ =	sdelay $0x1  }
0x1dc: {  	v5 =	vld [tilespmem:s10+$0xFFFFFE40]  }
0x1dd: {  	v2 =	vadd.f32 v2, v3  }
0x1de: {  	v3 =	vld [tilespmem:s10+$0xFFFFFE80]  }
0x1df: {  	v2 =	vadd.f32 v4, v2  }
0x1e0: {  	v4 =	vld [tilespmem:s10+$0xFFFFFEC0]  }
0x1e1: {  	v2 =	vadd.f32 v5, v2  }
0x1e2: {  	v5 =	vld [tilespmem:s10+$0xFFFFFF00]  }
0x1e3: {  	v2 =	vadd.f32 v3, v2  }
0x1e4: {  	v3 =	vld [tilespmem:s10+$0xFFFFFF40]  }
0x1e5: {  	v2 =	vadd.f32 v4, v2  }
0x1e6: {  	v4 =	vld [tilespmem:s10+$0xFFFFFF80]  }
0x1e7: {  	v2 =	vadd.f32 v5, v2  }
0x1e8: {  	v5 =	vld [tilespmem:s10+$0xFFFFFFC0]  }
0x1e9: {  	v2 =	vadd.f32 v3, v2  }
0x1ea: {  	v3 =	vld [tilespmem:s10+$0x0]  }
0x1eb: {  	v2 =	vadd.f32 v4, v2  }
0x1ec: {  	v4 =	vld [tilespmem:s10+$0x40]  }
0x1ed: {  	v2 =	vadd.f32 v5, v2  }
0x1ee: {  	v5 =	vld [tilespmem:s10+$0x80]  }
0x1ef: {  	v2 =	vadd.f32 v3, v2  }
0x1f0: {  	v3 =	vld [tilespmem:s10+$0xC0]  }
0x1f1: {  	v2 =	vadd.f32 v4, v2  }
0x1f2: {  	v4 =	vld [tilespmem:s10+$0x100]  }
0x1f3: {  	v2 =	vadd.f32 v5, v2  }
0x1f4: {  	v5 =	vld [tilespmem:s10+$0x140]  }
0x1f5: {  	v2 =	vadd.f32 v3, v2  }
0x1f6: {  	v3 =	vld [tilespmem:s10+$0x180]  }
0x1f7: {  	v2 =	vadd.f32 v4, v2  }
0x1f8: {  	v4 =	vld [tilespmem:s10+$0x1C0]  }
0x1f9: {  	v2 =	vadd.f32 v5, v2  }
0x1fa: {  	v5 =	vld [tilespmem:s10+$0x200]  }
0x1fb: {  	v2 =	vadd.f32 v3, v2  }
0x1fc: {  	v3 =	vld [tilespmem:s10+$0x240]  }
0x1fd: {  	v2 =	vadd.f32 v4, v2;
	_ =	sdelay $0x1  }
0x1fe: {  	v2 =	vadd.f32 v5, v2;
	_ =	sdelay $0x1  }
0x1ff: {  	v2 =	vadd.f32 v3, v2  }
0x200: {  	s12 =	simm.s32 $0x0  }
0x201: {  	[tilespmem:s12+$0x15500] =	vst v2  }
0x202: {  	v2 =	vld [tilespmem:s10+$0xFFFFFD90]  }
0x203: {  	v3 =	vld [tilespmem:s10+$0xFFFFFDD0];
	_ =	sdelay $0x1  }
0x204: {  	v4 =	vld [tilespmem:s10+$0xFFFFFE10];
	_ =	sdelay $0x1  }
0x205: {  	v5 =	vld [tilespmem:s10+$0xFFFFFE50]  }
0x206: {  	v2 =	vadd.f32 v3, v2  }
0x207: {  	v3 =	vld [tilespmem:s10+$0xFFFFFE90]  }
0x208: {  	v2 =	vadd.f32 v4, v2  }
0x209: {  	v4 =	vld [tilespmem:s10+$0xFFFFFED0]  }
0x20a: {  	v2 =	vadd.f32 v5, v2  }
0x20b: {  	v5 =	vld [tilespmem:s10+$0xFFFFFF10]  }
0x20c: {  	v2 =	vadd.f32 v3, v2  }
0x20d: {  	v3 =	vld [tilespmem:s10+$0xFFFFFF50]  }
0x20e: {  	v2 =	vadd.f32 v4, v2  }
0x20f: {  	v4 =	vld [tilespmem:s10+$0xFFFFFF90]  }
0x210: {  	v2 =	vadd.f32 v5, v2  }
0x211: {  	v5 =	vld [tilespmem:s10+$0xFFFFFFD0]  }
0x212: {  	v2 =	vadd.f32 v3, v2  }
0x213: {  	v3 =	vld [tilespmem:s10+$0x10]  }
0x214: {  	v2 =	vadd.f32 v4, v2  }
0x215: {  	v4 =	vld [tilespmem:s10+$0x50]  }
0x216: {  	v2 =	vadd.f32 v5, v2  }
0x217: {  	v5 =	vld [tilespmem:s10+$0x90]  }
0x218: {  	v2 =	vadd.f32 v3, v2  }
0x219: {  	v3 =	vld [tilespmem:s10+$0xD0]  }
0x21a: {  	v2 =	vadd.f32 v4, v2  }
0x21b: {  	v4 =	vld [tilespmem:s10+$0x110]  }
0x21c: {  	v2 =	vadd.f32 v5, v2  }
0x21d: {  	v5 =	vld [tilespmem:s10+$0x150]  }
0x21e: {  	v2 =	vadd.f32 v3, v2  }
0x21f: {  	v3 =	vld [tilespmem:s10+$0x190]  }
0x220: {  	v2 =	vadd.f32 v4, v2  }
0x221: {  	v4 =	vld [tilespmem:s10+$0x1D0]  }
0x222: {  	v2 =	vadd.f32 v5, v2  }
0x223: {  	v5 =	vld [tilespmem:s10+$0x210]  }
0x224: {  	v2 =	vadd.f32 v3, v2  }
0x225: {  	v3 =	vld [tilespmem:s10+$0x250]  }
0x226: {  	v2 =	vadd.f32 v4, v2;
	_ =	sdelay $0x1  }
0x227: {  	v2 =	vadd.f32 v5, v2;
	_ =	sdelay $0x1  }
0x228: {  	v2 =	vadd.f32 v3, v2;
	_ =	sdelay $0x1  }
0x229: {  	[tilespmem:s12+$0x15510] =	vst v2  }
0x22a: {  	v2 =	vld [tilespmem:s10+$0xFFFFFDA0]  }
0x22b: {  	v3 =	vld [tilespmem:s10+$0xFFFFFDE0];
	_ =	sdelay $0x1  }
0x22c: {  	v4 =	vld [tilespmem:s10+$0xFFFFFE20];
	_ =	sdelay $0x1  }
0x22d: {  	v5 =	vld [tilespmem:s10+$0xFFFFFE60]  }
0x22e: {  	v2 =	vadd.f32 v3, v2  }
0x22f: {  	v3 =	vld [tilespmem:s10+$0xFFFFFEA0]  }
0x230: {  	v2 =	vadd.f32 v4, v2  }
0x231: {  	v4 =	vld [tilespmem:s10+$0xFFFFFEE0]  }
0x232: {  	v2 =	vadd.f32 v5, v2  }
0x233: {  	v5 =	vld [tilespmem:s10+$0xFFFFFF20]  }
0x234: {  	v2 =	vadd.f32 v3, v2  }
0x235: {  	v3 =	vld [tilespmem:s10+$0xFFFFFF60]  }
0x236: {  	v2 =	vadd.f32 v4, v2  }
0x237: {  	v4 =	vld [tilespmem:s10+$0xFFFFFFA0]  }
0x238: {  	v2 =	vadd.f32 v5, v2  }
0x239: {  	v5 =	vld [tilespmem:s10+$0xFFFFFFE0]  }
0x23a: {  	v2 =	vadd.f32 v3, v2  }
0x23b: {  	v3 =	vld [tilespmem:s10+$0x20]  }
0x23c: {  	v2 =	vadd.f32 v4, v2  }
0x23d: {  	v4 =	vld [tilespmem:s10+$0x60]  }
0x23e: {  	v2 =	vadd.f32 v5, v2  }
0x23f: {  	v5 =	vld [tilespmem:s10+$0xA0]  }
0x240: {  	v2 =	vadd.f32 v3, v2  }
0x241: {  	v3 =	vld [tilespmem:s10+$0xE0]  }
0x242: {  	v2 =	vadd.f32 v4, v2  }
0x243: {  	v4 =	vld [tilespmem:s10+$0x120]  }
0x244: {  	v2 =	vadd.f32 v5, v2  }
0x245: {  	v5 =	vld [tilespmem:s10+$0x160]  }
0x246: {  	v2 =	vadd.f32 v3, v2  }
0x247: {  	v3 =	vld [tilespmem:s10+$0x1A0]  }
0x248: {  	v2 =	vadd.f32 v4, v2  }
0x249: {  	v4 =	vld [tilespmem:s10+$0x1E0]  }
0x24a: {  	v2 =	vadd.f32 v5, v2  }
0x24b: {  	v5 =	vld [tilespmem:s10+$0x220]  }
0x24c: {  	v2 =	vadd.f32 v3, v2  }
0x24d: {  	v3 =	vld [tilespmem:s10+$0x260]  }
0x24e: {  	v2 =	vadd.f32 v4, v2;
	_ =	sdelay $0x1  }
0x24f: {  	v2 =	vadd.f32 v5, v2;
	_ =	sdelay $0x1  }
0x250: {  	v2 =	vadd.f32 v3, v2;
	_ =	sdelay $0x1  }
0x251: {  	[tilespmem:s12+$0x15520] =	vst v2  }
0x252: {  	v2 =	vld [tilespmem:s10+$0xFFFFFDB0]  }
0x253: {  	v3 =	vld [tilespmem:s10+$0xFFFFFDF0];
	_ =	sdelay $0x1  }
0x254: {  	v4 =	vld [tilespmem:s10+$0xFFFFFE30];
	_ =	sdelay $0x1  }
0x255: {  	v5 =	vld [tilespmem:s10+$0xFFFFFE70]  }
0x256: {  	v2 =	vadd.f32 v3, v2  }
0x257: {  	v3 =	vld [tilespmem:s10+$0xFFFFFEB0]  }
0x258: {  	v2 =	vadd.f32 v4, v2  }
0x259: {  	v4 =	vld [tilespmem:s10+$0xFFFFFEF0]  }
0x25a: {  	v2 =	vadd.f32 v5, v2  }
0x25b: {  	v5 =	vld [tilespmem:s10+$0xFFFFFF30]  }
0x25c: {  	v2 =	vadd.f32 v3, v2  }
0x25d: {  	v3 =	vld [tilespmem:s10+$0xFFFFFF70]  }
0x25e: {  	v2 =	vadd.f32 v4, v2  }
0x25f: {  	v4 =	vld [tilespmem:s10+$0xFFFFFFB0]  }
0x260: {  	v2 =	vadd.f32 v5, v2  }
0x261: {  	v5 =	vld [tilespmem:s10+$0xFFFFFFF0]  }
0x262: {  	v2 =	vadd.f32 v3, v2  }
0x263: {  	v3 =	vld [tilespmem:s10+$0x30]  }
0x264: {  	v2 =	vadd.f32 v4, v2  }
0x265: {  	v4 =	vld [tilespmem:s10+$0x70]  }
0x266: {  	v2 =	vadd.f32 v5, v2  }
0x267: {  	v5 =	vld [tilespmem:s10+$0xB0]  }
0x268: {  	v2 =	vadd.f32 v3, v2  }
0x269: {  	v3 =	vld [tilespmem:s10+$0xF0]  }
0x26a: {  	v2 =	vadd.f32 v4, v2  }
0x26b: {  	v4 =	vld [tilespmem:s10+$0x130]  }
0x26c: {  	v2 =	vadd.f32 v5, v2  }
0x26d: {  	v5 =	vld [tilespmem:s10+$0x170]  }
0x26e: {  	v2 =	vadd.f32 v3, v2  }
0x26f: {  	v3 =	vld [tilespmem:s10+$0x1B0]  }
0x270: {  	v2 =	vadd.f32 v4, v2;
	_ =	sdelay $0x1  }
0x271: {  	v4 =	vld [tilespmem:s10+$0x1F0];
	v2 =	vadd.f32 v5, v2;
	_ =	sdelay $0x1  }
0x272: {  	v5 =	vadd.f32 v3, v2;
	v3 =	vld [tilespmem:s10+$0x230];
	_ =	sdelay $0x1  }
0x273: {  	v2 =	vld [tilespmem:s10+$0x270]  }
0x274: {  	s21 =	simm.s32 $0x0;
	s1 =	simm.s32 $0x100;
	v4 =	vadd.f32 v4, v5  }
.LBB2_9:
0x275: {  	p0 =	sne.s32 s1, $0x1F00  }
0x276: {  	s10 =	sadd.s32 $0x500, s10;
	s25 =	smov.u32 s1;
	s1 =	sadd.s32 $0x100, s1;
	v3 =	vadd.f32 v3, v4  }
0x277: {  	_ = 	snop  }
0x278: {  	v2 =	vadd.f32 v2, v3;
	_ =	sdelay $0x1  }
0x279: {  	[tilespmem:s12+$0x15530] =	vst v2  }
0x27a: {  	v2 =	vld [tilespmem:s10+$0xFFFFFDC0]  }
0x27b: {  	v3 =	vld [tilespmem:s10+$0xFFFFFD80];
	_ =	sdelay $0x1  }
0x27c: {  	v4 =	vld [tilespmem:s10+$0xFFFFFE00];
	_ =	sdelay $0x1  }
0x27d: {  	v5 =	vld [tilespmem:s10+$0xFFFFFE40]  }
0x27e: {  	v2 =	vadd.f32 v2, v3  }
0x27f: {  	v3 =	vld [tilespmem:s10+$0xFFFFFE80]  }
0x280: {  	v2 =	vadd.f32 v4, v2  }
0x281: {  	v4 =	vld [tilespmem:s10+$0xFFFFFEC0]  }
0x282: {  	v2 =	vadd.f32 v5, v2  }
0x283: {  	v5 =	vld [tilespmem:s10+$0xFFFFFF00]  }
0x284: {  	v2 =	vadd.f32 v3, v2  }
0x285: {  	v3 =	vld [tilespmem:s10+$0xFFFFFF40]  }
0x286: {  	v2 =	vadd.f32 v4, v2  }
0x287: {  	v4 =	vld [tilespmem:s10+$0xFFFFFF80]  }
0x288: {  	v2 =	vadd.f32 v5, v2  }
0x289: {  	v5 =	vld [tilespmem:s10+$0xFFFFFFC0]  }
0x28a: {  	v2 =	vadd.f32 v3, v2  }
0x28b: {  	v3 =	vld [tilespmem:s10+$0x0]  }
0x28c: {  	v2 =	vadd.f32 v4, v2  }
0x28d: {  	v4 =	vld [tilespmem:s10+$0x40]  }
0x28e: {  	v2 =	vadd.f32 v5, v2  }
0x28f: {  	v5 =	vld [tilespmem:s10+$0x80]  }
0x290: {  	v2 =	vadd.f32 v3, v2  }
0x291: {  	v3 =	vld [tilespmem:s10+$0xC0]  }
0x292: {  	v2 =	vadd.f32 v4, v2  }
0x293: {  	v4 =	vld [tilespmem:s10+$0x100]  }
0x294: {  	v2 =	vadd.f32 v5, v2  }
0x295: {  	v5 =	vld [tilespmem:s10+$0x140]  }
0x296: {  	v2 =	vadd.f32 v3, v2  }
0x297: {  	v3 =	vld [tilespmem:s10+$0x180]  }
0x298: {  	v2 =	vadd.f32 v4, v2  }
0x299: {  	v4 =	vld [tilespmem:s10+$0x1C0]  }
0x29a: {  	v2 =	vadd.f32 v5, v2  }
0x29b: {  	v5 =	vld [tilespmem:s10+$0x200]  }
0x29c: {  	v2 =	vadd.f32 v3, v2  }
0x29d: {  	v3 =	vld [tilespmem:s10+$0x240]  }
0x29e: {  	v2 =	vadd.f32 v4, v2;
	_ =	sdelay $0x1  }
0x29f: {  	v2 =	vadd.f32 v5, v2;
	_ =	sdelay $0x1  }
0x2a0: {  	v2 =	vadd.f32 v3, v2  }
0x2a1: {  	s12 =	sshra.s32 s25, $0x2  }
0x2a2: {  	[tilespmem:s12+$0x15500] =	vst v2  }
0x2a3: {  	v2 =	vld [tilespmem:s10+$0xFFFFFD90]  }
0x2a4: {  	v3 =	vld [tilespmem:s10+$0xFFFFFDD0];
	_ =	sdelay $0x1  }
0x2a5: {  	v4 =	vld [tilespmem:s10+$0xFFFFFE10];
	_ =	sdelay $0x1  }
0x2a6: {  	v5 =	vld [tilespmem:s10+$0xFFFFFE50]  }
0x2a7: {  	v2 =	vadd.f32 v3, v2  }
0x2a8: {  	v3 =	vld [tilespmem:s10+$0xFFFFFE90]  }
0x2a9: {  	v2 =	vadd.f32 v4, v2  }
0x2aa: {  	v4 =	vld [tilespmem:s10+$0xFFFFFED0]  }
0x2ab: {  	v2 =	vadd.f32 v5, v2  }
0x2ac: {  	v5 =	vld [tilespmem:s10+$0xFFFFFF10]  }
0x2ad: {  	v2 =	vadd.f32 v3, v2  }
0x2ae: {  	v3 =	vld [tilespmem:s10+$0xFFFFFF50]  }
0x2af: {  	v2 =	vadd.f32 v4, v2  }
0x2b0: {  	v4 =	vld [tilespmem:s10+$0xFFFFFF90]  }
0x2b1: {  	v2 =	vadd.f32 v5, v2  }
0x2b2: {  	v5 =	vld [tilespmem:s10+$0xFFFFFFD0]  }
0x2b3: {  	v2 =	vadd.f32 v3, v2  }
0x2b4: {  	v3 =	vld [tilespmem:s10+$0x10]  }
0x2b5: {  	v2 =	vadd.f32 v4, v2  }
0x2b6: {  	v4 =	vld [tilespmem:s10+$0x50]  }
0x2b7: {  	v2 =	vadd.f32 v5, v2  }
0x2b8: {  	v5 =	vld [tilespmem:s10+$0x90]  }
0x2b9: {  	v2 =	vadd.f32 v3, v2  }
0x2ba: {  	v3 =	vld [tilespmem:s10+$0xD0]  }
0x2bb: {  	v2 =	vadd.f32 v4, v2  }
0x2bc: {  	v4 =	vld [tilespmem:s10+$0x110]  }
0x2bd: {  	v2 =	vadd.f32 v5, v2  }
0x2be: {  	v5 =	vld [tilespmem:s10+$0x150]  }
0x2bf: {  	v2 =	vadd.f32 v3, v2  }
0x2c0: {  	v3 =	vld [tilespmem:s10+$0x190]  }
0x2c1: {  	v2 =	vadd.f32 v4, v2  }
0x2c2: {  	v4 =	vld [tilespmem:s10+$0x1D0]  }
0x2c3: {  	v2 =	vadd.f32 v5, v2  }
0x2c4: {  	v5 =	vld [tilespmem:s10+$0x210]  }
0x2c5: {  	v2 =	vadd.f32 v3, v2  }
0x2c6: {  	v3 =	vld [tilespmem:s10+$0x250]  }
0x2c7: {  	v2 =	vadd.f32 v4, v2;
	_ =	sdelay $0x1  }
0x2c8: {  	v2 =	vadd.f32 v5, v2;
	_ =	sdelay $0x1  }
0x2c9: {  	v2 =	vadd.f32 v3, v2;
	_ =	sdelay $0x1  }
0x2ca: {  	[tilespmem:s12+$0x15510] =	vst v2  }
0x2cb: {  	v2 =	vld [tilespmem:s10+$0xFFFFFDA0]  }
0x2cc: {  	v3 =	vld [tilespmem:s10+$0xFFFFFDE0];
	_ =	sdelay $0x1  }
0x2cd: {  	v4 =	vld [tilespmem:s10+$0xFFFFFE20];
	_ =	sdelay $0x1  }
0x2ce: {  	v5 =	vld [tilespmem:s10+$0xFFFFFE60]  }
0x2cf: {  	v2 =	vadd.f32 v3, v2  }
0x2d0: {  	v3 =	vld [tilespmem:s10+$0xFFFFFEA0]  }
0x2d1: {  	v2 =	vadd.f32 v4, v2  }
0x2d2: {  	v4 =	vld [tilespmem:s10+$0xFFFFFEE0]  }
0x2d3: {  	v2 =	vadd.f32 v5, v2  }
0x2d4: {  	v5 =	vld [tilespmem:s10+$0xFFFFFF20]  }
0x2d5: {  	v2 =	vadd.f32 v3, v2  }
0x2d6: {  	v3 =	vld [tilespmem:s10+$0xFFFFFF60]  }
0x2d7: {  	v2 =	vadd.f32 v4, v2  }
0x2d8: {  	v4 =	vld [tilespmem:s10+$0xFFFFFFA0]  }
0x2d9: {  	v2 =	vadd.f32 v5, v2  }
0x2da: {  	v5 =	vld [tilespmem:s10+$0xFFFFFFE0]  }
0x2db: {  	v2 =	vadd.f32 v3, v2  }
0x2dc: {  	v3 =	vld [tilespmem:s10+$0x20]  }
0x2dd: {  	v2 =	vadd.f32 v4, v2  }
0x2de: {  	v4 =	vld [tilespmem:s10+$0x60]  }
0x2df: {  	v2 =	vadd.f32 v5, v2  }
0x2e0: {  	v5 =	vld [tilespmem:s10+$0xA0]  }
0x2e1: {  	v2 =	vadd.f32 v3, v2  }
0x2e2: {  	v3 =	vld [tilespmem:s10+$0xE0]  }
0x2e3: {  	v2 =	vadd.f32 v4, v2  }
0x2e4: {  	v4 =	vld [tilespmem:s10+$0x120]  }
0x2e5: {  	v2 =	vadd.f32 v5, v2  }
0x2e6: {  	v5 =	vld [tilespmem:s10+$0x160]  }
0x2e7: {  	v2 =	vadd.f32 v3, v2  }
0x2e8: {  	v3 =	vld [tilespmem:s10+$0x1A0]  }
0x2e9: {  	v2 =	vadd.f32 v4, v2  }
0x2ea: {  	v4 =	vld [tilespmem:s10+$0x1E0]  }
0x2eb: {  	v2 =	vadd.f32 v5, v2  }
0x2ec: {  	v5 =	vld [tilespmem:s10+$0x220]  }
0x2ed: {  	v2 =	vadd.f32 v3, v2  }
0x2ee: {  	v3 =	vld [tilespmem:s10+$0x260]  }
0x2ef: {  	v2 =	vadd.f32 v4, v2;
	_ =	sdelay $0x1  }
0x2f0: {  	v2 =	vadd.f32 v5, v2;
	_ =	sdelay $0x1  }
0x2f1: {  	v2 =	vadd.f32 v3, v2;
	_ =	sdelay $0x1  }
0x2f2: {  	[tilespmem:s12+$0x15520] =	vst v2  }
0x2f3: {  	v2 =	vld [tilespmem:s10+$0xFFFFFDB0]  }
0x2f4: {  	v3 =	vld [tilespmem:s10+$0xFFFFFDF0]  }
0x2f5: {  	v4 =	vld [tilespmem:s10+$0xFFFFFE30]  }
0x2f6: {  	v5 =	vld [tilespmem:s10+$0xFFFFFE70]  }
0x2f7: {  	v6 =	vld [tilespmem:s10+$0xFFFFFEB0]  }
0x2f8: {  	v7 =	vld [tilespmem:s10+$0xFFFFFEF0]  }
0x2f9: {  	v2 =	vadd.f32 v3, v2;
	v3 =	vld [tilespmem:s10+$0xFFFFFF30]  }
0x2fa: {  	v8 =	vld [tilespmem:s10+$0xFFFFFF70]  }
0x2fb: {  	v2 =	vadd.f32 v4, v2;
	v4 =	vld [tilespmem:s10+$0xFFFFFFB0]  }
0x2fc: {  	v9 =	vld [tilespmem:s10+$0xFFFFFFF0]  }
0x2fd: {  	v2 =	vadd.f32 v5, v2;
	v5 =	vld [tilespmem:s10+$0x30]  }
0x2fe: {  	v10 =	vld [tilespmem:s10+$0x70]  }
0x2ff: {  	v2 =	vadd.f32 v6, v2;
	v6 =	vld [tilespmem:s10+$0xB0]  }
0x300: {  	v11 =	vld [tilespmem:s10+$0xF0]  }
0x301: {  	v2 =	vadd.f32 v7, v2;
	v7 =	vld [tilespmem:s10+$0x130]  }
0x302: {  	v12 =	vld [tilespmem:s10+$0x170]  }
0x303: {  	v2 =	vadd.f32 v3, v2;
	v13 =	vld [tilespmem:s10+$0x1B0]  }
0x304: {  	v14 =	vld [tilespmem:s10+$0x1F0]  }
0x305: {  	v8 =	vadd.f32 v8, v2;
	v3 =	vld [tilespmem:s10+$0x230]  }
0x306: {  	v2 =	vld [tilespmem:s10+$0x270]  }
0x307: {  	v4 =	vadd.f32 v4, v8;
	_ =	sdelay $0x1  }
0x308: {  	v4 =	vadd.f32 v9, v4;
	_ =	sdelay $0x1  }
0x309: {  	v4 =	vadd.f32 v5, v4;
	_ =	sdelay $0x1  }
0x30a: {  	v4 =	vadd.f32 v10, v4;
	_ =	sdelay $0x1  }
0x30b: {  	v4 =	vadd.f32 v6, v4;
	_ =	sdelay $0x1  }
0x30c: {  	v4 =	vadd.f32 v11, v4;
	_ =	sdelay $0x1  }
0x30d: {  	v4 =	vadd.f32 v7, v4;
	_ =	sdelay $0x1  }
.Ltmp3:
0x30e: {  	v4 =	vadd.f32 v12, v4;
	(pc) =	sbr.rel @p0 .LBB2_9-.Ltmp3, $3  }
0x30f: {  	_ = 	snop  }
0x310: {  	v4 =	vadd.f32 v13, v4;
	_ =	sdelay $0x1  }
0x311: {  	v4 =	vadd.f32 v14, v4  }
0x312: {  	v5 =	vmov s21  }
0x313: {  	v5 =	vand.u32 $0x3F, v5  }
0x314: {  	v5 =	vbroadcast v5, $0x0;
	_ =	sdelay $0x1  }
0x315: {  	s1 =	simm.s32 $0x1;
	v3 =	vadd.f32 v3, v4;
	v4 =	vor.u32 v0, v5  }
0x316: {  	v5 =	vmov s1  }
0x317: {  	v2 =	vadd.f32 v2, v3;
	v3 =	vand.u32 $0x3F, v5  }
0x318: {  	v3 =	vbroadcast v3, $0x0  }
0x319: {  	[tilespmem:s12+$0x15530] =	vst v2  }
0x31a: {  	v7 =	vor.u32 v0, v3;
	v6 =	vld.idx.msk [tilespmem:v4+s18+$0x0], $0xffff  }
0x31b: {  	s25 =	simm.s32 $0x2;
	v8 =	vld.idx.msk [tilespmem:v4+s16+$0x0], $0xffff  }
0x31c: {  	v2 =	vmov s25  }
0x31d: {  	v2 =	vand.u32 $0x3F, v2  }
0x31e: {  	v4 =	vbroadcast v2, $0x0  }
0x31f: {  	v2 =	vld.idx.msk [tilespmem:v7+s18+$0x0], $0xffff  }
0x320: {  	s1 =	simm.s32 $0x3;
	v3 =	vimm.f32 $0.0e+00;
	v5 =	vor.u32 v0, v4;
	v4 =	vld.idx.msk [tilespmem:v7+s16+$0x0], $0xffff;
	v6 =	vmul.f32 v8, v6  }
.LBB2_11:
0x321: {  	p0 =	sne.s32 s1, $0x3F  }
.Ltmp4:
0x322: {  	v7 =	vmov s1;
	v3 =	vadd.f32 v6, v3;
	(pc) =	sbr.rel @p0 .LBB2_11-.Ltmp4, $4  }
0x323: {  	s1 =	sadd.s32 $0x1, s1;
	v8 =	vand.u32 $0x3F, v7  }
0x324: {  	v7 =	vbroadcast v8, $0x0  }
0x325: {  	v6 =	vmov v2;
	v2 =	vld.idx.msk [tilespmem:v5+s18+$0x0], $0xffff  }
0x326: {  	v6 =	vmul.f32 v4, v6;
	v4 =	vld.idx.msk [tilespmem:v5+s16+$0x0], $0xffff;
	v5 =	vor.u32 v0, v7  }
0x327: {  	_ =	sdelay $0x3  }
0x328: {  	v7 =	vld.idx.msk [tilespmem:v5+s18+$0x0], $0xffff  }
0x329: {  	v5 =	vld.idx.msk [tilespmem:v5+s16+$0x0], $0xffff;
	s1 =	simm.s32 $0x0  }
0x32a: {  	v8 =	vmov s1  }
0x32b: {  	v8 =	vand.u32 $0x3F, v8  }
0x32c: {  	v3 =	vadd.f32 v6, v3;
	v2 =	vmul.f32 v4, v2;
	v4 =	vbroadcast v8, $0x0;
	_ =	sdelay $0x1  }
0x32d: {  	s21 =	simm.s32 $0x1;
	v2 =	vadd.f32 v2, v3;
	v3 =	vmul.f32 v5, v7;
	v4 =	vor.u32 v1, v4  }
0x32e: {  	v5 =	vmov s21  }
0x32f: {  	v2 =	vadd.f32 v3, v2;
	v3 =	vand.u32 $0x3F, v5  }
0x330: {  	v3 =	vbroadcast v3, $0x0  }
0x331: {  	[tilespmem:$0x15D20] =	vst v2  }
0x332: {  	v7 =	vld.idx.msk [tilespmem:v4+s18+$0x0], $0xffff;
	v5 =	vor.u32 v1, v3  }
0x333: {  	s25 =	simm.s32 $0x2;
	v8 =	vld.idx.msk [tilespmem:v4+s16+$0x0], $0xffff  }
0x334: {  	v3 =	vmov s25  }
0x335: {  	v3 =	vand.u32 $0x3F, v3  }
0x336: {  	v6 =	vbroadcast v3, $0x0  }
0x337: {  	v3 =	vld.idx.msk [tilespmem:v5+s18+$0x0], $0xffff  }
0x338: {  	s1 =	simm.s32 $0x3;
	v4 =	vimm.f32 $0.0e+00;
	v6 =	vor.u32 v1, v6;
	v5 =	vld.idx.msk [tilespmem:v5+s16+$0x0], $0xffff;
	v7 =	vmul.f32 v8, v7  }
.LBB2_13:
0x339: {  	p0 =	sne.s32 s1, $0x3F  }
.Ltmp5:
0x33a: {  	v8 =	vmov s1;
	v4 =	vadd.f32 v7, v4;
	(pc) =	sbr.rel @p0 .LBB2_13-.Ltmp5, $4  }
0x33b: {  	s1 =	sadd.s32 $0x1, s1;
	v9 =	vand.u32 $0x3F, v8  }
0x33c: {  	v8 =	vbroadcast v9, $0x0  }
0x33d: {  	v7 =	vmov v3;
	v3 =	vld.idx.msk [tilespmem:v6+s18+$0x0], $0xffff  }
0x33e: {  	v7 =	vmul.f32 v5, v7;
	v5 =	vld.idx.msk [tilespmem:v6+s16+$0x0], $0xffff;
	v6 =	vor.u32 v1, v8  }
0x33f: {  	v8 =	vld [tilespmem:$0x15D00];
	_ =	sdelay $0x4  }
0x340: {  	v9 =	vand.u32 $0x7FFFFFFF, v8  }
0x341: {  	v9 =	vsub.f32 $0.0e+00, v9;
	_ =	sdelay $0x1  }
0x342: {  	v9 =	vmul.f32 $1.442695020e+00, v9;
	_ =	sdelay $0x1  }
0x343: {  	(erf) = vpow2.f32 v9;
	_ =	sdelay $0x5  }
0x344: {  	v2 =	vsub.f32 $0.0e+00, v2;
	_ =	sdelay $0x1  }
0x345: {  	v37 =	vand.u32 $0x7FFFFFFF, v2  }
0x346: {  	v9 =	vsub.f32 $0.0e+00, v37;
	v10 =	vpop (erf)  }
0x347: {  	v11 =	vadd.f32 $2.000000000e+00, v10  }
0x348: {  	v9 =	vmul.f32 $1.442695020e+00, v9  }
0x349: {  	(erf) = vrcp.f32 v11  }
0x34a: {  	(erf) = vpow2.f32 v9;
	_ =	sdelay $0x1  }
0x34b: {  	v38 =	vld.idx.msk [tilespmem:v6+s18+$0x0], $0xffff  }
0x34c: {  	v39 =	vld [tilespmem:$0x15D10]  }
0x34d: {  	v40 =	vld.idx.msk [tilespmem:v6+s16+$0x0], $0xffff;
	_ =	sdelay $0x2  }
0x34e: {  	v4 =	vadd.f32 v7, v4;
	v3 =	vmul.f32 v5, v3  }
0x34f: {  	v42 =	vand.u32 $0x7FFFFFFF, v39;
	v41 =	vpop (erf)  }
0x350: {  	v43 =	vmul.f32 v40, v38;
	v3 =	vadd.f32 v3, v4;
	v7 =	vsub.f32 $0.0e+00, v42;
	v44 =	vpop (erf)  }
0x351: {  	v45 =	vadd.f32 $2.000000000e+00, v44  }
0x352: {  	v3 =	vadd.f32 v43, v3;
	v46 =	vmul.f32 $1.442695020e+00, v7  }
0x353: {  	(erf) = vrcp.f32 v45  }
0x354: {  	[tilespmem:$0x15D30] =	vst v3;
	(erf) = vpow2.f32 v46  }
0x355: {  	v3 =	vld [tilespmem:$0x15D30];
	_ =	sdelay $0x4  }
0x356: {  	v3 =	vsub.f32 $0.0e+00, v3;
	_ =	sdelay $0x1  }
0x357: {  	v48 =	vand.u32 $0x7FFFFFFF, v3;
	v47 =	vpop (erf)  }
0x358: {  	v7 =	vsub.f32 $0.0e+00, v48;
	v49 =	vpop (erf)  }
0x359: {  	v12 =	vadd.f32 $2.000000000e+00, v49  }
0x35a: {  	v7 =	vmul.f32 $1.442695020e+00, v7  }
0x35b: {  	(erf) = vrcp.f32 v12  }
0x35c: {  	(erf) = vpow2.f32 v7;
	_ =	sdelay $0x7  }
0x35d: {  	v50 =	vpop (erf)  }
0x35e: {  	v51 =	vpop (erf)  }
0x35f: {  	v13 =	vadd.f32 $2.000000000e+00, v51;
	_ =	sdelay $0x1  }
0x360: {  	(erf) = vrcp.f32 v13;
	_ =	sdelay $0x6  }
0x361: {  	v5 =	vmul.f32 v41, v10;
	_ =	sdelay $0x1  }
0x362: {  	v52 =	vmul.f32 v5, v5;
	v4 =	vmul.f32 v47, v44;
	v53 =	vpop (erf)  }
0x363: {  	v7 =	vmul.f32 v50, v49;
	v9 =	vmul.f32 v53, v51  }
0x364: {  	v55 =	vmul.f32 $1.111111120e-01, v52;
	v54 =	vmul.f32 v4, v4  }
0x365: {  	v56 =	vmul.f32 v7, v7;
	v15 =	vmul.f32 v9, v9  }
0x366: {  	v12 =	vadd.f32 $1.428571490e-01, v55;
	v14 =	vmul.f32 $1.111111120e-01, v54  }
0x367: {  	v16 =	vmul.f32 $1.111111120e-01, v56;
	v17 =	vmul.f32 $1.111111120e-01, v15  }
0x368: {  	v12 =	vmul.f32 v12, v52;
	v14 =	vadd.f32 $1.428571490e-01, v14  }
0x369: {  	v16 =	vadd.f32 $1.428571490e-01, v16;
	v17 =	vadd.f32 $1.428571490e-01, v17  }
0x36a: {  	v12 =	vadd.f32 $2.000000030e-01, v12;
	v14 =	vmul.f32 v14, v54  }
0x36b: {  	v16 =	vmul.f32 v16, v56;
	v17 =	vmul.f32 v17, v15  }
0x36c: {  	v12 =	vmul.f32 v12, v52;
	v14 =	vadd.f32 $2.000000030e-01, v14  }
0x36d: {  	v16 =	vadd.f32 $2.000000030e-01, v16;
	v17 =	vadd.f32 $2.000000030e-01, v17  }
0x36e: {  	v12 =	vadd.f32 $3.333333430e-01, v12;
	v14 =	vmul.f32 v14, v54  }
0x36f: {  	v16 =	vmul.f32 v16, v56;
	v17 =	vmul.f32 v17, v15  }
0x370: {  	v5 =	vadd.f32 v5, v5;
	v6 =	vmul.f32 v12, v52;
	v14 =	vadd.f32 $3.333333430e-01, v14  }
0x371: {  	v57 =	vadd.f32 $3.333333430e-01, v16;
	v58 =	vadd.f32 $3.333333430e-01, v17  }
0x372: {  	v4 =	vadd.f32 v4, v4;
	v6 =	vadd.f32 $1.000000000e+00, v6;
	v10 =	vmul.f32 v14, v54  }
0x373: {  	v7 =	vadd.f32 v7, v7;
	v12 =	vmul.f32 v57, v56;
	v59 =	vmul.f32 v58, v15  }
0x374: {  	v10 =	vadd.f32 $1.000000000e+00, v10;
	v9 =	vadd.f32 v9, v9  }
0x375: {  	v2 =	vmin.f32 v2, $0.0e+00;
	v60 =	vadd.f32 $1.000000000e+00, v12;
	v61 =	vadd.f32 $1.000000000e+00, v59  }
0x376: {  	v8 =	vmin.f32 v8, $0.0e+00;
	v5 =	vmul.f32 v6, v5;
	v4 =	vmul.f32 v10, v4  }
0x377: {  	v63 =	vmin.f32 v39, $0.0e+00;
	v6 =	vmul.f32 v60, v7;
	v62 =	vmul.f32 v61, v9  }
0x378: {  	v3 =	vmin.f32 v3, $0.0e+00;
	v5 =	vsub.f32 v8, v5;
	v2 =	vsub.f32 v2, v4  }
0x379: {  	v4 =	vsub.f32 v63, v6;
	v3 =	vsub.f32 v3, v62  }
0x37a: {  	v2 =	vadd.f32 v5, v2  }
0x37b: {  	v3 =	vadd.f32 v3, v4  }
0x37c: {  	v2 =	vsub.f32 $0.0e+00, v2  }
0x37d: {  	v3 =	vsub.f32 $0.0e+00, v3  }
0x37e: {  	s1 =	sshrl.u32 s22, $0x3;
	s10 =	rddreg [dreg:$0x1];
	p0 =	sne.s32 s11, $0x10;
	[tilespmem:$0x15D40] =	vst v2  }
.Ltmp6:
0x37f: {  	s1 =	sadd.s32 s10, s1;
	[tilespmem:$0x15D50] =	vst v3;
	(pc) =	sbr.rel @p0 .LBB2_2-.Ltmp6, $4  }
0x380: {  	[hbm4b:s1+s2] =	stream.linear.scatter [tilespmem:s20], [sflag:$0x3], $0x20, $0x38;
	[tilespmem:$0x15D60] =	vst v63  }
0x381: {  	_ =	swait.ge [sflag:s13], $0x20  }
0x382: {  	[sflag:s13] =	ssyncset.done $0x0  }
0x383: {  	s10 =	smov.u32 s11;
	[sflag:s13] =	ssyncadd.s32 $0xFFFFFFE0  }
0x384: {  	s10 =	rddreg [dreg:$0x6]  }
0x385: {  	s1 =	rddreg [dreg:$0x5];
	s10 =	sadd.s32 $0x1, s10  }
0x386: {  	p0 =	sne.s32 s10, s1  }
.Ltmp7:
0x387: {  	_ = 	snop;
	(pc) =	sbr.rel @p0 .LBB2_1-.Ltmp7, $1  }
0x388: {  	_ =	sdelay $0x3  }
0x389: {  	_ =	sfence.sel $0x180000  }
0x38a: {  	[bflag:$0x0] =	sbarrier.arrive $0xFFFF  }
0x38b: {  	_ =	strace $0x9000004D  }
0x38c: {  	s0 =	stileid.u32;
	[bflag:$0x2] =	sbarrier.arrive $0xFFFF  }
0x38d: {  	p0 =	sne.s32 s0, $0x0;
	s0 =	rddreg [dreg:$0x2]  }
0x38e: {  	s0 =	sadd.s32 @!p0 $0x100000, s0  }
0x38f: {  	[sflag:s0] =	ssyncadd.tile.s32 @!p0 $0x1;
	_ =	shalt  }
.Lfunc_end2:
_tile_overlayer_lowered:
.L_overlay_start_2:
0x390: {  	(tag) =	ssettag $0x2  }
0x391: {  	s0 =	rddreg [dreg:$0x0];
	s2 =	stileid.u32  }
0x392: {  	s1 =	rddreg [dreg:$0x1];
	p0 =	sne.s32 s2, $0x0  }
0x393: {  	s3 =	rddreg [dreg:$0x2];
	[bflag:$0x3] =	sbarrier.arrive $0xFFFF;
	s2 =	simm.s32 @!p0 $0x1C03  }
0x394: {  	[timem:s3], [sflag:s2] =	dma.local @!p0 [hbm:s0], s1  }
0x395: {  	s0 =	simm.s32 @!p0 $0x3  }
0x396: {  	_ =	swait.ge @!p0 [sflag:s0], s1  }
0x397: {  	s1 =	ssub.s32 @!p0 $0x0, s1;
	[sflag:s0] =	ssyncset.done @!p0 $0x0  }
0x398: {  	[sflag:s0] =	ssyncadd.s32 @!p0 s1  }
0x399: {  	[bflag:$0x3] =	sbarrier.arrive $0xFFFF  }
0x39a: {  	_ =	shalt  }

</sc_bundles>
